<compile_context>
chip_gen: v7x
topology: tpu7x:2x2x1
jax: 0.10.2.dev20260603
libtpu: 0.0.44.dev20260713+nightly
codegen_flags: <defaults>
</compile_context>

<pallas_src>
import jax
import jax.numpy as jnp
from jax import lax
from jax.experimental import pallas as pl
from jax.experimental.pallas import tpu as pltpu
from jax.experimental.pallas import tpu_sc as plsc

N = 320000
D_FEAT = 128
BATCH = 32

NUM_CORES = 2
NUM_SUBCORES = 16
ROWS_PER_CORE = N // NUM_CORES

CHUNK = 128
SUB = 128
SUBS_PER_CHUNK = CHUNK // SUB
CHUNKS_PER_CORE = ROWS_PER_CORE // CHUNK
BASE_CHUNKS = CHUNKS_PER_CORE // NUM_SUBCORES
EXTRA = CHUNKS_PER_CORE - BASE_CHUNKS * NUM_SUBCORES
NBUF = 6


def _body(feat_hbm, idx_hbm, sums_hbm, cnts_hbm,
          rows_v, idx_v, zeros_v, cnt_local, iota32, acc_sh, cnt_sh,
          ldsem, scsem):
    c = lax.axis_index("c")
    s = lax.axis_index("s")

    zero = jnp.zeros((16,), jnp.float32)
    ones16 = jnp.full((16,), 1.0, jnp.float32)
    lane = lax.iota(jnp.int32, 16)

    for i in range(BATCH):
        cnt_local[i, :] = zero
    iota32[pl.ds(0, 16)] = lane
    iota32[pl.ds(16, 16)] = lane + 16

    @pl.when(s == 0)
    def _init():
        for i in range(BATCH):
            for j in range(D_FEAT // 16):
                zeros_v[i, pl.ds(16 * j, 16)] = zero
        pltpu.sync_copy(zeros_v, acc_sh)
        pltpu.sync_copy(zeros_v.at[:, pl.ds(0, 16)], cnt_sh)

    plsc.subcore_barrier()

    base = s * BASE_CHUNKS + jnp.maximum(s - (NUM_SUBCORES - EXTRA), 0)
    nch = BASE_CHUNKS + jnp.where(s >= NUM_SUBCORES - EXTRA, 1, 0)

    def _load_slices(ch, b):
        r0 = c * ROWS_PER_CORE + ch * CHUNK
        return (
            (feat_hbm.at[pl.ds(r0, CHUNK)], rows_v.at[b]),
            (idx_hbm.at[pl.ds(r0 // SUB, SUBS_PER_CHUNK)], idx_v.at[b]),
        )

    def _issue_loads(ch, b):
        for src, dst in _load_slices(ch, b):
            pltpu.async_copy(src, dst, ldsem)

    def _wait_loads(ch, b):
        for src, dst in _load_slices(ch, b):
            pltpu.make_async_copy(src, dst, ldsem).wait()

    def _scatter_copies(b):
        for j in range(SUBS_PER_CHUNK):
            yield (rows_v.at[b, pl.ds(j * SUB, SUB)], acc_sh.at[idx_v.at[b, j]])

    def _issue_scatters(b):
        for src, dst in _scatter_copies(b):
            pltpu.async_copy(src, dst, scsem, add=True)

    def _drain_scatters(b):
        for src, dst in _scatter_copies(b):
            pltpu.make_async_copy(src, dst, scsem).wait()

    for i in range(NBUF - 1):
        _issue_loads(base + i, i)

    def chunk_body(k, carry):
        b = lax.rem(k, NBUF)
        bn = lax.rem(k + NBUF - 1, NBUF)
        ch = base + k
        _wait_loads(ch, b)

        for j in range(SUBS_PER_CHUNK):
            for g in range(SUB // 16):
                v = idx_v[b, j, pl.ds(16 * g, 16)]
                plsc.addupdate_scatter(cnt_local, [v, lane], ones16)

        @pl.when(k > 0)
        def _drain_prev():
            _drain_scatters(bn)

        @pl.when(k + NBUF - 1 < nch)
        def _prefetch():
            _issue_loads(ch + NBUF - 1, bn)

        _issue_scatters(b)
        return carry

    lax.fori_loop(0, nch, chunk_body, 0)
    _drain_scatters(lax.rem(nch - 1, NBUF))

    pltpu.sync_copy(cnt_local, cnt_sh.at[iota32], add=True)

    plsc.subcore_barrier()

    @pl.when(s == 0)
    def _publish():
        pltpu.sync_copy(acc_sh, sums_hbm.at[c])
        pltpu.sync_copy(cnt_sh, cnts_hbm.at[c])


def _combine_body(sums_ref, cnts_ref, out_ref):
    sums = sums_ref[0] + sums_ref[1]
    cnts = cnts_ref[0] + cnts_ref[1]
    denom = jnp.maximum(jnp.sum(cnts, axis=1, keepdims=True), 1.0)
    out_ref[...] = sums / denom


def kernel(features, batch_idx):
    idx2d = batch_idx.astype(jnp.int32).reshape(N // SUB, SUB)
    mesh = plsc.VectorSubcoreMesh(core_axis_name="c", subcore_axis_name="s")
    run = pl.kernel(
        _body,
        out_type=(
            jax.ShapeDtypeStruct((NUM_CORES, BATCH, D_FEAT), jnp.float32),
            jax.ShapeDtypeStruct((NUM_CORES, BATCH, 16), jnp.float32),
        ),
        mesh=mesh,
        compiler_params=pltpu.CompilerParams(use_tc_tiling_on_sc=False, needs_layout_passes=False),
        scratch_types=[
            pltpu.VMEM((NBUF, CHUNK, D_FEAT), jnp.float32),
            pltpu.VMEM((NBUF, SUBS_PER_CHUNK, SUB), jnp.int32),
            pltpu.VMEM((BATCH, D_FEAT), jnp.float32),
            pltpu.VMEM((BATCH, 16), jnp.float32),
            pltpu.VMEM((BATCH,), jnp.int32),
            pltpu.VMEM_SHARED((BATCH, D_FEAT), jnp.float32),
            pltpu.VMEM_SHARED((BATCH, 16), jnp.float32),
            pltpu.SemaphoreType.DMA,
            pltpu.SemaphoreType.DMA,
        ],
    )
    sums, cnts = run(features, idx2d)
    return pl.pallas_call(
        _combine_body,
        out_shape=jax.ShapeDtypeStruct((BATCH, D_FEAT), jnp.float32),
    )(sums, cnts)

# --- scband reference (transcript-rebuilt; emitter-appended) ---
"""Pipeline reference for scband-sparse-global-avg-pooling-27762668601802 (READ-ONLY COPY).

The authoritative reference and input builder live on the scoring server;
editing this copy changes nothing except your own understanding.
"""

import jax, jax.numpy as jnp
import numpy as np

N = 320000
D_FEAT = 128
BATCH_SIZE = 32


def setup_inputs(seed: int = 0) -> dict:
    key = jax.random.key(seed)
    k1, k2 = jax.random.split(key)
    features = jax.random.normal(k1, (N, D_FEAT), dtype=jnp.float32)
    # batch index per point, sorted (points of the same cloud are contiguous,
    # as they would be in a MinkowskiEngine SparseTensor)
    batch_idx = jnp.sort(jax.random.randint(k2, (N,), 0, BATCH_SIZE, dtype=jnp.int64))
    return {"features": features, "batch_idx": batch_idx}


def reference(features, batch_idx):
    # SparseGlobalAvgPooling: reduce each point cloud (identified by its batch
    # index) to a single point at the origin, averaging its features.
    # out[b] = mean_{i : batch_idx[i]==b} features[i]
    sums = jax.ops.segment_sum(features, batch_idx, num_segments=BATCH_SIZE)
    num_nonzero = jax.ops.segment_sum(
        jnp.ones((features.shape[0],), dtype=features.dtype),
        batch_idx,
        num_segments=BATCH_SIZE,
    )
    out = sums / jnp.maximum(num_nonzero, 1.0)[:, None]
    return out

if __name__ == "__main__":
    import jax
    _d = setup_inputs()
    print(jax.jit(kernel)(*tuple(_d.values())))

</pallas_src>

<mosaic_0001>
#map = affine_map<(d0, d1) -> (0, 0)>
#map1 = affine_map<(d0, d1) -> (0, 0, 0)>
module attributes {stable_mosaic.version = 14 : i64} {
  func.func @_body(%arg0: i32, %arg1: i32, %arg2: memref<320000x128xf32, #tpu.memory_space<hbm>>, %arg3: memref<2500x128xi32, #tpu.memory_space<hbm>>, %arg4: memref<2x32x128xf32, #tpu.memory_space<hbm>>, %arg5: memref<2x32x16xf32, #tpu.memory_space<hbm>>, %arg6: memref<6x128x128xf32, #tpu.memory_space<vmem>>, %arg7: memref<6x1x128xi32, #tpu.memory_space<vmem>>, %arg8: memref<32x128xf32, #tpu.memory_space<vmem>>, %arg9: memref<32x16xf32, #tpu.memory_space<vmem>>, %arg10: memref<32xi32, #tpu.memory_space<vmem>>, %arg11: memref<32x128xf32, #tpu.memory_space<vmem_shared>>, %arg12: memref<32x16xf32, #tpu.memory_space<vmem_shared>>, %arg13: memref<!tpu.dma_semaphore, #tpu.memory_space<semaphore_mem>>, %arg14: memref<!tpu.dma_semaphore, #tpu.memory_space<semaphore_mem>>) attributes {dimension_semantics = [#tpu.dimension_semantics<core_parallel>, #tpu.dimension_semantics<subcore_parallel>], iteration_bounds = array<i64: 2, 16>, scalar_prefetch = 0 : i64, scratch_operands = 9 : i64, tpu.core_type = #tpu.core_type<sc_vector_subcore>, window_params = [{transform_indices = #map}, {transform_indices = #map}, {transform_indices = #map1}, {transform_indices = #map1}]} {
    %broadcast_in_dim3A = arith.constant 0.000000e+00 : f32
    %broadcast_in_dim3A_0 = vector.broadcast %broadcast_in_dim3A : f32 to vector<16xf32>
    %broadcast_in_dim3A_1 = arith.constant 1.000000e+00 : f32
    %broadcast_in_dim3A_2 = vector.broadcast %broadcast_in_dim3A_1 : f32 to vector<16xf32>
    %iota3A = tpu.iota {dimensions = array<i32: 0>} : vector<16xi32>
    %swap3A = arith.constant 0 : i32
    %swap3A_3 = arith.index_cast %swap3A : i32 to index
    %swap3A_4 = arith.constant 0 : index
    %swap3A_5 = tpu.vector_load %arg9[%swap3A_3, %swap3A_4] {strides = array<i32>} : memref<32x16xf32, #tpu.memory_space<vmem>>, vector<16xf32>,
    tpu.vector_store %arg9[%swap3A_3, %swap3A_4], %broadcast_in_dim3A_0 {strides = array<i32>} : memref<32x16xf32, #tpu.memory_space<vmem>>, vector<16xf32>,
    %swap3A_6 = arith.constant 1 : i32
    %swap3A_7 = arith.index_cast %swap3A_6 : i32 to index
    %swap3A_8 = arith.constant 0 : index
    %swap3A_9 = tpu.vector_load %arg9[%swap3A_7, %swap3A_8] {strides = array<i32>} : memref<32x16xf32, #tpu.memory_space<vmem>>, vector<16xf32>,
    tpu.vector_store %arg9[%swap3A_7, %swap3A_8], %broadcast_in_dim3A_0 {strides = array<i32>} : memref<32x16xf32, #tpu.memory_space<vmem>>, vector<16xf32>,
    %swap3A_10 = arith.constant 2 : i32
    %swap3A_11 = arith.index_cast %swap3A_10 : i32 to index
    %swap3A_12 = arith.constant 0 : index
    %swap3A_13 = tpu.vector_load %arg9[%swap3A_11, %swap3A_12] {strides = array<i32>} : memref<32x16xf32, #tpu.memory_space<vmem>>, vector<16xf32>,
    tpu.vector_store %arg9[%swap3A_11, %swap3A_12], %broadcast_in_dim3A_0 {strides = array<i32>} : memref<32x16xf32, #tpu.memory_space<vmem>>, vector<16xf32>,
    %swap3A_14 = arith.constant 3 : i32
    %swap3A_15 = arith.index_cast %swap3A_14 : i32 to index
    %swap3A_16 = arith.constant 0 : index
    %swap3A_17 = tpu.vector_load %arg9[%swap3A_15, %swap3A_16] {strides = array<i32>} : memref<32x16xf32, #tpu.memory_space<vmem>>, vector<16xf32>,
    tpu.vector_store %arg9[%swap3A_15, %swap3A_16], %broadcast_in_dim3A_0 {strides = array<i32>} : memref<32x16xf32, #tpu.memory_space<vmem>>, vector<16xf32>,
    %swap3A_18 = arith.constant 4 : i32
    %swap3A_19 = arith.index_cast %swap3A_18 : i32 to index
    %swap3A_20 = arith.constant 0 : index
    %swap3A_21 = tpu.vector_load %arg9[%swap3A_19, %swap3A_20] {strides = array<i32>} : memref<32x16xf32, #tpu.memory_space<vmem>>, vector<16xf32>,
    tpu.vector_store %arg9[%swap3A_19, %swap3A_20], %broadcast_in_dim3A_0 {strides = array<i32>} : memref<32x16xf32, #tpu.memory_space<vmem>>, vector<16xf32>,
    %swap3A_22 = arith.constant 5 : i32
    %swap3A_23 = arith.index_cast %swap3A_22 : i32 to index
    %swap3A_24 = arith.constant 0 : index
    %swap3A_25 = tpu.vector_load %arg9[%swap3A_23, %swap3A_24] {strides = array<i32>} : memref<32x16xf32, #tpu.memory_space<vmem>>, vector<16xf32>,
    tpu.vector_store %arg9[%swap3A_23, %swap3A_24], %broadcast_in_dim3A_0 {strides = array<i32>} : memref<32x16xf32, #tpu.memory_space<vmem>>, vector<16xf32>,
    %swap3A_26 = arith.constant 6 : i32
    %swap3A_27 = arith.index_cast %swap3A_26 : i32 to index
    %swap3A_28 = arith.constant 0 : index
    %swap3A_29 = tpu.vector_load %arg9[%swap3A_27, %swap3A_28] {strides = array<i32>} : memref<32x16xf32, #tpu.memory_space<vmem>>, vector<16xf32>,
    tpu.vector_store %arg9[%swap3A_27, %swap3A_28], %broadcast_in_dim3A_0 {strides = array<i32>} : memref<32x16xf32, #tpu.memory_space<vmem>>, vector<16xf32>,
    %swap3A_30 = arith.constant 7 : i32
    %swap3A_31 = arith.index_cast %swap3A_30 : i32 to index
    %swap3A_32 = arith.constant 0 : index
    %swap3A_33 = tpu.vector_load %arg9[%swap3A_31, %swap3A_32] {strides = array<i32>} : memref<32x16xf32, #tpu.memory_space<vmem>>, vector<16xf32>,
    tpu.vector_store %arg9[%swap3A_31, %swap3A_32], %broadcast_in_dim3A_0 {strides = array<i32>} : memref<32x16xf32, #tpu.memory_space<vmem>>, vector<16xf32>,
    %swap3A_34 = arith.constant 8 : i32
    %swap3A_35 = arith.index_cast %swap3A_34 : i32 to index
    %swap3A_36 = arith.constant 0 : index
    %swap3A_37 = tpu.vector_load %arg9[%swap3A_35, %swap3A_36] {strides = array<i32>} : memref<32x16xf32, #tpu.memory_space<vmem>>, vector<16xf32>,
    tpu.vector_store %arg9[%swap3A_35, %swap3A_36], %broadcast_in_dim3A_0 {strides = array<i32>} : memref<32x16xf32, #tpu.memory_space<vmem>>, vector<16xf32>,
    %swap3A_38 = arith.constant 9 : i32
    %swap3A_39 = arith.index_cast %swap3A_38 : i32 to index
    %swap3A_40 = arith.constant 0 : index
    %swap3A_41 = tpu.vector_load %arg9[%swap3A_39, %swap3A_40] {strides = array<i32>} : memref<32x16xf32, #tpu.memory_space<vmem>>, vector<16xf32>,
    tpu.vector_store %arg9[%swap3A_39, %swap3A_40], %broadcast_in_dim3A_0 {strides = array<i32>} : memref<32x16xf32, #tpu.memory_space<vmem>>, vector<16xf32>,
    %swap3A_42 = arith.constant 10 : i32
    %swap3A_43 = arith.index_cast %swap3A_42 : i32 to index
    %swap3A_44 = arith.constant 0 : index
    %swap3A_45 = tpu.vector_load %arg9[%swap3A_43, %swap3A_44] {strides = array<i32>} : memref<32x16xf32, #tpu.memory_space<vmem>>, vector<16xf32>,
    tpu.vector_store %arg9[%swap3A_43, %swap3A_44], %broadcast_in_dim3A_0 {strides = array<i32>} : memref<32x16xf32, #tpu.memory_space<vmem>>, vector<16xf32>,
    %swap3A_46 = arith.constant 11 : i32
    %swap3A_47 = arith.index_cast %swap3A_46 : i32 to index
    %swap3A_48 = arith.constant 0 : index
    %swap3A_49 = tpu.vector_load %arg9[%swap3A_47, %swap3A_48] {strides = array<i32>} : memref<32x16xf32, #tpu.memory_space<vmem>>, vector<16xf32>,
    tpu.vector_store %arg9[%swap3A_47, %swap3A_48], %broadcast_in_dim3A_0 {strides = array<i32>} : memref<32x16xf32, #tpu.memory_space<vmem>>, vector<16xf32>,
    %swap3A_50 = arith.constant 12 : i32
    %swap3A_51 = arith.index_cast %swap3A_50 : i32 to index
    %swap3A_52 = arith.constant 0 : index
    %swap3A_53 = tpu.vector_load %arg9[%swap3A_51, %swap3A_52] {strides = array<i32>} : memref<32x16xf32, #tpu.memory_space<vmem>>, vector<16xf32>,
    tpu.vector_store %arg9[%swap3A_51, %swap3A_52], %broadcast_in_dim3A_0 {strides = array<i32>} : memref<32x16xf32, #tpu.memory_space<vmem>>, vector<16xf32>,
    %swap3A_54 = arith.constant 13 : i32
    %swap3A_55 = arith.index_cast %swap3A_54 : i32 to index
    %swap3A_56 = arith.constant 0 : index
    %swap3A_57 = tpu.vector_load %arg9[%swap3A_55, %swap3A_56] {strides = array<i32>} : memref<32x16xf32, #tpu.memory_space<vmem>>, vector<16xf32>,
    tpu.vector_store %arg9[%swap3A_55, %swap3A_56], %broadcast_in_dim3A_0 {strides = array<i32>} : memref<32x16xf32, #tpu.memory_space<vmem>>, vector<16xf32>,
    %swap3A_58 = arith.constant 14 : i32
    %swap3A_59 = arith.index_cast %swap3A_58 : i32 to index
    %swap3A_60 = arith.constant 0 : index
    %swap3A_61 = tpu.vector_load %arg9[%swap3A_59, %swap3A_60] {strides = array<i32>} : memref<32x16xf32, #tpu.memory_space<vmem>>, vector<16xf32>,
    tpu.vector_store %arg9[%swap3A_59, %swap3A_60], %broadcast_in_dim3A_0 {strides = array<i32>} : memref<32x16xf32, #tpu.memory_space<vmem>>, vector<16xf32>,
    %swap3A_62 = arith.constant 15 : i32
    %swap3A_63 = arith.index_cast %swap3A_62 : i32 to index
    %swap3A_64 = arith.constant 0 : index
    %swap3A_65 = tpu.vector_load %arg9[%swap3A_63, %swap3A_64] {strides = array<i32>} : memref<32x16xf32, #tpu.memory_space<vmem>>, vector<16xf32>,
    tpu.vector_store %arg9[%swap3A_63, %swap3A_64], %broadcast_in_dim3A_0 {strides = array<i32>} : memref<32x16xf32, #tpu.memory_space<vmem>>, vector<16xf32>,
    %swap3A_66 = arith.constant 16 : i32
    %swap3A_67 = arith.index_cast %swap3A_66 : i32 to index
    %swap3A_68 = arith.constant 0 : index
    %swap3A_69 = tpu.vector_load %arg9[%swap3A_67, %swap3A_68] {strides = array<i32>} : memref<32x16xf32, #tpu.memory_space<vmem>>, vector<16xf32>,
    tpu.vector_store %arg9[%swap3A_67, %swap3A_68], %broadcast_in_dim3A_0 {strides = array<i32>} : memref<32x16xf32, #tpu.memory_space<vmem>>, vector<16xf32>,
    %swap3A_70 = arith.constant 17 : i32
    %swap3A_71 = arith.index_cast %swap3A_70 : i32 to index
    %swap3A_72 = arith.constant 0 : index
    %swap3A_73 = tpu.vector_load %arg9[%swap3A_71, %swap3A_72] {strides = array<i32>} : memref<32x16xf32, #tpu.memory_space<vmem>>, vector<16xf32>,
    tpu.vector_store %arg9[%swap3A_71, %swap3A_72], %broadcast_in_dim3A_0 {strides = array<i32>} : memref<32x16xf32, #tpu.memory_space<vmem>>, vector<16xf32>,
    %swap3A_74 = arith.constant 18 : i32
    %swap3A_75 = arith.index_cast %swap3A_74 : i32 to index
    %swap3A_76 = arith.constant 0 : index
    %swap3A_77 = tpu.vector_load %arg9[%swap3A_75, %swap3A_76] {strides = array<i32>} : memref<32x16xf32, #tpu.memory_space<vmem>>, vector<16xf32>,
    tpu.vector_store %arg9[%swap3A_75, %swap3A_76], %broadcast_in_dim3A_0 {strides = array<i32>} : memref<32x16xf32, #tpu.memory_space<vmem>>, vector<16xf32>,
    %swap3A_78 = arith.constant 19 : i32
    %swap3A_79 = arith.index_cast %swap3A_78 : i32 to index
    %swap3A_80 = arith.constant 0 : index
    %swap3A_81 = tpu.vector_load %arg9[%swap3A_79, %swap3A_80] {strides = array<i32>} : memref<32x16xf32, #tpu.memory_space<vmem>>, vector<16xf32>,
    tpu.vector_store %arg9[%swap3A_79, %swap3A_80], %broadcast_in_dim3A_0 {strides = array<i32>} : memref<32x16xf32, #tpu.memory_space<vmem>>, vector<16xf32>,
    %swap3A_82 = arith.constant 20 : i32
    %swap3A_83 = arith.index_cast %swap3A_82 : i32 to index
    %swap3A_84 = arith.constant 0 : index
    %swap3A_85 = tpu.vector_load %arg9[%swap3A_83, %swap3A_84] {strides = array<i32>} : memref<32x16xf32, #tpu.memory_space<vmem>>, vector<16xf32>,
    tpu.vector_store %arg9[%swap3A_83, %swap3A_84], %broadcast_in_dim3A_0 {strides = array<i32>} : memref<32x16xf32, #tpu.memory_space<vmem>>, vector<16xf32>,
    %swap3A_86 = arith.constant 21 : i32
    %swap3A_87 = arith.index_cast %swap3A_86 : i32 to index
    %swap3A_88 = arith.constant 0 : index
    %swap3A_89 = tpu.vector_load %arg9[%swap3A_87, %swap3A_88] {strides = array<i32>} : memref<32x16xf32, #tpu.memory_space<vmem>>, vector<16xf32>,
    tpu.vector_store %arg9[%swap3A_87, %swap3A_88], %broadcast_in_dim3A_0 {strides = array<i32>} : memref<32x16xf32, #tpu.memory_space<vmem>>, vector<16xf32>,
    %swap3A_90 = arith.constant 22 : i32
    %swap3A_91 = arith.index_cast %swap3A_90 : i32 to index
    %swap3A_92 = arith.constant 0 : index
    %swap3A_93 = tpu.vector_load %arg9[%swap3A_91, %swap3A_92] {strides = array<i32>} : memref<32x16xf32, #tpu.memory_space<vmem>>, vector<16xf32>,
    tpu.vector_store %arg9[%swap3A_91, %swap3A_92], %broadcast_in_dim3A_0 {strides = array<i32>} : memref<32x16xf32, #tpu.memory_space<vmem>>, vector<16xf32>,
    %swap3A_94 = arith.constant 23 : i32
    %swap3A_95 = arith.index_cast %swap3A_94 : i32 to index
    %swap3A_96 = arith.constant 0 : index
    %swap3A_97 = tpu.vector_load %arg9[%swap3A_95, %swap3A_96] {strides = array<i32>} : memref<32x16xf32, #tpu.memory_space<vmem>>, vector<16xf32>,
    tpu.vector_store %arg9[%swap3A_95, %swap3A_96], %broadcast_in_dim3A_0 {strides = array<i32>} : memref<32x16xf32, #tpu.memory_space<vmem>>, vector<16xf32>,
    %swap3A_98 = arith.constant 24 : i32
    %swap3A_99 = arith.index_cast %swap3A_98 : i32 to index
    %swap3A_100 = arith.constant 0 : index
    %swap3A_101 = tpu.vector_load %arg9[%swap3A_99, %swap3A_100] {strides = array<i32>} : memref<32x16xf32, #tpu.memory_space<vmem>>, vector<16xf32>,
    tpu.vector_store %arg9[%swap3A_99, %swap3A_100], %broadcast_in_dim3A_0 {strides = array<i32>} : memref<32x16xf32, #tpu.memory_space<vmem>>, vector<16xf32>,
    %swap3A_102 = arith.constant 25 : i32
    %swap3A_103 = arith.index_cast %swap3A_102 : i32 to index
    %swap3A_104 = arith.constant 0 : index
    %swap3A_105 = tpu.vector_load %arg9[%swap3A_103, %swap3A_104] {strides = array<i32>} : memref<32x16xf32, #tpu.memory_space<vmem>>, vector<16xf32>,
    tpu.vector_store %arg9[%swap3A_103, %swap3A_104], %broadcast_in_dim3A_0 {strides = array<i32>} : memref<32x16xf32, #tpu.memory_space<vmem>>, vector<16xf32>,
    %swap3A_106 = arith.constant 26 : i32
    %swap3A_107 = arith.index_cast %swap3A_106 : i32 to index
    %swap3A_108 = arith.constant 0 : index
    %swap3A_109 = tpu.vector_load %arg9[%swap3A_107, %swap3A_108] {strides = array<i32>} : memref<32x16xf32, #tpu.memory_space<vmem>>, vector<16xf32>,
    tpu.vector_store %arg9[%swap3A_107, %swap3A_108], %broadcast_in_dim3A_0 {strides = array<i32>} : memref<32x16xf32, #tpu.memory_space<vmem>>, vector<16xf32>,
    %swap3A_110 = arith.constant 27 : i32
    %swap3A_111 = arith.index_cast %swap3A_110 : i32 to index
    %swap3A_112 = arith.constant 0 : index
    %swap3A_113 = tpu.vector_load %arg9[%swap3A_111, %swap3A_112] {strides = array<i32>} : memref<32x16xf32, #tpu.memory_space<vmem>>, vector<16xf32>,
    tpu.vector_store %arg9[%swap3A_111, %swap3A_112], %broadcast_in_dim3A_0 {strides = array<i32>} : memref<32x16xf32, #tpu.memory_space<vmem>>, vector<16xf32>,
    %swap3A_114 = arith.constant 28 : i32
    %swap3A_115 = arith.index_cast %swap3A_114 : i32 to index
    %swap3A_116 = arith.constant 0 : index
    %swap3A_117 = tpu.vector_load %arg9[%swap3A_115, %swap3A_116] {strides = array<i32>} : memref<32x16xf32, #tpu.memory_space<vmem>>, vector<16xf32>,
    tpu.vector_store %arg9[%swap3A_115, %swap3A_116], %broadcast_in_dim3A_0 {strides = array<i32>} : memref<32x16xf32, #tpu.memory_space<vmem>>, vector<16xf32>,
    %swap3A_118 = arith.constant 29 : i32
    %swap3A_119 = arith.index_cast %swap3A_118 : i32 to index
    %swap3A_120 = arith.constant 0 : index
    %swap3A_121 = tpu.vector_load %arg9[%swap3A_119, %swap3A_120] {strides = array<i32>} : memref<32x16xf32, #tpu.memory_space<vmem>>, vector<16xf32>,
    tpu.vector_store %arg9[%swap3A_119, %swap3A_120], %broadcast_in_dim3A_0 {strides = array<i32>} : memref<32x16xf32, #tpu.memory_space<vmem>>, vector<16xf32>,
    %swap3A_122 = arith.constant 30 : i32
    %swap3A_123 = arith.index_cast %swap3A_122 : i32 to index
    %swap3A_124 = arith.constant 0 : index
    %swap3A_125 = tpu.vector_load %arg9[%swap3A_123, %swap3A_124] {strides = array<i32>} : memref<32x16xf32, #tpu.memory_space<vmem>>, vector<16xf32>,
    tpu.vector_store %arg9[%swap3A_123, %swap3A_124], %broadcast_in_dim3A_0 {strides = array<i32>} : memref<32x16xf32, #tpu.memory_space<vmem>>, vector<16xf32>,
    %swap3A_126 = arith.constant 31 : i32
    %swap3A_127 = arith.index_cast %swap3A_126 : i32 to index
    %swap3A_128 = arith.constant 0 : index
    %swap3A_129 = tpu.vector_load %arg9[%swap3A_127, %swap3A_128] {strides = array<i32>} : memref<32x16xf32, #tpu.memory_space<vmem>>, vector<16xf32>,
    tpu.vector_store %arg9[%swap3A_127, %swap3A_128], %broadcast_in_dim3A_0 {strides = array<i32>} : memref<32x16xf32, #tpu.memory_space<vmem>>, vector<16xf32>,
    %swap3A_130 = arith.constant 0 : index
    %swap3A_131 = tpu.vector_load %arg10[%swap3A_130] {strides = array<i32>} : memref<32xi32, #tpu.memory_space<vmem>>, vector<16xi32>,
    tpu.vector_store %arg10[%swap3A_130], %iota3A {strides = array<i32>} : memref<32xi32, #tpu.memory_space<vmem>>, vector<16xi32>,
    %add3A = arith.constant 16 : i32
    %add3A_132 = vector.broadcast %add3A : i32 to vector<16xi32>
    %add3A_133 = arith.addi %iota3A, %add3A_132 : vector<16xi32>
    %swap3A_134 = arith.constant 16 : index
    %swap3A_135 = tpu.vector_load %arg10[%swap3A_134] {strides = array<i32>} : memref<32xi32, #tpu.memory_space<vmem>>, vector<16xi32>,
    tpu.vector_store %arg10[%swap3A_134], %add3A_133 {strides = array<i32>} : memref<32xi32, #tpu.memory_space<vmem>>, vector<16xi32>,
    %eq3A = arith.constant 0 : i32
    %eq3A_136 = arith.cmpi eq, %arg1, %eq3A : i32
    %convert_element_type3A = arith.extui %eq3A_136 : i1 to i32
    %cond3A = arith.constant 0 : i32
    %cond3A_137 = arith.cmpi ne, %convert_element_type3A, %cond3A : i32
    scf.if %cond3A_137 {
      %swap3A_454 = arith.constant 0 : i32
      %swap3A_455 = arith.index_cast %swap3A_454 : i32 to index
      %swap3A_456 = arith.constant 0 : index
      %swap3A_457 = tpu.vector_load %arg8[%swap3A_455, %swap3A_456] {strides = array<i32>} : memref<32x128xf32, #tpu.memory_space<vmem>>, vector<16xf32>,
      tpu.vector_store %arg8[%swap3A_455, %swap3A_456], %broadcast_in_dim3A_0 {strides = array<i32>} : memref<32x128xf32, #tpu.memory_space<vmem>>, vector<16xf32>,
      %swap3A_458 = arith.constant 0 : i32
      %swap3A_459 = arith.index_cast %swap3A_458 : i32 to index
      %swap3A_460 = arith.constant 16 : index
      %swap3A_461 = tpu.vector_load %arg8[%swap3A_459, %swap3A_460] {strides = array<i32>} : memref<32x128xf32, #tpu.memory_space<vmem>>, vector<16xf32>,
      tpu.vector_store %arg8[%swap3A_459, %swap3A_460], %broadcast_in_dim3A_0 {strides = array<i32>} : memref<32x128xf32, #tpu.memory_space<vmem>>, vector<16xf32>,
      %swap3A_462 = arith.constant 0 : i32
      %swap3A_463 = arith.index_cast %swap3A_462 : i32 to index
      %swap3A_464 = arith.constant 32 : index
      %swap3A_465 = tpu.vector_load %arg8[%swap3A_463, %swap3A_464] {strides = array<i32>} : memref<32x128xf32, #tpu.memory_space<vmem>>, vector<16xf32>,
      tpu.vector_store %arg8[%swap3A_463, %swap3A_464], %broadcast_in_dim3A_0 {strides = array<i32>} : memref<32x128xf32, #tpu.memory_space<vmem>>, vector<16xf32>,
      %swap3A_466 = arith.constant 0 : i32
      %swap3A_467 = arith.index_cast %swap3A_466 : i32 to index
      %swap3A_468 = arith.constant 48 : index
      %swap3A_469 = tpu.vector_load %arg8[%swap3A_467, %swap3A_468] {strides = array<i32>} : memref<32x128xf32, #tpu.memory_space<vmem>>, vector<16xf32>,
      tpu.vector_store %arg8[%swap3A_467, %swap3A_468], %broadcast_in_dim3A_0 {strides = array<i32>} : memref<32x128xf32, #tpu.memory_space<vmem>>, vector<16xf32>,
      %swap3A_470 = arith.constant 0 : i32
      %swap3A_471 = arith.index_cast %swap3A_470 : i32 to index
      %swap3A_472 = arith.constant 64 : index
      %swap3A_473 = tpu.vector_load %arg8[%swap3A_471, %swap3A_472] {strides = array<i32>} : memref<32x128xf32, #tpu.memory_space<vmem>>, vector<16xf32>,
      tpu.vector_store %arg8[%swap3A_471, %swap3A_472], %broadcast_in_dim3A_0 {strides = array<i32>} : memref<32x128xf32, #tpu.memory_space<vmem>>, vector<16xf32>,
      %swap3A_474 = arith.constant 0 : i32
      %swap3A_475 = arith.index_cast %swap3A_474 : i32 to index
      %swap3A_476 = arith.constant 80 : index
      %swap3A_477 = tpu.vector_load %arg8[%swap3A_475, %swap3A_476] {strides = array<i32>} : memref<32x128xf32, #tpu.memory_space<vmem>>, vector<16xf32>,
      tpu.vector_store %arg8[%swap3A_475, %swap3A_476], %broadcast_in_dim3A_0 {strides = array<i32>} : memref<32x128xf32, #tpu.memory_space<vmem>>, vector<16xf32>,
      %swap3A_478 = arith.constant 0 : i32
      %swap3A_479 = arith.index_cast %swap3A_478 : i32 to index
      %swap3A_480 = arith.constant 96 : index
      %swap3A_481 = tpu.vector_load %arg8[%swap3A_479, %swap3A_480] {strides = array<i32>} : memref<32x128xf32, #tpu.memory_space<vmem>>, vector<16xf32>,
      tpu.vector_store %arg8[%swap3A_479, %swap3A_480], %broadcast_in_dim3A_0 {strides = array<i32>} : memref<32x128xf32, #tpu.memory_space<vmem>>, vector<16xf32>,
      %swap3A_482 = arith.constant 0 : i32
      %swap3A_483 = arith.index_cast %swap3A_482 : i32 to index
      %swap3A_484 = arith.constant 112 : index
      %swap3A_485 = tpu.vector_load %arg8[%swap3A_483, %swap3A_484] {strides = array<i32>} : memref<32x128xf32, #tpu.memory_space<vmem>>, vector<16xf32>,
      tpu.vector_store %arg8[%swap3A_483, %swap3A_484], %broadcast_in_dim3A_0 {strides = array<i32>} : memref<32x128xf32, #tpu.memory_space<vmem>>, vector<16xf32>,
      %swap3A_486 = arith.constant 1 : i32
      %swap3A_487 = arith.index_cast %swap3A_486 : i32 to index
      %swap3A_488 = arith.constant 0 : index
      %swap3A_489 = tpu.vector_load %arg8[%swap3A_487, %swap3A_488] {strides = array<i32>} : memref<32x128xf32, #tpu.memory_space<vmem>>, vector<16xf32>,
      tpu.vector_store %arg8[%swap3A_487, %swap3A_488], %broadcast_in_dim3A_0 {strides = array<i32>} : memref<32x128xf32, #tpu.memory_space<vmem>>, vector<16xf32>,
      %swap3A_490 = arith.constant 1 : i32
      %swap3A_491 = arith.index_cast %swap3A_490 : i32 to index
      %swap3A_492 = arith.constant 16 : index
      %swap3A_493 = tpu.vector_load %arg8[%swap3A_491, %swap3A_492] {strides = array<i32>} : memref<32x128xf32, #tpu.memory_space<vmem>>, vector<16xf32>,
      tpu.vector_store %arg8[%swap3A_491, %swap3A_492], %broadcast_in_dim3A_0 {strides = array<i32>} : memref<32x128xf32, #tpu.memory_space<vmem>>, vector<16xf32>,
      %swap3A_494 = arith.constant 1 : i32
      %swap3A_495 = arith.index_cast %swap3A_494 : i32 to index
      %swap3A_496 = arith.constant 32 : index
      %swap3A_497 = tpu.vector_load %arg8[%swap3A_495, %swap3A_496] {strides = array<i32>} : memref<32x128xf32, #tpu.memory_space<vmem>>, vector<16xf32>,
      tpu.vector_store %arg8[%swap3A_495, %swap3A_496], %broadcast_in_dim3A_0 {strides = array<i32>} : memref<32x128xf32, #tpu.memory_space<vmem>>, vector<16xf32>,
      %swap3A_498 = arith.constant 1 : i32
      %swap3A_499 = arith.index_cast %swap3A_498 : i32 to index
      %swap3A_500 = arith.constant 48 : index
      %swap3A_501 = tpu.vector_load %arg8[%swap3A_499, %swap3A_500] {strides = array<i32>} : memref<32x128xf32, #tpu.memory_space<vmem>>, vector<16xf32>,
      tpu.vector_store %arg8[%swap3A_499, %swap3A_500], %broadcast_in_dim3A_0 {strides = array<i32>} : memref<32x128xf32, #tpu.memory_space<vmem>>, vector<16xf32>,
      %swap3A_502 = arith.constant 1 : i32
      %swap3A_503 = arith.index_cast %swap3A_502 : i32 to index
      %swap3A_504 = arith.constant 64 : index
      %swap3A_505 = tpu.vector_load %arg8[%swap3A_503, %swap3A_504] {strides = array<i32>} : memref<32x128xf32, #tpu.memory_space<vmem>>, vector<16xf32>,
      tpu.vector_store %arg8[%swap3A_503, %swap3A_504], %broadcast_in_dim3A_0 {strides = array<i32>} : memref<32x128xf32, #tpu.memory_space<vmem>>, vector<16xf32>,
      %swap3A_506 = arith.constant 1 : i32
      %swap3A_507 = arith.index_cast %swap3A_506 : i32 to index
      %swap3A_508 = arith.constant 80 : index
      %swap3A_509 = tpu.vector_load %arg8[%swap3A_507, %swap3A_508] {strides = array<i32>} : memref<32x128xf32, #tpu.memory_space<vmem>>, vector<16xf32>,
      tpu.vector_store %arg8[%swap3A_507, %swap3A_508], %broadcast_in_dim3A_0 {strides = array<i32>} : memref<32x128xf32, #tpu.memory_space<vmem>>, vector<16xf32>,
      %swap3A_510 = arith.constant 1 : i32
      %swap3A_511 = arith.index_cast %swap3A_510 : i32 to index
      %swap3A_512 = arith.constant 96 : index
      %swap3A_513 = tpu.vector_load %arg8[%swap3A_511, %swap3A_512] {strides = array<i32>} : memref<32x128xf32, #tpu.memory_space<vmem>>, vector<16xf32>,
      tpu.vector_store %arg8[%swap3A_511, %swap3A_512], %broadcast_in_dim3A_0 {strides = array<i32>} : memref<32x128xf32, #tpu.memory_space<vmem>>, vector<16xf32>,
      %swap3A_514 = arith.constant 1 : i32
      %swap3A_515 = arith.index_cast %swap3A_514 : i32 to index
      %swap3A_516 = arith.constant 112 : index
      %swap3A_517 = tpu.vector_load %arg8[%swap3A_515, %swap3A_516] {strides = array<i32>} : memref<32x128xf32, #tpu.memory_space<vmem>>, vector<16xf32>,
      tpu.vector_store %arg8[%swap3A_515, %swap3A_516], %broadcast_in_dim3A_0 {strides = array<i32>} : memref<32x128xf32, #tpu.memory_space<vmem>>, vector<16xf32>,
      %swap3A_518 = arith.constant 2 : i32
      %swap3A_519 = arith.index_cast %swap3A_518 : i32 to index
      %swap3A_520 = arith.constant 0 : index
      %swap3A_521 = tpu.vector_load %arg8[%swap3A_519, %swap3A_520] {strides = array<i32>} : memref<32x128xf32, #tpu.memory_space<vmem>>, vector<16xf32>,
      tpu.vector_store %arg8[%swap3A_519, %swap3A_520], %broadcast_in_dim3A_0 {strides = array<i32>} : memref<32x128xf32, #tpu.memory_space<vmem>>, vector<16xf32>,
      %swap3A_522 = arith.constant 2 : i32
      %swap3A_523 = arith.index_cast %swap3A_522 : i32 to index
      %swap3A_524 = arith.constant 16 : index
      %swap3A_525 = tpu.vector_load %arg8[%swap3A_523, %swap3A_524] {strides = array<i32>} : memref<32x128xf32, #tpu.memory_space<vmem>>, vector<16xf32>,
      tpu.vector_store %arg8[%swap3A_523, %swap3A_524], %broadcast_in_dim3A_0 {strides = array<i32>} : memref<32x128xf32, #tpu.memory_space<vmem>>, vector<16xf32>,
      %swap3A_526 = arith.constant 2 : i32
      %swap3A_527 = arith.index_cast %swap3A_526 : i32 to index
      %swap3A_528 = arith.constant 32 : index
      %swap3A_529 = tpu.vector_load %arg8[%swap3A_527, %swap3A_528] {strides = array<i32>} : memref<32x128xf32, #tpu.memory_space<vmem>>, vector<16xf32>,
      tpu.vector_store %arg8[%swap3A_527, %swap3A_528], %broadcast_in_dim3A_0 {strides = array<i32>} : memref<32x128xf32, #tpu.memory_space<vmem>>, vector<16xf32>,
      %swap3A_530 = arith.constant 2 : i32
      %swap3A_531 = arith.index_cast %swap3A_530 : i32 to index
      %swap3A_532 = arith.constant 48 : index
      %swap3A_533 = tpu.vector_load %arg8[%swap3A_531, %swap3A_532] {strides = array<i32>} : memref<32x128xf32, #tpu.memory_space<vmem>>, vector<16xf32>,
      tpu.vector_store %arg8[%swap3A_531, %swap3A_532], %broadcast_in_dim3A_0 {strides = array<i32>} : memref<32x128xf32, #tpu.memory_space<vmem>>, vector<16xf32>,
      %swap3A_534 = arith.constant 2 : i32
      %swap3A_535 = arith.index_cast %swap3A_534 : i32 to index
      %swap3A_536 = arith.constant 64 : index
      %swap3A_537 = tpu.vector_load %arg8[%swap3A_535, %swap3A_536] {strides = array<i32>} : memref<32x128xf32, #tpu.memory_space<vmem>>, vector<16xf32>,
      tpu.vector_store %arg8[%swap3A_535, %swap3A_536], %broadcast_in_dim3A_0 {strides = array<i32>} : memref<32x128xf32, #tpu.memory_space<vmem>>, vector<16xf32>,
      %swap3A_538 = arith.constant 2 : i32
      %swap3A_539 = arith.index_cast %swap3A_538 : i32 to index
      %swap3A_540 = arith.constant 80 : index
      %swap3A_541 = tpu.vector_load %arg8[%swap3A_539, %swap3A_540] {strides = array<i32>} : memref<32x128xf32, #tpu.memory_space<vmem>>, vector<16xf32>,
      tpu.vector_store %arg8[%swap3A_539, %swap3A_540], %broadcast_in_dim3A_0 {strides = array<i32>} : memref<32x128xf32, #tpu.memory_space<vmem>>, vector<16xf32>,
      %swap3A_542 = arith.constant 2 : i32
      %swap3A_543 = arith.index_cast %swap3A_542 : i32 to index
      %swap3A_544 = arith.constant 96 : index
      %swap3A_545 = tpu.vector_load %arg8[%swap3A_543, %swap3A_544] {strides = array<i32>} : memref<32x128xf32, #tpu.memory_space<vmem>>, vector<16xf32>,
      tpu.vector_store %arg8[%swap3A_543, %swap3A_544], %broadcast_in_dim3A_0 {strides = array<i32>} : memref<32x128xf32, #tpu.memory_space<vmem>>, vector<16xf32>,
      %swap3A_546 = arith.constant 2 : i32
      %swap3A_547 = arith.index_cast %swap3A_546 : i32 to index
      %swap3A_548 = arith.constant 112 : index
      %swap3A_549 = tpu.vector_load %arg8[%swap3A_547, %swap3A_548] {strides = array<i32>} : memref<32x128xf32, #tpu.memory_space<vmem>>, vector<16xf32>,
      tpu.vector_store %arg8[%swap3A_547, %swap3A_548], %broadcast_in_dim3A_0 {strides = array<i32>} : memref<32x128xf32, #tpu.memory_space<vmem>>, vector<16xf32>,
      %swap3A_550 = arith.constant 3 : i32
      %swap3A_551 = arith.index_cast %swap3A_550 : i32 to index
      %swap3A_552 = arith.constant 0 : index
      %swap3A_553 = tpu.vector_load %arg8[%swap3A_551, %swap3A_552] {strides = array<i32>} : memref<32x128xf32, #tpu.memory_space<vmem>>, vector<16xf32>,
      tpu.vector_store %arg8[%swap3A_551, %swap3A_552], %broadcast_in_dim3A_0 {strides = array<i32>} : memref<32x128xf32, #tpu.memory_space<vmem>>, vector<16xf32>,
      %swap3A_554 = arith.constant 3 : i32
      %swap3A_555 = arith.index_cast %swap3A_554 : i32 to index
      %swap3A_556 = arith.constant 16 : index
      %swap3A_557 = tpu.vector_load %arg8[%swap3A_555, %swap3A_556] {strides = array<i32>} : memref<32x128xf32, #tpu.memory_space<vmem>>, vector<16xf32>,
      tpu.vector_store %arg8[%swap3A_555, %swap3A_556], %broadcast_in_dim3A_0 {strides = array<i32>} : memref<32x128xf32, #tpu.memory_space<vmem>>, vector<16xf32>,
      %swap3A_558 = arith.constant 3 : i32
      %swap3A_559 = arith.index_cast %swap3A_558 : i32 to index
      %swap3A_560 = arith.constant 32 : index
      %swap3A_561 = tpu.vector_load %arg8[%swap3A_559, %swap3A_560] {strides = array<i32>} : memref<32x128xf32, #tpu.memory_space<vmem>>, vector<16xf32>,
      tpu.vector_store %arg8[%swap3A_559, %swap3A_560], %broadcast_in_dim3A_0 {strides = array<i32>} : memref<32x128xf32, #tpu.memory_space<vmem>>, vector<16xf32>,
      %swap3A_562 = arith.constant 3 : i32
      %swap3A_563 = arith.index_cast %swap3A_562 : i32 to index
      %swap3A_564 = arith.constant 48 : index
      %swap3A_565 = tpu.vector_load %arg8[%swap3A_563, %swap3A_564] {strides = array<i32>} : memref<32x128xf32, #tpu.memory_space<vmem>>, vector<16xf32>,
      tpu.vector_store %arg8[%swap3A_563, %swap3A_564], %broadcast_in_dim3A_0 {strides = array<i32>} : memref<32x128xf32, #tpu.memory_space<vmem>>, vector<16xf32>,
      %swap3A_566 = arith.constant 3 : i32
      %swap3A_567 = arith.index_cast %swap3A_566 : i32 to index
      %swap3A_568 = arith.constant 64 : index
      %swap3A_569 = tpu.vector_load %arg8[%swap3A_567, %swap3A_568] {strides = array<i32>} : memref<32x128xf32, #tpu.memory_space<vmem>>, vector<16xf32>,
      tpu.vector_store %arg8[%swap3A_567, %swap3A_568], %broadcast_in_dim3A_0 {strides = array<i32>} : memref<32x128xf32, #tpu.memory_space<vmem>>, vector<16xf32>,
      %swap3A_570 = arith.constant 3 : i32
      %swap3A_571 = arith.index_cast %swap3A_570 : i32 to index
      %swap3A_572 = arith.constant 80 : index
      %swap3A_573 = tpu.vector_load %arg8[%swap3A_571, %swap3A_572] {strides = array<i32>} : memref<32x128xf32, #tpu.memory_space<vmem>>, vector<16xf32>,
      tpu.vector_store %arg8[%swap3A_571, %swap3A_572], %broadcast_in_dim3A_0 {strides = array<i32>} : memref<32x128xf32, #tpu.memory_space<vmem>>, vector<16xf32>,
      %swap3A_574 = arith.constant 3 : i32
      %swap3A_575 = arith.index_cast %swap3A_574 : i32 to index
      %swap3A_576 = arith.constant 96 : index
      %swap3A_577 = tpu.vector_load %arg8[%swap3A_575, %swap3A_576] {strides = array<i32>} : memref<32x128xf32, #tpu.memory_space<vmem>>, vector<16xf32>,
      tpu.vector_store %arg8[%swap3A_575, %swap3A_576], %broadcast_in_dim3A_0 {strides = array<i32>} : memref<32x128xf32, #tpu.memory_space<vmem>>, vector<16xf32>,
      %swap3A_578 = arith.constant 3 : i32
      %swap3A_579 = arith.index_cast %swap3A_578 : i32 to index
      %swap3A_580 = arith.constant 112 : index
      %swap3A_581 = tpu.vector_load %arg8[%swap3A_579, %swap3A_580] {strides = array<i32>} : memref<32x128xf32, #tpu.memory_space<vmem>>, vector<16xf32>,
      tpu.vector_store %arg8[%swap3A_579, %swap3A_580], %broadcast_in_dim3A_0 {strides = array<i32>} : memref<32x128xf32, #tpu.memory_space<vmem>>, vector<16xf32>,
      %swap3A_582 = arith.constant 4 : i32
      %swap3A_583 = arith.index_cast %swap3A_582 : i32 to index
      %swap3A_584 = arith.constant 0 : index
      %swap3A_585 = tpu.vector_load %arg8[%swap3A_583, %swap3A_584] {strides = array<i32>} : memref<32x128xf32, #tpu.memory_space<vmem>>, vector<16xf32>,
      tpu.vector_store %arg8[%swap3A_583, %swap3A_584], %broadcast_in_dim3A_0 {strides = array<i32>} : memref<32x128xf32, #tpu.memory_space<vmem>>, vector<16xf32>,
      %swap3A_586 = arith.constant 4 : i32
      %swap3A_587 = arith.index_cast %swap3A_586 : i32 to index
      %swap3A_588 = arith.constant 16 : index
      %swap3A_589 = tpu.vector_load %arg8[%swap3A_587, %swap3A_588] {strides = array<i32>} : memref<32x128xf32, #tpu.memory_space<vmem>>, vector<16xf32>,
      tpu.vector_store %arg8[%swap3A_587, %swap3A_588], %broadcast_in_dim3A_0 {strides = array<i32>} : memref<32x128xf32, #tpu.memory_space<vmem>>, vector<16xf32>,
      %swap3A_590 = arith.constant 4 : i32
      %swap3A_591 = arith.index_cast %swap3A_590 : i32 to index
      %swap3A_592 = arith.constant 32 : index
      %swap3A_593 = tpu.vector_load %arg8[%swap3A_591, %swap3A_592] {strides = array<i32>} : memref<32x128xf32, #tpu.memory_space<vmem>>, vector<16xf32>,
      tpu.vector_store %arg8[%swap3A_591, %swap3A_592], %broadcast_in_dim3A_0 {strides = array<i32>} : memref<32x128xf32, #tpu.memory_space<vmem>>, vector<16xf32>,
      %swap3A_594 = arith.constant 4 : i32
      %swap3A_595 = arith.index_cast %swap3A_594 : i32 to index
      %swap3A_596 = arith.constant 48 : index
      %swap3A_597 = tpu.vector_load %arg8[%swap3A_595, %swap3A_596] {strides = array<i32>} : memref<32x128xf32, #tpu.memory_space<vmem>>, vector<16xf32>,
      tpu.vector_store %arg8[%swap3A_595, %swap3A_596], %broadcast_in_dim3A_0 {strides = array<i32>} : memref<32x128xf32, #tpu.memory_space<vmem>>, vector<16xf32>,
      %swap3A_598 = arith.constant 4 : i32
      %swap3A_599 = arith.index_cast %swap3A_598 : i32 to index
      %swap3A_600 = arith.constant 64 : index
      %swap3A_601 = tpu.vector_load %arg8[%swap3A_599, %swap3A_600] {strides = array<i32>} : memref<32x128xf32, #tpu.memory_space<vmem>>, vector<16xf32>,
      tpu.vector_store %arg8[%swap3A_599, %swap3A_600], %broadcast_in_dim3A_0 {strides = array<i32>} : memref<32x128xf32, #tpu.memory_space<vmem>>, vector<16xf32>,
      %swap3A_602 = arith.constant 4 : i32
      %swap3A_603 = arith.index_cast %swap3A_602 : i32 to index
      %swap3A_604 = arith.constant 80 : index
      %swap3A_605 = tpu.vector_load %arg8[%swap3A_603, %swap3A_604] {strides = array<i32>} : memref<32x128xf32, #tpu.memory_space<vmem>>, vector<16xf32>,
      tpu.vector_store %arg8[%swap3A_603, %swap3A_604], %broadcast_in_dim3A_0 {strides = array<i32>} : memref<32x128xf32, #tpu.memory_space<vmem>>, vector<16xf32>,
      %swap3A_606 = arith.constant 4 : i32
      %swap3A_607 = arith.index_cast %swap3A_606 : i32 to index
      %swap3A_608 = arith.constant 96 : index
      %swap3A_609 = tpu.vector_load %arg8[%swap3A_607, %swap3A_608] {strides = array<i32>} : memref<32x128xf32, #tpu.memory_space<vmem>>, vector<16xf32>,
      tpu.vector_store %arg8[%swap3A_607, %swap3A_608], %broadcast_in_dim3A_0 {strides = array<i32>} : memref<32x128xf32, #tpu.memory_space<vmem>>, vector<16xf32>,
      %swap3A_610 = arith.constant 4 : i32
      %swap3A_611 = arith.index_cast %swap3A_610 : i32 to index
      %swap3A_612 = arith.constant 112 : index
      %swap3A_613 = tpu.vector_load %arg8[%swap3A_611, %swap3A_612] {strides = array<i32>} : memref<32x128xf32, #tpu.memory_space<vmem>>, vector<16xf32>,
      tpu.vector_store %arg8[%swap3A_611, %swap3A_612], %broadcast_in_dim3A_0 {strides = array<i32>} : memref<32x128xf32, #tpu.memory_space<vmem>>, vector<16xf32>,
      %swap3A_614 = arith.constant 5 : i32
      %swap3A_615 = arith.index_cast %swap3A_614 : i32 to index
      %swap3A_616 = arith.constant 0 : index
      %swap3A_617 = tpu.vector_load %arg8[%swap3A_615, %swap3A_616] {strides = array<i32>} : memref<32x128xf32, #tpu.memory_space<vmem>>, vector<16xf32>,
      tpu.vector_store %arg8[%swap3A_615, %swap3A_616], %broadcast_in_dim3A_0 {strides = array<i32>} : memref<32x128xf32, #tpu.memory_space<vmem>>, vector<16xf32>,
      %swap3A_618 = arith.constant 5 : i32
      %swap3A_619 = arith.index_cast %swap3A_618 : i32 to index
      %swap3A_620 = arith.constant 16 : index
      %swap3A_621 = tpu.vector_load %arg8[%swap3A_619, %swap3A_620] {strides = array<i32>} : memref<32x128xf32, #tpu.memory_space<vmem>>, vector<16xf32>,
      tpu.vector_store %arg8[%swap3A_619, %swap3A_620], %broadcast_in_dim3A_0 {strides = array<i32>} : memref<32x128xf32, #tpu.memory_space<vmem>>, vector<16xf32>,
      %swap3A_622 = arith.constant 5 : i32
      %swap3A_623 = arith.index_cast %swap3A_622 : i32 to index
      %swap3A_624 = arith.constant 32 : index
      %swap3A_625 = tpu.vector_load %arg8[%swap3A_623, %swap3A_624] {strides = array<i32>} : memref<32x128xf32, #tpu.memory_space<vmem>>, vector<16xf32>,
      tpu.vector_store %arg8[%swap3A_623, %swap3A_624], %broadcast_in_dim3A_0 {strides = array<i32>} : memref<32x128xf32, #tpu.memory_space<vmem>>, vector<16xf32>,
      %swap3A_626 = arith.constant 5 : i32
      %swap3A_627 = arith.index_cast %swap3A_626 : i32 to index
      %swap3A_628 = arith.constant 48 : index
      %swap3A_629 = tpu.vector_load %arg8[%swap3A_627, %swap3A_628] {strides = array<i32>} : memref<32x128xf32, #tpu.memory_space<vmem>>, vector<16xf32>,
      tpu.vector_store %arg8[%swap3A_627, %swap3A_628], %broadcast_in_dim3A_0 {strides = array<i32>} : memref<32x128xf32, #tpu.memory_space<vmem>>, vector<16xf32>,
      %swap3A_630 = arith.constant 5 : i32
      %swap3A_631 = arith.index_cast %swap3A_630 : i32 to index
      %swap3A_632 = arith.constant 64 : index
      %swap3A_633 = tpu.vector_load %arg8[%swap3A_631, %swap3A_632] {strides = array<i32>} : memref<32x128xf32, #tpu.memory_space<vmem>>, vector<16xf32>,
      tpu.vector_store %arg8[%swap3A_631, %swap3A_632], %broadcast_in_dim3A_0 {strides = array<i32>} : memref<32x128xf32, #tpu.memory_space<vmem>>, vector<16xf32>,
      %swap3A_634 = arith.constant 5 : i32
      %swap3A_635 = arith.index_cast %swap3A_634 : i32 to index
      %swap3A_636 = arith.constant 80 : index
      %swap3A_637 = tpu.vector_load %arg8[%swap3A_635, %swap3A_636] {strides = array<i32>} : memref<32x128xf32, #tpu.memory_space<vmem>>, vector<16xf32>,
      tpu.vector_store %arg8[%swap3A_635, %swap3A_636], %broadcast_in_dim3A_0 {strides = array<i32>} : memref<32x128xf32, #tpu.memory_space<vmem>>, vector<16xf32>,
      %swap3A_638 = arith.constant 5 : i32
      %swap3A_639 = arith.index_cast %swap3A_638 : i32 to index
      %swap3A_640 = arith.constant 96 : index
      %swap3A_641 = tpu.vector_load %arg8[%swap3A_639, %swap3A_640] {strides = array<i32>} : memref<32x128xf32, #tpu.memory_space<vmem>>, vector<16xf32>,
      tpu.vector_store %arg8[%swap3A_639, %swap3A_640], %broadcast_in_dim3A_0 {strides = array<i32>} : memref<32x128xf32, #tpu.memory_space<vmem>>, vector<16xf32>,
      %swap3A_642 = arith.constant 5 : i32
      %swap3A_643 = arith.index_cast %swap3A_642 : i32 to index
      %swap3A_644 = arith.constant 112 : index
      %swap3A_645 = tpu.vector_load %arg8[%swap3A_643, %swap3A_644] {strides = array<i32>} : memref<32x128xf32, #tpu.memory_space<vmem>>, vector<16xf32>,
      tpu.vector_store %arg8[%swap3A_643, %swap3A_644], %broadcast_in_dim3A_0 {strides = array<i32>} : memref<32x128xf32, #tpu.memory_space<vmem>>, vector<16xf32>,
      %swap3A_646 = arith.constant 6 : i32
      %swap3A_647 = arith.index_cast %swap3A_646 : i32 to index
      %swap3A_648 = arith.constant 0 : index
      %swap3A_649 = tpu.vector_load %arg8[%swap3A_647, %swap3A_648] {strides = array<i32>} : memref<32x128xf32, #tpu.memory_space<vmem>>, vector<16xf32>,
      tpu.vector_store %arg8[%swap3A_647, %swap3A_648], %broadcast_in_dim3A_0 {strides = array<i32>} : memref<32x128xf32, #tpu.memory_space<vmem>>, vector<16xf32>,
      %swap3A_650 = arith.constant 6 : i32
      %swap3A_651 = arith.index_cast %swap3A_650 : i32 to index
      %swap3A_652 = arith.constant 16 : index
      %swap3A_653 = tpu.vector_load %arg8[%swap3A_651, %swap3A_652] {strides = array<i32>} : memref<32x128xf32, #tpu.memory_space<vmem>>, vector<16xf32>,
      tpu.vector_store %arg8[%swap3A_651, %swap3A_652], %broadcast_in_dim3A_0 {strides = array<i32>} : memref<32x128xf32, #tpu.memory_space<vmem>>, vector<16xf32>,
      %swap3A_654 = arith.constant 6 : i32
      %swap3A_655 = arith.index_cast %swap3A_654 : i32 to index
      %swap3A_656 = arith.constant 32 : index
      %swap3A_657 = tpu.vector_load %arg8[%swap3A_655, %swap3A_656] {strides = array<i32>} : memref<32x128xf32, #tpu.memory_space<vmem>>, vector<16xf32>,
      tpu.vector_store %arg8[%swap3A_655, %swap3A_656], %broadcast_in_dim3A_0 {strides = array<i32>} : memref<32x128xf32, #tpu.memory_space<vmem>>, vector<16xf32>,
      %swap3A_658 = arith.constant 6 : i32
      %swap3A_659 = arith.index_cast %swap3A_658 : i32 to index
      %swap3A_660 = arith.constant 48 : index
      %swap3A_661 = tpu.vector_load %arg8[%swap3A_659, %swap3A_660] {strides = array<i32>} : memref<32x128xf32, #tpu.memory_space<vmem>>, vector<16xf32>,
      tpu.vector_store %arg8[%swap3A_659, %swap3A_660], %broadcast_in_dim3A_0 {strides = array<i32>} : memref<32x128xf32, #tpu.memory_space<vmem>>, vector<16xf32>,
      %swap3A_662 = arith.constant 6 : i32
      %swap3A_663 = arith.index_cast %swap3A_662 : i32 to index
      %swap3A_664 = arith.constant 64 : index
      %swap3A_665 = tpu.vector_load %arg8[%swap3A_663, %swap3A_664] {strides = array<i32>} : memref<32x128xf32, #tpu.memory_space<vmem>>, vector<16xf32>,
      tpu.vector_store %arg8[%swap3A_663, %swap3A_664], %broadcast_in_dim3A_0 {strides = array<i32>} : memref<32x128xf32, #tpu.memory_space<vmem>>, vector<16xf32>,
      %swap3A_666 = arith.constant 6 : i32
      %swap3A_667 = arith.index_cast %swap3A_666 : i32 to index
      %swap3A_668 = arith.constant 80 : index
      %swap3A_669 = tpu.vector_load %arg8[%swap3A_667, %swap3A_668] {strides = array<i32>} : memref<32x128xf32, #tpu.memory_space<vmem>>, vector<16xf32>,
      tpu.vector_store %arg8[%swap3A_667, %swap3A_668], %broadcast_in_dim3A_0 {strides = array<i32>} : memref<32x128xf32, #tpu.memory_space<vmem>>, vector<16xf32>,
      %swap3A_670 = arith.constant 6 : i32
      %swap3A_671 = arith.index_cast %swap3A_670 : i32 to index
      %swap3A_672 = arith.constant 96 : index
      %swap3A_673 = tpu.vector_load %arg8[%swap3A_671, %swap3A_672] {strides = array<i32>} : memref<32x128xf32, #tpu.memory_space<vmem>>, vector<16xf32>,
      tpu.vector_store %arg8[%swap3A_671, %swap3A_672], %broadcast_in_dim3A_0 {strides = array<i32>} : memref<32x128xf32, #tpu.memory_space<vmem>>, vector<16xf32>,
      %swap3A_674 = arith.constant 6 : i32
      %swap3A_675 = arith.index_cast %swap3A_674 : i32 to index
      %swap3A_676 = arith.constant 112 : index
      %swap3A_677 = tpu.vector_load %arg8[%swap3A_675, %swap3A_676] {strides = array<i32>} : memref<32x128xf32, #tpu.memory_space<vmem>>, vector<16xf32>,
      tpu.vector_store %arg8[%swap3A_675, %swap3A_676], %broadcast_in_dim3A_0 {strides = array<i32>} : memref<32x128xf32, #tpu.memory_space<vmem>>, vector<16xf32>,
      %swap3A_678 = arith.constant 7 : i32
      %swap3A_679 = arith.index_cast %swap3A_678 : i32 to index
      %swap3A_680 = arith.constant 0 : index
      %swap3A_681 = tpu.vector_load %arg8[%swap3A_679, %swap3A_680] {strides = array<i32>} : memref<32x128xf32, #tpu.memory_space<vmem>>, vector<16xf32>,
      tpu.vector_store %arg8[%swap3A_679, %swap3A_680], %broadcast_in_dim3A_0 {strides = array<i32>} : memref<32x128xf32, #tpu.memory_space<vmem>>, vector<16xf32>,
      %swap3A_682 = arith.constant 7 : i32
      %swap3A_683 = arith.index_cast %swap3A_682 : i32 to index
      %swap3A_684 = arith.constant 16 : index
      %swap3A_685 = tpu.vector_load %arg8[%swap3A_683, %swap3A_684] {strides = array<i32>} : memref<32x128xf32, #tpu.memory_space<vmem>>, vector<16xf32>,
      tpu.vector_store %arg8[%swap3A_683, %swap3A_684], %broadcast_in_dim3A_0 {strides = array<i32>} : memref<32x128xf32, #tpu.memory_space<vmem>>, vector<16xf32>,
      %swap3A_686 = arith.constant 7 : i32
      %swap3A_687 = arith.index_cast %swap3A_686 : i32 to index
      %swap3A_688 = arith.constant 32 : index
      %swap3A_689 = tpu.vector_load %arg8[%swap3A_687, %swap3A_688] {strides = array<i32>} : memref<32x128xf32, #tpu.memory_space<vmem>>, vector<16xf32>,
      tpu.vector_store %arg8[%swap3A_687, %swap3A_688], %broadcast_in_dim3A_0 {strides = array<i32>} : memref<32x128xf32, #tpu.memory_space<vmem>>, vector<16xf32>,
      %swap3A_690 = arith.constant 7 : i32
      %swap3A_691 = arith.index_cast %swap3A_690 : i32 to index
      %swap3A_692 = arith.constant 48 : index
      %swap3A_693 = tpu.vector_load %arg8[%swap3A_691, %swap3A_692] {strides = array<i32>} : memref<32x128xf32, #tpu.memory_space<vmem>>, vector<16xf32>,
      tpu.vector_store %arg8[%swap3A_691, %swap3A_692], %broadcast_in_dim3A_0 {strides = array<i32>} : memref<32x128xf32, #tpu.memory_space<vmem>>, vector<16xf32>,
      %swap3A_694 = arith.constant 7 : i32
      %swap3A_695 = arith.index_cast %swap3A_694 : i32 to index
      %swap3A_696 = arith.constant 64 : index
      %swap3A_697 = tpu.vector_load %arg8[%swap3A_695, %swap3A_696] {strides = array<i32>} : memref<32x128xf32, #tpu.memory_space<vmem>>, vector<16xf32>,
      tpu.vector_store %arg8[%swap3A_695, %swap3A_696], %broadcast_in_dim3A_0 {strides = array<i32>} : memref<32x128xf32, #tpu.memory_space<vmem>>, vector<16xf32>,
      %swap3A_698 = arith.constant 7 : i32
      %swap3A_699 = arith.index_cast %swap3A_698 : i32 to index
      %swap3A_700 = arith.constant 80 : index
      %swap3A_701 = tpu.vector_load %arg8[%swap3A_699, %swap3A_700] {strides = array<i32>} : memref<32x128xf32, #tpu.memory_space<vmem>>, vector<16xf32>,
      tpu.vector_store %arg8[%swap3A_699, %swap3A_700], %broadcast_in_dim3A_0 {strides = array<i32>} : memref<32x128xf32, #tpu.memory_space<vmem>>, vector<16xf32>,
      %swap3A_702 = arith.constant 7 : i32
      %swap3A_703 = arith.index_cast %swap3A_702 : i32 to index
      %swap3A_704 = arith.constant 96 : index
      %swap3A_705 = tpu.vector_load %arg8[%swap3A_703, %swap3A_704] {strides = array<i32>} : memref<32x128xf32, #tpu.memory_space<vmem>>, vector<16xf32>,
      tpu.vector_store %arg8[%swap3A_703, %swap3A_704], %broadcast_in_dim3A_0 {strides = array<i32>} : memref<32x128xf32, #tpu.memory_space<vmem>>, vector<16xf32>,
      %swap3A_706 = arith.constant 7 : i32
      %swap3A_707 = arith.index_cast %swap3A_706 : i32 to index
      %swap3A_708 = arith.constant 112 : index
      %swap3A_709 = tpu.vector_load %arg8[%swap3A_707, %swap3A_708] {strides = array<i32>} : memref<32x128xf32, #tpu.memory_space<vmem>>, vector<16xf32>,
      tpu.vector_store %arg8[%swap3A_707, %swap3A_708], %broadcast_in_dim3A_0 {strides = array<i32>} : memref<32x128xf32, #tpu.memory_space<vmem>>, vector<16xf32>,
      %swap3A_710 = arith.constant 8 : i32
      %swap3A_711 = arith.index_cast %swap3A_710 : i32 to index
      %swap3A_712 = arith.constant 0 : index
      %swap3A_713 = tpu.vector_load %arg8[%swap3A_711, %swap3A_712] {strides = array<i32>} : memref<32x128xf32, #tpu.memory_space<vmem>>, vector<16xf32>,
      tpu.vector_store %arg8[%swap3A_711, %swap3A_712], %broadcast_in_dim3A_0 {strides = array<i32>} : memref<32x128xf32, #tpu.memory_space<vmem>>, vector<16xf32>,
      %swap3A_714 = arith.constant 8 : i32
      %swap3A_715 = arith.index_cast %swap3A_714 : i32 to index
      %swap3A_716 = arith.constant 16 : index
      %swap3A_717 = tpu.vector_load %arg8[%swap3A_715, %swap3A_716] {strides = array<i32>} : memref<32x128xf32, #tpu.memory_space<vmem>>, vector<16xf32>,
      tpu.vector_store %arg8[%swap3A_715, %swap3A_716], %broadcast_in_dim3A_0 {strides = array<i32>} : memref<32x128xf32, #tpu.memory_space<vmem>>, vector<16xf32>,
      %swap3A_718 = arith.constant 8 : i32
      %swap3A_719 = arith.index_cast %swap3A_718 : i32 to index
      %swap3A_720 = arith.constant 32 : index
      %swap3A_721 = tpu.vector_load %arg8[%swap3A_719, %swap3A_720] {strides = array<i32>} : memref<32x128xf32, #tpu.memory_space<vmem>>, vector<16xf32>,
      tpu.vector_store %arg8[%swap3A_719, %swap3A_720], %broadcast_in_dim3A_0 {strides = array<i32>} : memref<32x128xf32, #tpu.memory_space<vmem>>, vector<16xf32>,
      %swap3A_722 = arith.constant 8 : i32
      %swap3A_723 = arith.index_cast %swap3A_722 : i32 to index
      %swap3A_724 = arith.constant 48 : index
      %swap3A_725 = tpu.vector_load %arg8[%swap3A_723, %swap3A_724] {strides = array<i32>} : memref<32x128xf32, #tpu.memory_space<vmem>>, vector<16xf32>,
      tpu.vector_store %arg8[%swap3A_723, %swap3A_724], %broadcast_in_dim3A_0 {strides = array<i32>} : memref<32x128xf32, #tpu.memory_space<vmem>>, vector<16xf32>,
      %swap3A_726 = arith.constant 8 : i32
      %swap3A_727 = arith.index_cast %swap3A_726 : i32 to index
      %swap3A_728 = arith.constant 64 : index
      %swap3A_729 = tpu.vector_load %arg8[%swap3A_727, %swap3A_728] {strides = array<i32>} : memref<32x128xf32, #tpu.memory_space<vmem>>, vector<16xf32>,
      tpu.vector_store %arg8[%swap3A_727, %swap3A_728], %broadcast_in_dim3A_0 {strides = array<i32>} : memref<32x128xf32, #tpu.memory_space<vmem>>, vector<16xf32>,
      %swap3A_730 = arith.constant 8 : i32
      %swap3A_731 = arith.index_cast %swap3A_730 : i32 to index
      %swap3A_732 = arith.constant 80 : index
      %swap3A_733 = tpu.vector_load %arg8[%swap3A_731, %swap3A_732] {strides = array<i32>} : memref<32x128xf32, #tpu.memory_space<vmem>>, vector<16xf32>,
      tpu.vector_store %arg8[%swap3A_731, %swap3A_732], %broadcast_in_dim3A_0 {strides = array<i32>} : memref<32x128xf32, #tpu.memory_space<vmem>>, vector<16xf32>,
      %swap3A_734 = arith.constant 8 : i32
      %swap3A_735 = arith.index_cast %swap3A_734 : i32 to index
      %swap3A_736 = arith.constant 96 : index
      %swap3A_737 = tpu.vector_load %arg8[%swap3A_735, %swap3A_736] {strides = array<i32>} : memref<32x128xf32, #tpu.memory_space<vmem>>, vector<16xf32>,
      tpu.vector_store %arg8[%swap3A_735, %swap3A_736], %broadcast_in_dim3A_0 {strides = array<i32>} : memref<32x128xf32, #tpu.memory_space<vmem>>, vector<16xf32>,
      %swap3A_738 = arith.constant 8 : i32
      %swap3A_739 = arith.index_cast %swap3A_738 : i32 to index
      %swap3A_740 = arith.constant 112 : index
      %swap3A_741 = tpu.vector_load %arg8[%swap3A_739, %swap3A_740] {strides = array<i32>} : memref<32x128xf32, #tpu.memory_space<vmem>>, vector<16xf32>,
      tpu.vector_store %arg8[%swap3A_739, %swap3A_740], %broadcast_in_dim3A_0 {strides = array<i32>} : memref<32x128xf32, #tpu.memory_space<vmem>>, vector<16xf32>,
      %swap3A_742 = arith.constant 9 : i32
      %swap3A_743 = arith.index_cast %swap3A_742 : i32 to index
      %swap3A_744 = arith.constant 0 : index
      %swap3A_745 = tpu.vector_load %arg8[%swap3A_743, %swap3A_744] {strides = array<i32>} : memref<32x128xf32, #tpu.memory_space<vmem>>, vector<16xf32>,
      tpu.vector_store %arg8[%swap3A_743, %swap3A_744], %broadcast_in_dim3A_0 {strides = array<i32>} : memref<32x128xf32, #tpu.memory_space<vmem>>, vector<16xf32>,
      %swap3A_746 = arith.constant 9 : i32
      %swap3A_747 = arith.index_cast %swap3A_746 : i32 to index
      %swap3A_748 = arith.constant 16 : index
      %swap3A_749 = tpu.vector_load %arg8[%swap3A_747, %swap3A_748] {strides = array<i32>} : memref<32x128xf32, #tpu.memory_space<vmem>>, vector<16xf32>,
      tpu.vector_store %arg8[%swap3A_747, %swap3A_748], %broadcast_in_dim3A_0 {strides = array<i32>} : memref<32x128xf32, #tpu.memory_space<vmem>>, vector<16xf32>,
      %swap3A_750 = arith.constant 9 : i32
      %swap3A_751 = arith.index_cast %swap3A_750 : i32 to index
      %swap3A_752 = arith.constant 32 : index
      %swap3A_753 = tpu.vector_load %arg8[%swap3A_751, %swap3A_752] {strides = array<i32>} : memref<32x128xf32, #tpu.memory_space<vmem>>, vector<16xf32>,
      tpu.vector_store %arg8[%swap3A_751, %swap3A_752], %broadcast_in_dim3A_0 {strides = array<i32>} : memref<32x128xf32, #tpu.memory_space<vmem>>, vector<16xf32>,
      %swap3A_754 = arith.constant 9 : i32
      %swap3A_755 = arith.index_cast %swap3A_754 : i32 to index
      %swap3A_756 = arith.constant 48 : index
      %swap3A_757 = tpu.vector_load %arg8[%swap3A_755, %swap3A_756] {strides = array<i32>} : memref<32x128xf32, #tpu.memory_space<vmem>>, vector<16xf32>,
      tpu.vector_store %arg8[%swap3A_755, %swap3A_756], %broadcast_in_dim3A_0 {strides = array<i32>} : memref<32x128xf32, #tpu.memory_space<vmem>>, vector<16xf32>,
      %swap3A_758 = arith.constant 9 : i32
      %swap3A_759 = arith.index_cast %swap3A_758 : i32 to index
      %swap3A_760 = arith.constant 64 : index
      %swap3A_761 = tpu.vector_load %arg8[%swap3A_759, %swap3A_760] {strides = array<i32>} : memref<32x128xf32, #tpu.memory_space<vmem>>, vector<16xf32>,
      tpu.vector_store %arg8[%swap3A_759, %swap3A_760], %broadcast_in_dim3A_0 {strides = array<i32>} : memref<32x128xf32, #tpu.memory_space<vmem>>, vector<16xf32>,
      %swap3A_762 = arith.constant 9 : i32
      %swap3A_763 = arith.index_cast %swap3A_762 : i32 to index
      %swap3A_764 = arith.constant 80 : index
      %swap3A_765 = tpu.vector_load %arg8[%swap3A_763, %swap3A_764] {strides = array<i32>} : memref<32x128xf32, #tpu.memory_space<vmem>>, vector<16xf32>,
      tpu.vector_store %arg8[%swap3A_763, %swap3A_764], %broadcast_in_dim3A_0 {strides = array<i32>} : memref<32x128xf32, #tpu.memory_space<vmem>>, vector<16xf32>,
      %swap3A_766 = arith.constant 9 : i32
      %swap3A_767 = arith.index_cast %swap3A_766 : i32 to index
      %swap3A_768 = arith.constant 96 : index
      %swap3A_769 = tpu.vector_load %arg8[%swap3A_767, %swap3A_768] {strides = array<i32>} : memref<32x128xf32, #tpu.memory_space<vmem>>, vector<16xf32>,
      tpu.vector_store %arg8[%swap3A_767, %swap3A_768], %broadcast_in_dim3A_0 {strides = array<i32>} : memref<32x128xf32, #tpu.memory_space<vmem>>, vector<16xf32>,
      %swap3A_770 = arith.constant 9 : i32
      %swap3A_771 = arith.index_cast %swap3A_770 : i32 to index
      %swap3A_772 = arith.constant 112 : index
      %swap3A_773 = tpu.vector_load %arg8[%swap3A_771, %swap3A_772] {strides = array<i32>} : memref<32x128xf32, #tpu.memory_space<vmem>>, vector<16xf32>,
      tpu.vector_store %arg8[%swap3A_771, %swap3A_772], %broadcast_in_dim3A_0 {strides = array<i32>} : memref<32x128xf32, #tpu.memory_space<vmem>>, vector<16xf32>,
      %swap3A_774 = arith.constant 10 : i32
      %swap3A_775 = arith.index_cast %swap3A_774 : i32 to index
      %swap3A_776 = arith.constant 0 : index
      %swap3A_777 = tpu.vector_load %arg8[%swap3A_775, %swap3A_776] {strides = array<i32>} : memref<32x128xf32, #tpu.memory_space<vmem>>, vector<16xf32>,
      tpu.vector_store %arg8[%swap3A_775, %swap3A_776], %broadcast_in_dim3A_0 {strides = array<i32>} : memref<32x128xf32, #tpu.memory_space<vmem>>, vector<16xf32>,
      %swap3A_778 = arith.constant 10 : i32
      %swap3A_779 = arith.index_cast %swap3A_778 : i32 to index
      %swap3A_780 = arith.constant 16 : index
      %swap3A_781 = tpu.vector_load %arg8[%swap3A_779, %swap3A_780] {strides = array<i32>} : memref<32x128xf32, #tpu.memory_space<vmem>>, vector<16xf32>,
      tpu.vector_store %arg8[%swap3A_779, %swap3A_780], %broadcast_in_dim3A_0 {strides = array<i32>} : memref<32x128xf32, #tpu.memory_space<vmem>>, vector<16xf32>,
      %swap3A_782 = arith.constant 10 : i32
      %swap3A_783 = arith.index_cast %swap3A_782 : i32 to index
      %swap3A_784 = arith.constant 32 : index
      %swap3A_785 = tpu.vector_load %arg8[%swap3A_783, %swap3A_784] {strides = array<i32>} : memref<32x128xf32, #tpu.memory_space<vmem>>, vector<16xf32>,
      tpu.vector_store %arg8[%swap3A_783, %swap3A_784], %broadcast_in_dim3A_0 {strides = array<i32>} : memref<32x128xf32, #tpu.memory_space<vmem>>, vector<16xf32>,
      %swap3A_786 = arith.constant 10 : i32
      %swap3A_787 = arith.index_cast %swap3A_786 : i32 to index
      %swap3A_788 = arith.constant 48 : index
      %swap3A_789 = tpu.vector_load %arg8[%swap3A_787, %swap3A_788] {strides = array<i32>} : memref<32x128xf32, #tpu.memory_space<vmem>>, vector<16xf32>,
      tpu.vector_store %arg8[%swap3A_787, %swap3A_788], %broadcast_in_dim3A_0 {strides = array<i32>} : memref<32x128xf32, #tpu.memory_space<vmem>>, vector<16xf32>,
      %swap3A_790 = arith.constant 10 : i32
      %swap3A_791 = arith.index_cast %swap3A_790 : i32 to index
      %swap3A_792 = arith.constant 64 : index
      %swap3A_793 = tpu.vector_load %arg8[%swap3A_791, %swap3A_792] {strides = array<i32>} : memref<32x128xf32, #tpu.memory_space<vmem>>, vector<16xf32>,
      tpu.vector_store %arg8[%swap3A_791, %swap3A_792], %broadcast_in_dim3A_0 {strides = array<i32>} : memref<32x128xf32, #tpu.memory_space<vmem>>, vector<16xf32>,
      %swap3A_794 = arith.constant 10 : i32
      %swap3A_795 = arith.index_cast %swap3A_794 : i32 to index
      %swap3A_796 = arith.constant 80 : index
      %swap3A_797 = tpu.vector_load %arg8[%swap3A_795, %swap3A_796] {strides = array<i32>} : memref<32x128xf32, #tpu.memory_space<vmem>>, vector<16xf32>,
      tpu.vector_store %arg8[%swap3A_795, %swap3A_796], %broadcast_in_dim3A_0 {strides = array<i32>} : memref<32x128xf32, #tpu.memory_space<vmem>>, vector<16xf32>,
      %swap3A_798 = arith.constant 10 : i32
      %swap3A_799 = arith.index_cast %swap3A_798 : i32 to index
      %swap3A_800 = arith.constant 96 : index
      %swap3A_801 = tpu.vector_load %arg8[%swap3A_799, %swap3A_800] {strides = array<i32>} : memref<32x128xf32, #tpu.memory_space<vmem>>, vector<16xf32>,
      tpu.vector_store %arg8[%swap3A_799, %swap3A_800], %broadcast_in_dim3A_0 {strides = array<i32>} : memref<32x128xf32, #tpu.memory_space<vmem>>, vector<16xf32>,
      %swap3A_802 = arith.constant 10 : i32
      %swap3A_803 = arith.index_cast %swap3A_802 : i32 to index
      %swap3A_804 = arith.constant 112 : index
      %swap3A_805 = tpu.vector_load %arg8[%swap3A_803, %swap3A_804] {strides = array<i32>} : memref<32x128xf32, #tpu.memory_space<vmem>>, vector<16xf32>,
      tpu.vector_store %arg8[%swap3A_803, %swap3A_804], %broadcast_in_dim3A_0 {strides = array<i32>} : memref<32x128xf32, #tpu.memory_space<vmem>>, vector<16xf32>,
      %swap3A_806 = arith.constant 11 : i32
      %swap3A_807 = arith.index_cast %swap3A_806 : i32 to index
      %swap3A_808 = arith.constant 0 : index
      %swap3A_809 = tpu.vector_load %arg8[%swap3A_807, %swap3A_808] {strides = array<i32>} : memref<32x128xf32, #tpu.memory_space<vmem>>, vector<16xf32>,
      tpu.vector_store %arg8[%swap3A_807, %swap3A_808], %broadcast_in_dim3A_0 {strides = array<i32>} : memref<32x128xf32, #tpu.memory_space<vmem>>, vector<16xf32>,
      %swap3A_810 = arith.constant 11 : i32
      %swap3A_811 = arith.index_cast %swap3A_810 : i32 to index
      %swap3A_812 = arith.constant 16 : index
      %swap3A_813 = tpu.vector_load %arg8[%swap3A_811, %swap3A_812] {strides = array<i32>} : memref<32x128xf32, #tpu.memory_space<vmem>>, vector<16xf32>,
      tpu.vector_store %arg8[%swap3A_811, %swap3A_812], %broadcast_in_dim3A_0 {strides = array<i32>} : memref<32x128xf32, #tpu.memory_space<vmem>>, vector<16xf32>,
      %swap3A_814 = arith.constant 11 : i32
      %swap3A_815 = arith.index_cast %swap3A_814 : i32 to index
      %swap3A_816 = arith.constant 32 : index
      %swap3A_817 = tpu.vector_load %arg8[%swap3A_815, %swap3A_816] {strides = array<i32>} : memref<32x128xf32, #tpu.memory_space<vmem>>, vector<16xf32>,
      tpu.vector_store %arg8[%swap3A_815, %swap3A_816], %broadcast_in_dim3A_0 {strides = array<i32>} : memref<32x128xf32, #tpu.memory_space<vmem>>, vector<16xf32>,
      %swap3A_818 = arith.constant 11 : i32
      %swap3A_819 = arith.index_cast %swap3A_818 : i32 to index
      %swap3A_820 = arith.constant 48 : index
      %swap3A_821 = tpu.vector_load %arg8[%swap3A_819, %swap3A_820] {strides = array<i32>} : memref<32x128xf32, #tpu.memory_space<vmem>>, vector<16xf32>,
      tpu.vector_store %arg8[%swap3A_819, %swap3A_820], %broadcast_in_dim3A_0 {strides = array<i32>} : memref<32x128xf32, #tpu.memory_space<vmem>>, vector<16xf32>,
      %swap3A_822 = arith.constant 11 : i32
      %swap3A_823 = arith.index_cast %swap3A_822 : i32 to index
      %swap3A_824 = arith.constant 64 : index
      %swap3A_825 = tpu.vector_load %arg8[%swap3A_823, %swap3A_824] {strides = array<i32>} : memref<32x128xf32, #tpu.memory_space<vmem>>, vector<16xf32>,
      tpu.vector_store %arg8[%swap3A_823, %swap3A_824], %broadcast_in_dim3A_0 {strides = array<i32>} : memref<32x128xf32, #tpu.memory_space<vmem>>, vector<16xf32>,
      %swap3A_826 = arith.constant 11 : i32
      %swap3A_827 = arith.index_cast %swap3A_826 : i32 to index
      %swap3A_828 = arith.constant 80 : index
      %swap3A_829 = tpu.vector_load %arg8[%swap3A_827, %swap3A_828] {strides = array<i32>} : memref<32x128xf32, #tpu.memory_space<vmem>>, vector<16xf32>,
      tpu.vector_store %arg8[%swap3A_827, %swap3A_828], %broadcast_in_dim3A_0 {strides = array<i32>} : memref<32x128xf32, #tpu.memory_space<vmem>>, vector<16xf32>,
      %swap3A_830 = arith.constant 11 : i32
      %swap3A_831 = arith.index_cast %swap3A_830 : i32 to index
      %swap3A_832 = arith.constant 96 : index
      %swap3A_833 = tpu.vector_load %arg8[%swap3A_831, %swap3A_832] {strides = array<i32>} : memref<32x128xf32, #tpu.memory_space<vmem>>, vector<16xf32>,
      tpu.vector_store %arg8[%swap3A_831, %swap3A_832], %broadcast_in_dim3A_0 {strides = array<i32>} : memref<32x128xf32, #tpu.memory_space<vmem>>, vector<16xf32>,
      %swap3A_834 = arith.constant 11 : i32
      %swap3A_835 = arith.index_cast %swap3A_834 : i32 to index
      %swap3A_836 = arith.constant 112 : index
      %swap3A_837 = tpu.vector_load %arg8[%swap3A_835, %swap3A_836] {strides = array<i32>} : memref<32x128xf32, #tpu.memory_space<vmem>>, vector<16xf32>,
      tpu.vector_store %arg8[%swap3A_835, %swap3A_836], %broadcast_in_dim3A_0 {strides = array<i32>} : memref<32x128xf32, #tpu.memory_space<vmem>>, vector<16xf32>,
      %swap3A_838 = arith.constant 12 : i32
      %swap3A_839 = arith.index_cast %swap3A_838 : i32 to index
      %swap3A_840 = arith.constant 0 : index
      %swap3A_841 = tpu.vector_load %arg8[%swap3A_839, %swap3A_840] {strides = array<i32>} : memref<32x128xf32, #tpu.memory_space<vmem>>, vector<16xf32>,
      tpu.vector_store %arg8[%swap3A_839, %swap3A_840], %broadcast_in_dim3A_0 {strides = array<i32>} : memref<32x128xf32, #tpu.memory_space<vmem>>, vector<16xf32>,
      %swap3A_842 = arith.constant 12 : i32
      %swap3A_843 = arith.index_cast %swap3A_842 : i32 to index
      %swap3A_844 = arith.constant 16 : index
      %swap3A_845 = tpu.vector_load %arg8[%swap3A_843, %swap3A_844] {strides = array<i32>} : memref<32x128xf32, #tpu.memory_space<vmem>>, vector<16xf32>,
      tpu.vector_store %arg8[%swap3A_843, %swap3A_844], %broadcast_in_dim3A_0 {strides = array<i32>} : memref<32x128xf32, #tpu.memory_space<vmem>>, vector<16xf32>,
      %swap3A_846 = arith.constant 12 : i32
      %swap3A_847 = arith.index_cast %swap3A_846 : i32 to index
      %swap3A_848 = arith.constant 32 : index
      %swap3A_849 = tpu.vector_load %arg8[%swap3A_847, %swap3A_848] {strides = array<i32>} : memref<32x128xf32, #tpu.memory_space<vmem>>, vector<16xf32>,
      tpu.vector_store %arg8[%swap3A_847, %swap3A_848], %broadcast_in_dim3A_0 {strides = array<i32>} : memref<32x128xf32, #tpu.memory_space<vmem>>, vector<16xf32>,
      %swap3A_850 = arith.constant 12 : i32
      %swap3A_851 = arith.index_cast %swap3A_850 : i32 to index
      %swap3A_852 = arith.constant 48 : index
      %swap3A_853 = tpu.vector_load %arg8[%swap3A_851, %swap3A_852] {strides = array<i32>} : memref<32x128xf32, #tpu.memory_space<vmem>>, vector<16xf32>,
      tpu.vector_store %arg8[%swap3A_851, %swap3A_852], %broadcast_in_dim3A_0 {strides = array<i32>} : memref<32x128xf32, #tpu.memory_space<vmem>>, vector<16xf32>,
      %swap3A_854 = arith.constant 12 : i32
      %swap3A_855 = arith.index_cast %swap3A_854 : i32 to index
      %swap3A_856 = arith.constant 64 : index
      %swap3A_857 = tpu.vector_load %arg8[%swap3A_855, %swap3A_856] {strides = array<i32>} : memref<32x128xf32, #tpu.memory_space<vmem>>, vector<16xf32>,
      tpu.vector_store %arg8[%swap3A_855, %swap3A_856], %broadcast_in_dim3A_0 {strides = array<i32>} : memref<32x128xf32, #tpu.memory_space<vmem>>, vector<16xf32>,
      %swap3A_858 = arith.constant 12 : i32
      %swap3A_859 = arith.index_cast %swap3A_858 : i32 to index
      %swap3A_860 = arith.constant 80 : index
      %swap3A_861 = tpu.vector_load %arg8[%swap3A_859, %swap3A_860] {strides = array<i32>} : memref<32x128xf32, #tpu.memory_space<vmem>>, vector<16xf32>,
      tpu.vector_store %arg8[%swap3A_859, %swap3A_860], %broadcast_in_dim3A_0 {strides = array<i32>} : memref<32x128xf32, #tpu.memory_space<vmem>>, vector<16xf32>,
      %swap3A_862 = arith.constant 12 : i32
      %swap3A_863 = arith.index_cast %swap3A_862 : i32 to index
      %swap3A_864 = arith.constant 96 : index
      %swap3A_865 = tpu.vector_load %arg8[%swap3A_863, %swap3A_864] {strides = array<i32>} : memref<32x128xf32, #tpu.memory_space<vmem>>, vector<16xf32>,
      tpu.vector_store %arg8[%swap3A_863, %swap3A_864], %broadcast_in_dim3A_0 {strides = array<i32>} : memref<32x128xf32, #tpu.memory_space<vmem>>, vector<16xf32>,
      %swap3A_866 = arith.constant 12 : i32
      %swap3A_867 = arith.index_cast %swap3A_866 : i32 to index
      %swap3A_868 = arith.constant 112 : index
      %swap3A_869 = tpu.vector_load %arg8[%swap3A_867, %swap3A_868] {strides = array<i32>} : memref<32x128xf32, #tpu.memory_space<vmem>>, vector<16xf32>,
      tpu.vector_store %arg8[%swap3A_867, %swap3A_868], %broadcast_in_dim3A_0 {strides = array<i32>} : memref<32x128xf32, #tpu.memory_space<vmem>>, vector<16xf32>,
      %swap3A_870 = arith.constant 13 : i32
      %swap3A_871 = arith.index_cast %swap3A_870 : i32 to index
      %swap3A_872 = arith.constant 0 : index
      %swap3A_873 = tpu.vector_load %arg8[%swap3A_871, %swap3A_872] {strides = array<i32>} : memref<32x128xf32, #tpu.memory_space<vmem>>, vector<16xf32>,
      tpu.vector_store %arg8[%swap3A_871, %swap3A_872], %broadcast_in_dim3A_0 {strides = array<i32>} : memref<32x128xf32, #tpu.memory_space<vmem>>, vector<16xf32>,
      %swap3A_874 = arith.constant 13 : i32
      %swap3A_875 = arith.index_cast %swap3A_874 : i32 to index
      %swap3A_876 = arith.constant 16 : index
      %swap3A_877 = tpu.vector_load %arg8[%swap3A_875, %swap3A_876] {strides = array<i32>} : memref<32x128xf32, #tpu.memory_space<vmem>>, vector<16xf32>,
      tpu.vector_store %arg8[%swap3A_875, %swap3A_876], %broadcast_in_dim3A_0 {strides = array<i32>} : memref<32x128xf32, #tpu.memory_space<vmem>>, vector<16xf32>,
      %swap3A_878 = arith.constant 13 : i32
      %swap3A_879 = arith.index_cast %swap3A_878 : i32 to index
      %swap3A_880 = arith.constant 32 : index
      %swap3A_881 = tpu.vector_load %arg8[%swap3A_879, %swap3A_880] {strides = array<i32>} : memref<32x128xf32, #tpu.memory_space<vmem>>, vector<16xf32>,
      tpu.vector_store %arg8[%swap3A_879, %swap3A_880], %broadcast_in_dim3A_0 {strides = array<i32>} : memref<32x128xf32, #tpu.memory_space<vmem>>, vector<16xf32>,
      %swap3A_882 = arith.constant 13 : i32
      %swap3A_883 = arith.index_cast %swap3A_882 : i32 to index
      %swap3A_884 = arith.constant 48 : index
      %swap3A_885 = tpu.vector_load %arg8[%swap3A_883, %swap3A_884] {strides = array<i32>} : memref<32x128xf32, #tpu.memory_space<vmem>>, vector<16xf32>,
      tpu.vector_store %arg8[%swap3A_883, %swap3A_884], %broadcast_in_dim3A_0 {strides = array<i32>} : memref<32x128xf32, #tpu.memory_space<vmem>>, vector<16xf32>,
      %swap3A_886 = arith.constant 13 : i32
      %swap3A_887 = arith.index_cast %swap3A_886 : i32 to index
      %swap3A_888 = arith.constant 64 : index
      %swap3A_889 = tpu.vector_load %arg8[%swap3A_887, %swap3A_888] {strides = array<i32>} : memref<32x128xf32, #tpu.memory_space<vmem>>, vector<16xf32>,
      tpu.vector_store %arg8[%swap3A_887, %swap3A_888], %broadcast_in_dim3A_0 {strides = array<i32>} : memref<32x128xf32, #tpu.memory_space<vmem>>, vector<16xf32>,
      %swap3A_890 = arith.constant 13 : i32
      %swap3A_891 = arith.index_cast %swap3A_890 : i32 to index
      %swap3A_892 = arith.constant 80 : index
      %swap3A_893 = tpu.vector_load %arg8[%swap3A_891, %swap3A_892] {strides = array<i32>} : memref<32x128xf32, #tpu.memory_space<vmem>>, vector<16xf32>,
      tpu.vector_store %arg8[%swap3A_891, %swap3A_892], %broadcast_in_dim3A_0 {strides = array<i32>} : memref<32x128xf32, #tpu.memory_space<vmem>>, vector<16xf32>,
      %swap3A_894 = arith.constant 13 : i32
      %swap3A_895 = arith.index_cast %swap3A_894 : i32 to index
      %swap3A_896 = arith.constant 96 : index
      %swap3A_897 = tpu.vector_load %arg8[%swap3A_895, %swap3A_896] {strides = array<i32>} : memref<32x128xf32, #tpu.memory_space<vmem>>, vector<16xf32>,
      tpu.vector_store %arg8[%swap3A_895, %swap3A_896], %broadcast_in_dim3A_0 {strides = array<i32>} : memref<32x128xf32, #tpu.memory_space<vmem>>, vector<16xf32>,
      %swap3A_898 = arith.constant 13 : i32
      %swap3A_899 = arith.index_cast %swap3A_898 : i32 to index
      %swap3A_900 = arith.constant 112 : index
      %swap3A_901 = tpu.vector_load %arg8[%swap3A_899, %swap3A_900] {strides = array<i32>} : memref<32x128xf32, #tpu.memory_space<vmem>>, vector<16xf32>,
      tpu.vector_store %arg8[%swap3A_899, %swap3A_900], %broadcast_in_dim3A_0 {strides = array<i32>} : memref<32x128xf32, #tpu.memory_space<vmem>>, vector<16xf32>,
      %swap3A_902 = arith.constant 14 : i32
      %swap3A_903 = arith.index_cast %swap3A_902 : i32 to index
      %swap3A_904 = arith.constant 0 : index
      %swap3A_905 = tpu.vector_load %arg8[%swap3A_903, %swap3A_904] {strides = array<i32>} : memref<32x128xf32, #tpu.memory_space<vmem>>, vector<16xf32>,
      tpu.vector_store %arg8[%swap3A_903, %swap3A_904], %broadcast_in_dim3A_0 {strides = array<i32>} : memref<32x128xf32, #tpu.memory_space<vmem>>, vector<16xf32>,
      %swap3A_906 = arith.constant 14 : i32
      %swap3A_907 = arith.index_cast %swap3A_906 : i32 to index
      %swap3A_908 = arith.constant 16 : index
      %swap3A_909 = tpu.vector_load %arg8[%swap3A_907, %swap3A_908] {strides = array<i32>} : memref<32x128xf32, #tpu.memory_space<vmem>>, vector<16xf32>,
      tpu.vector_store %arg8[%swap3A_907, %swap3A_908], %broadcast_in_dim3A_0 {strides = array<i32>} : memref<32x128xf32, #tpu.memory_space<vmem>>, vector<16xf32>,
      %swap3A_910 = arith.constant 14 : i32
      %swap3A_911 = arith.index_cast %swap3A_910 : i32 to index
      %swap3A_912 = arith.constant 32 : index
      %swap3A_913 = tpu.vector_load %arg8[%swap3A_911, %swap3A_912] {strides = array<i32>} : memref<32x128xf32, #tpu.memory_space<vmem>>, vector<16xf32>,
      tpu.vector_store %arg8[%swap3A_911, %swap3A_912], %broadcast_in_dim3A_0 {strides = array<i32>} : memref<32x128xf32, #tpu.memory_space<vmem>>, vector<16xf32>,
      %swap3A_914 = arith.constant 14 : i32
      %swap3A_915 = arith.index_cast %swap3A_914 : i32 to index
      %swap3A_916 = arith.constant 48 : index
      %swap3A_917 = tpu.vector_load %arg8[%swap3A_915, %swap3A_916] {strides = array<i32>} : memref<32x128xf32, #tpu.memory_space<vmem>>, vector<16xf32>,
      tpu.vector_store %arg8[%swap3A_915, %swap3A_916], %broadcast_in_dim3A_0 {strides = array<i32>} : memref<32x128xf32, #tpu.memory_space<vmem>>, vector<16xf32>,
      %swap3A_918 = arith.constant 14 : i32
      %swap3A_919 = arith.index_cast %swap3A_918 : i32 to index
      %swap3A_920 = arith.constant 64 : index
      %swap3A_921 = tpu.vector_load %arg8[%swap3A_919, %swap3A_920] {strides = array<i32>} : memref<32x128xf32, #tpu.memory_space<vmem>>, vector<16xf32>,
      tpu.vector_store %arg8[%swap3A_919, %swap3A_920], %broadcast_in_dim3A_0 {strides = array<i32>} : memref<32x128xf32, #tpu.memory_space<vmem>>, vector<16xf32>,
      %swap3A_922 = arith.constant 14 : i32
      %swap3A_923 = arith.index_cast %swap3A_922 : i32 to index
      %swap3A_924 = arith.constant 80 : index
      %swap3A_925 = tpu.vector_load %arg8[%swap3A_923, %swap3A_924] {strides = array<i32>} : memref<32x128xf32, #tpu.memory_space<vmem>>, vector<16xf32>,
      tpu.vector_store %arg8[%swap3A_923, %swap3A_924], %broadcast_in_dim3A_0 {strides = array<i32>} : memref<32x128xf32, #tpu.memory_space<vmem>>, vector<16xf32>,
      %swap3A_926 = arith.constant 14 : i32
      %swap3A_927 = arith.index_cast %swap3A_926 : i32 to index
      %swap3A_928 = arith.constant 96 : index
      %swap3A_929 = tpu.vector_load %arg8[%swap3A_927, %swap3A_928] {strides = array<i32>} : memref<32x128xf32, #tpu.memory_space<vmem>>, vector<16xf32>,
      tpu.vector_store %arg8[%swap3A_927, %swap3A_928], %broadcast_in_dim3A_0 {strides = array<i32>} : memref<32x128xf32, #tpu.memory_space<vmem>>, vector<16xf32>,
      %swap3A_930 = arith.constant 14 : i32
      %swap3A_931 = arith.index_cast %swap3A_930 : i32 to index
      %swap3A_932 = arith.constant 112 : index
      %swap3A_933 = tpu.vector_load %arg8[%swap3A_931, %swap3A_932] {strides = array<i32>} : memref<32x128xf32, #tpu.memory_space<vmem>>, vector<16xf32>,
      tpu.vector_store %arg8[%swap3A_931, %swap3A_932], %broadcast_in_dim3A_0 {strides = array<i32>} : memref<32x128xf32, #tpu.memory_space<vmem>>, vector<16xf32>,
      %swap3A_934 = arith.constant 15 : i32
      %swap3A_935 = arith.index_cast %swap3A_934 : i32 to index
      %swap3A_936 = arith.constant 0 : index
      %swap3A_937 = tpu.vector_load %arg8[%swap3A_935, %swap3A_936] {strides = array<i32>} : memref<32x128xf32, #tpu.memory_space<vmem>>, vector<16xf32>,
      tpu.vector_store %arg8[%swap3A_935, %swap3A_936], %broadcast_in_dim3A_0 {strides = array<i32>} : memref<32x128xf32, #tpu.memory_space<vmem>>, vector<16xf32>,
      %swap3A_938 = arith.constant 15 : i32
      %swap3A_939 = arith.index_cast %swap3A_938 : i32 to index
      %swap3A_940 = arith.constant 16 : index
      %swap3A_941 = tpu.vector_load %arg8[%swap3A_939, %swap3A_940] {strides = array<i32>} : memref<32x128xf32, #tpu.memory_space<vmem>>, vector<16xf32>,
      tpu.vector_store %arg8[%swap3A_939, %swap3A_940], %broadcast_in_dim3A_0 {strides = array<i32>} : memref<32x128xf32, #tpu.memory_space<vmem>>, vector<16xf32>,
      %swap3A_942 = arith.constant 15 : i32
      %swap3A_943 = arith.index_cast %swap3A_942 : i32 to index
      %swap3A_944 = arith.constant 32 : index
      %swap3A_945 = tpu.vector_load %arg8[%swap3A_943, %swap3A_944] {strides = array<i32>} : memref<32x128xf32, #tpu.memory_space<vmem>>, vector<16xf32>,
      tpu.vector_store %arg8[%swap3A_943, %swap3A_944], %broadcast_in_dim3A_0 {strides = array<i32>} : memref<32x128xf32, #tpu.memory_space<vmem>>, vector<16xf32>,
      %swap3A_946 = arith.constant 15 : i32
      %swap3A_947 = arith.index_cast %swap3A_946 : i32 to index
      %swap3A_948 = arith.constant 48 : index
      %swap3A_949 = tpu.vector_load %arg8[%swap3A_947, %swap3A_948] {strides = array<i32>} : memref<32x128xf32, #tpu.memory_space<vmem>>, vector<16xf32>,
      tpu.vector_store %arg8[%swap3A_947, %swap3A_948], %broadcast_in_dim3A_0 {strides = array<i32>} : memref<32x128xf32, #tpu.memory_space<vmem>>, vector<16xf32>,
      %swap3A_950 = arith.constant 15 : i32
      %swap3A_951 = arith.index_cast %swap3A_950 : i32 to index
      %swap3A_952 = arith.constant 64 : index
      %swap3A_953 = tpu.vector_load %arg8[%swap3A_951, %swap3A_952] {strides = array<i32>} : memref<32x128xf32, #tpu.memory_space<vmem>>, vector<16xf32>,
      tpu.vector_store %arg8[%swap3A_951, %swap3A_952], %broadcast_in_dim3A_0 {strides = array<i32>} : memref<32x128xf32, #tpu.memory_space<vmem>>, vector<16xf32>,
      %swap3A_954 = arith.constant 15 : i32
      %swap3A_955 = arith.index_cast %swap3A_954 : i32 to index
      %swap3A_956 = arith.constant 80 : index
      %swap3A_957 = tpu.vector_load %arg8[%swap3A_955, %swap3A_956] {strides = array<i32>} : memref<32x128xf32, #tpu.memory_space<vmem>>, vector<16xf32>,
      tpu.vector_store %arg8[%swap3A_955, %swap3A_956], %broadcast_in_dim3A_0 {strides = array<i32>} : memref<32x128xf32, #tpu.memory_space<vmem>>, vector<16xf32>,
      %swap3A_958 = arith.constant 15 : i32
      %swap3A_959 = arith.index_cast %swap3A_958 : i32 to index
      %swap3A_960 = arith.constant 96 : index
      %swap3A_961 = tpu.vector_load %arg8[%swap3A_959, %swap3A_960] {strides = array<i32>} : memref<32x128xf32, #tpu.memory_space<vmem>>, vector<16xf32>,
      tpu.vector_store %arg8[%swap3A_959, %swap3A_960], %broadcast_in_dim3A_0 {strides = array<i32>} : memref<32x128xf32, #tpu.memory_space<vmem>>, vector<16xf32>,
      %swap3A_962 = arith.constant 15 : i32
      %swap3A_963 = arith.index_cast %swap3A_962 : i32 to index
      %swap3A_964 = arith.constant 112 : index
      %swap3A_965 = tpu.vector_load %arg8[%swap3A_963, %swap3A_964] {strides = array<i32>} : memref<32x128xf32, #tpu.memory_space<vmem>>, vector<16xf32>,
      tpu.vector_store %arg8[%swap3A_963, %swap3A_964], %broadcast_in_dim3A_0 {strides = array<i32>} : memref<32x128xf32, #tpu.memory_space<vmem>>, vector<16xf32>,
      %swap3A_966 = arith.constant 16 : i32
      %swap3A_967 = arith.index_cast %swap3A_966 : i32 to index
      %swap3A_968 = arith.constant 0 : index
      %swap3A_969 = tpu.vector_load %arg8[%swap3A_967, %swap3A_968] {strides = array<i32>} : memref<32x128xf32, #tpu.memory_space<vmem>>, vector<16xf32>,
      tpu.vector_store %arg8[%swap3A_967, %swap3A_968], %broadcast_in_dim3A_0 {strides = array<i32>} : memref<32x128xf32, #tpu.memory_space<vmem>>, vector<16xf32>,
      %swap3A_970 = arith.constant 16 : i32
      %swap3A_971 = arith.index_cast %swap3A_970 : i32 to index
      %swap3A_972 = arith.constant 16 : index
      %swap3A_973 = tpu.vector_load %arg8[%swap3A_971, %swap3A_972] {strides = array<i32>} : memref<32x128xf32, #tpu.memory_space<vmem>>, vector<16xf32>,
      tpu.vector_store %arg8[%swap3A_971, %swap3A_972], %broadcast_in_dim3A_0 {strides = array<i32>} : memref<32x128xf32, #tpu.memory_space<vmem>>, vector<16xf32>,
      %swap3A_974 = arith.constant 16 : i32
      %swap3A_975 = arith.index_cast %swap3A_974 : i32 to index
      %swap3A_976 = arith.constant 32 : index
      %swap3A_977 = tpu.vector_load %arg8[%swap3A_975, %swap3A_976] {strides = array<i32>} : memref<32x128xf32, #tpu.memory_space<vmem>>, vector<16xf32>,
      tpu.vector_store %arg8[%swap3A_975, %swap3A_976], %broadcast_in_dim3A_0 {strides = array<i32>} : memref<32x128xf32, #tpu.memory_space<vmem>>, vector<16xf32>,
      %swap3A_978 = arith.constant 16 : i32
      %swap3A_979 = arith.index_cast %swap3A_978 : i32 to index
      %swap3A_980 = arith.constant 48 : index
      %swap3A_981 = tpu.vector_load %arg8[%swap3A_979, %swap3A_980] {strides = array<i32>} : memref<32x128xf32, #tpu.memory_space<vmem>>, vector<16xf32>,
      tpu.vector_store %arg8[%swap3A_979, %swap3A_980], %broadcast_in_dim3A_0 {strides = array<i32>} : memref<32x128xf32, #tpu.memory_space<vmem>>, vector<16xf32>,
      %swap3A_982 = arith.constant 16 : i32
      %swap3A_983 = arith.index_cast %swap3A_982 : i32 to index
      %swap3A_984 = arith.constant 64 : index
      %swap3A_985 = tpu.vector_load %arg8[%swap3A_983, %swap3A_984] {strides = array<i32>} : memref<32x128xf32, #tpu.memory_space<vmem>>, vector<16xf32>,
      tpu.vector_store %arg8[%swap3A_983, %swap3A_984], %broadcast_in_dim3A_0 {strides = array<i32>} : memref<32x128xf32, #tpu.memory_space<vmem>>, vector<16xf32>,
      %swap3A_986 = arith.constant 16 : i32
      %swap3A_987 = arith.index_cast %swap3A_986 : i32 to index
      %swap3A_988 = arith.constant 80 : index
      %swap3A_989 = tpu.vector_load %arg8[%swap3A_987, %swap3A_988] {strides = array<i32>} : memref<32x128xf32, #tpu.memory_space<vmem>>, vector<16xf32>,
      tpu.vector_store %arg8[%swap3A_987, %swap3A_988], %broadcast_in_dim3A_0 {strides = array<i32>} : memref<32x128xf32, #tpu.memory_space<vmem>>, vector<16xf32>,
      %swap3A_990 = arith.constant 16 : i32
      %swap3A_991 = arith.index_cast %swap3A_990 : i32 to index
      %swap3A_992 = arith.constant 96 : index
      %swap3A_993 = tpu.vector_load %arg8[%swap3A_991, %swap3A_992] {strides = array<i32>} : memref<32x128xf32, #tpu.memory_space<vmem>>, vector<16xf32>,
      tpu.vector_store %arg8[%swap3A_991, %swap3A_992], %broadcast_in_dim3A_0 {strides = array<i32>} : memref<32x128xf32, #tpu.memory_space<vmem>>, vector<16xf32>,
      %swap3A_994 = arith.constant 16 : i32
      %swap3A_995 = arith.index_cast %swap3A_994 : i32 to index
      %swap3A_996 = arith.constant 112 : index
      %swap3A_997 = tpu.vector_load %arg8[%swap3A_995, %swap3A_996] {strides = array<i32>} : memref<32x128xf32, #tpu.memory_space<vmem>>, vector<16xf32>,
      tpu.vector_store %arg8[%swap3A_995, %swap3A_996], %broadcast_in_dim3A_0 {strides = array<i32>} : memref<32x128xf32, #tpu.memory_space<vmem>>, vector<16xf32>,
      %swap3A_998 = arith.constant 17 : i32
      %swap3A_999 = arith.index_cast %swap3A_998 : i32 to index
      %swap3A_1000 = arith.constant 0 : index
      %swap3A_1001 = tpu.vector_load %arg8[%swap3A_999, %swap3A_1000] {strides = array<i32>} : memref<32x128xf32, #tpu.memory_space<vmem>>, vector<16xf32>,
      tpu.vector_store %arg8[%swap3A_999, %swap3A_1000], %broadcast_in_dim3A_0 {strides = array<i32>} : memref<32x128xf32, #tpu.memory_space<vmem>>, vector<16xf32>,
      %swap3A_1002 = arith.constant 17 : i32
      %swap3A_1003 = arith.index_cast %swap3A_1002 : i32 to index
      %swap3A_1004 = arith.constant 16 : index
      %swap3A_1005 = tpu.vector_load %arg8[%swap3A_1003, %swap3A_1004] {strides = array<i32>} : memref<32x128xf32, #tpu.memory_space<vmem>>, vector<16xf32>,
      tpu.vector_store %arg8[%swap3A_1003, %swap3A_1004], %broadcast_in_dim3A_0 {strides = array<i32>} : memref<32x128xf32, #tpu.memory_space<vmem>>, vector<16xf32>,
      %swap3A_1006 = arith.constant 17 : i32
      %swap3A_1007 = arith.index_cast %swap3A_1006 : i32 to index
      %swap3A_1008 = arith.constant 32 : index
      %swap3A_1009 = tpu.vector_load %arg8[%swap3A_1007, %swap3A_1008] {strides = array<i32>} : memref<32x128xf32, #tpu.memory_space<vmem>>, vector<16xf32>,
      tpu.vector_store %arg8[%swap3A_1007, %swap3A_1008], %broadcast_in_dim3A_0 {strides = array<i32>} : memref<32x128xf32, #tpu.memory_space<vmem>>, vector<16xf32>,
      %swap3A_1010 = arith.constant 17 : i32
      %swap3A_1011 = arith.index_cast %swap3A_1010 : i32 to index
      %swap3A_1012 = arith.constant 48 : index
      %swap3A_1013 = tpu.vector_load %arg8[%swap3A_1011, %swap3A_1012] {strides = array<i32>} : memref<32x128xf32, #tpu.memory_space<vmem>>, vector<16xf32>,
      tpu.vector_store %arg8[%swap3A_1011, %swap3A_1012], %broadcast_in_dim3A_0 {strides = array<i32>} : memref<32x128xf32, #tpu.memory_space<vmem>>, vector<16xf32>,
      %swap3A_1014 = arith.constant 17 : i32
      %swap3A_1015 = arith.index_cast %swap3A_1014 : i32 to index
      %swap3A_1016 = arith.constant 64 : index
      %swap3A_1017 = tpu.vector_load %arg8[%swap3A_1015, %swap3A_1016] {strides = array<i32>} : memref<32x128xf32, #tpu.memory_space<vmem>>, vector<16xf32>,
      tpu.vector_store %arg8[%swap3A_1015, %swap3A_1016], %broadcast_in_dim3A_0 {strides = array<i32>} : memref<32x128xf32, #tpu.memory_space<vmem>>, vector<16xf32>,
      %swap3A_1018 = arith.constant 17 : i32
      %swap3A_1019 = arith.index_cast %swap3A_1018 : i32 to index
      %swap3A_1020 = arith.constant 80 : index
      %swap3A_1021 = tpu.vector_load %arg8[%swap3A_1019, %swap3A_1020] {strides = array<i32>} : memref<32x128xf32, #tpu.memory_space<vmem>>, vector<16xf32>,
      tpu.vector_store %arg8[%swap3A_1019, %swap3A_1020], %broadcast_in_dim3A_0 {strides = array<i32>} : memref<32x128xf32, #tpu.memory_space<vmem>>, vector<16xf32>,
      %swap3A_1022 = arith.constant 17 : i32
      %swap3A_1023 = arith.index_cast %swap3A_1022 : i32 to index
      %swap3A_1024 = arith.constant 96 : index
      %swap3A_1025 = tpu.vector_load %arg8[%swap3A_1023, %swap3A_1024] {strides = array<i32>} : memref<32x128xf32, #tpu.memory_space<vmem>>, vector<16xf32>,
      tpu.vector_store %arg8[%swap3A_1023, %swap3A_1024], %broadcast_in_dim3A_0 {strides = array<i32>} : memref<32x128xf32, #tpu.memory_space<vmem>>, vector<16xf32>,
      %swap3A_1026 = arith.constant 17 : i32
      %swap3A_1027 = arith.index_cast %swap3A_1026 : i32 to index
      %swap3A_1028 = arith.constant 112 : index
      %swap3A_1029 = tpu.vector_load %arg8[%swap3A_1027, %swap3A_1028] {strides = array<i32>} : memref<32x128xf32, #tpu.memory_space<vmem>>, vector<16xf32>,
      tpu.vector_store %arg8[%swap3A_1027, %swap3A_1028], %broadcast_in_dim3A_0 {strides = array<i32>} : memref<32x128xf32, #tpu.memory_space<vmem>>, vector<16xf32>,
      %swap3A_1030 = arith.constant 18 : i32
      %swap3A_1031 = arith.index_cast %swap3A_1030 : i32 to index
      %swap3A_1032 = arith.constant 0 : index
      %swap3A_1033 = tpu.vector_load %arg8[%swap3A_1031, %swap3A_1032] {strides = array<i32>} : memref<32x128xf32, #tpu.memory_space<vmem>>, vector<16xf32>,
      tpu.vector_store %arg8[%swap3A_1031, %swap3A_1032], %broadcast_in_dim3A_0 {strides = array<i32>} : memref<32x128xf32, #tpu.memory_space<vmem>>, vector<16xf32>,
      %swap3A_1034 = arith.constant 18 : i32
      %swap3A_1035 = arith.index_cast %swap3A_1034 : i32 to index
      %swap3A_1036 = arith.constant 16 : index
      %swap3A_1037 = tpu.vector_load %arg8[%swap3A_1035, %swap3A_1036] {strides = array<i32>} : memref<32x128xf32, #tpu.memory_space<vmem>>, vector<16xf32>,
      tpu.vector_store %arg8[%swap3A_1035, %swap3A_1036], %broadcast_in_dim3A_0 {strides = array<i32>} : memref<32x128xf32, #tpu.memory_space<vmem>>, vector<16xf32>,
      %swap3A_1038 = arith.constant 18 : i32
      %swap3A_1039 = arith.index_cast %swap3A_1038 : i32 to index
      %swap3A_1040 = arith.constant 32 : index
      %swap3A_1041 = tpu.vector_load %arg8[%swap3A_1039, %swap3A_1040] {strides = array<i32>} : memref<32x128xf32, #tpu.memory_space<vmem>>, vector<16xf32>,
      tpu.vector_store %arg8[%swap3A_1039, %swap3A_1040], %broadcast_in_dim3A_0 {strides = array<i32>} : memref<32x128xf32, #tpu.memory_space<vmem>>, vector<16xf32>,
      %swap3A_1042 = arith.constant 18 : i32
      %swap3A_1043 = arith.index_cast %swap3A_1042 : i32 to index
      %swap3A_1044 = arith.constant 48 : index
      %swap3A_1045 = tpu.vector_load %arg8[%swap3A_1043, %swap3A_1044] {strides = array<i32>} : memref<32x128xf32, #tpu.memory_space<vmem>>, vector<16xf32>,
      tpu.vector_store %arg8[%swap3A_1043, %swap3A_1044], %broadcast_in_dim3A_0 {strides = array<i32>} : memref<32x128xf32, #tpu.memory_space<vmem>>, vector<16xf32>,
      %swap3A_1046 = arith.constant 18 : i32
      %swap3A_1047 = arith.index_cast %swap3A_1046 : i32 to index
      %swap3A_1048 = arith.constant 64 : index
      %swap3A_1049 = tpu.vector_load %arg8[%swap3A_1047, %swap3A_1048] {strides = array<i32>} : memref<32x128xf32, #tpu.memory_space<vmem>>, vector<16xf32>,
      tpu.vector_store %arg8[%swap3A_1047, %swap3A_1048], %broadcast_in_dim3A_0 {strides = array<i32>} : memref<32x128xf32, #tpu.memory_space<vmem>>, vector<16xf32>,
      %swap3A_1050 = arith.constant 18 : i32
      %swap3A_1051 = arith.index_cast %swap3A_1050 : i32 to index
      %swap3A_1052 = arith.constant 80 : index
      %swap3A_1053 = tpu.vector_load %arg8[%swap3A_1051, %swap3A_1052] {strides = array<i32>} : memref<32x128xf32, #tpu.memory_space<vmem>>, vector<16xf32>,
      tpu.vector_store %arg8[%swap3A_1051, %swap3A_1052], %broadcast_in_dim3A_0 {strides = array<i32>} : memref<32x128xf32, #tpu.memory_space<vmem>>, vector<16xf32>,
      %swap3A_1054 = arith.constant 18 : i32
      %swap3A_1055 = arith.index_cast %swap3A_1054 : i32 to index
      %swap3A_1056 = arith.constant 96 : index
      %swap3A_1057 = tpu.vector_load %arg8[%swap3A_1055, %swap3A_1056] {strides = array<i32>} : memref<32x128xf32, #tpu.memory_space<vmem>>, vector<16xf32>,
      tpu.vector_store %arg8[%swap3A_1055, %swap3A_1056], %broadcast_in_dim3A_0 {strides = array<i32>} : memref<32x128xf32, #tpu.memory_space<vmem>>, vector<16xf32>,
      %swap3A_1058 = arith.constant 18 : i32
      %swap3A_1059 = arith.index_cast %swap3A_1058 : i32 to index
      %swap3A_1060 = arith.constant 112 : index
      %swap3A_1061 = tpu.vector_load %arg8[%swap3A_1059, %swap3A_1060] {strides = array<i32>} : memref<32x128xf32, #tpu.memory_space<vmem>>, vector<16xf32>,
      tpu.vector_store %arg8[%swap3A_1059, %swap3A_1060], %broadcast_in_dim3A_0 {strides = array<i32>} : memref<32x128xf32, #tpu.memory_space<vmem>>, vector<16xf32>,
      %swap3A_1062 = arith.constant 19 : i32
      %swap3A_1063 = arith.index_cast %swap3A_1062 : i32 to index
      %swap3A_1064 = arith.constant 0 : index
      %swap3A_1065 = tpu.vector_load %arg8[%swap3A_1063, %swap3A_1064] {strides = array<i32>} : memref<32x128xf32, #tpu.memory_space<vmem>>, vector<16xf32>,
      tpu.vector_store %arg8[%swap3A_1063, %swap3A_1064], %broadcast_in_dim3A_0 {strides = array<i32>} : memref<32x128xf32, #tpu.memory_space<vmem>>, vector<16xf32>,
      %swap3A_1066 = arith.constant 19 : i32
      %swap3A_1067 = arith.index_cast %swap3A_1066 : i32 to index
      %swap3A_1068 = arith.constant 16 : index
      %swap3A_1069 = tpu.vector_load %arg8[%swap3A_1067, %swap3A_1068] {strides = array<i32>} : memref<32x128xf32, #tpu.memory_space<vmem>>, vector<16xf32>,
      tpu.vector_store %arg8[%swap3A_1067, %swap3A_1068], %broadcast_in_dim3A_0 {strides = array<i32>} : memref<32x128xf32, #tpu.memory_space<vmem>>, vector<16xf32>,
      %swap3A_1070 = arith.constant 19 : i32
      %swap3A_1071 = arith.index_cast %swap3A_1070 : i32 to index
      %swap3A_1072 = arith.constant 32 : index
      %swap3A_1073 = tpu.vector_load %arg8[%swap3A_1071, %swap3A_1072] {strides = array<i32>} : memref<32x128xf32, #tpu.memory_space<vmem>>, vector<16xf32>,
      tpu.vector_store %arg8[%swap3A_1071, %swap3A_1072], %broadcast_in_dim3A_0 {strides = array<i32>} : memref<32x128xf32, #tpu.memory_space<vmem>>, vector<16xf32>,
      %swap3A_1074 = arith.constant 19 : i32
      %swap3A_1075 = arith.index_cast %swap3A_1074 : i32 to index
      %swap3A_1076 = arith.constant 48 : index
      %swap3A_1077 = tpu.vector_load %arg8[%swap3A_1075, %swap3A_1076] {strides = array<i32>} : memref<32x128xf32, #tpu.memory_space<vmem>>, vector<16xf32>,
      tpu.vector_store %arg8[%swap3A_1075, %swap3A_1076], %broadcast_in_dim3A_0 {strides = array<i32>} : memref<32x128xf32, #tpu.memory_space<vmem>>, vector<16xf32>,
      %swap3A_1078 = arith.constant 19 : i32
      %swap3A_1079 = arith.index_cast %swap3A_1078 : i32 to index
      %swap3A_1080 = arith.constant 64 : index
      %swap3A_1081 = tpu.vector_load %arg8[%swap3A_1079, %swap3A_1080] {strides = array<i32>} : memref<32x128xf32, #tpu.memory_space<vmem>>, vector<16xf32>,
      tpu.vector_store %arg8[%swap3A_1079, %swap3A_1080], %broadcast_in_dim3A_0 {strides = array<i32>} : memref<32x128xf32, #tpu.memory_space<vmem>>, vector<16xf32>,
      %swap3A_1082 = arith.constant 19 : i32
      %swap3A_1083 = arith.index_cast %swap3A_1082 : i32 to index
      %swap3A_1084 = arith.constant 80 : index
      %swap3A_1085 = tpu.vector_load %arg8[%swap3A_1083, %swap3A_1084] {strides = array<i32>} : memref<32x128xf32, #tpu.memory_space<vmem>>, vector<16xf32>,
      tpu.vector_store %arg8[%swap3A_1083, %swap3A_1084], %broadcast_in_dim3A_0 {strides = array<i32>} : memref<32x128xf32, #tpu.memory_space<vmem>>, vector<16xf32>,
      %swap3A_1086 = arith.constant 19 : i32
      %swap3A_1087 = arith.index_cast %swap3A_1086 : i32 to index
      %swap3A_1088 = arith.constant 96 : index
      %swap3A_1089 = tpu.vector_load %arg8[%swap3A_1087, %swap3A_1088] {strides = array<i32>} : memref<32x128xf32, #tpu.memory_space<vmem>>, vector<16xf32>,
      tpu.vector_store %arg8[%swap3A_1087, %swap3A_1088], %broadcast_in_dim3A_0 {strides = array<i32>} : memref<32x128xf32, #tpu.memory_space<vmem>>, vector<16xf32>,
      %swap3A_1090 = arith.constant 19 : i32
      %swap3A_1091 = arith.index_cast %swap3A_1090 : i32 to index
      %swap3A_1092 = arith.constant 112 : index
      %swap3A_1093 = tpu.vector_load %arg8[%swap3A_1091, %swap3A_1092] {strides = array<i32>} : memref<32x128xf32, #tpu.memory_space<vmem>>, vector<16xf32>,
      tpu.vector_store %arg8[%swap3A_1091, %swap3A_1092], %broadcast_in_dim3A_0 {strides = array<i32>} : memref<32x128xf32, #tpu.memory_space<vmem>>, vector<16xf32>,
      %swap3A_1094 = arith.constant 20 : i32
      %swap3A_1095 = arith.index_cast %swap3A_1094 : i32 to index
      %swap3A_1096 = arith.constant 0 : index
      %swap3A_1097 = tpu.vector_load %arg8[%swap3A_1095, %swap3A_1096] {strides = array<i32>} : memref<32x128xf32, #tpu.memory_space<vmem>>, vector<16xf32>,
      tpu.vector_store %arg8[%swap3A_1095, %swap3A_1096], %broadcast_in_dim3A_0 {strides = array<i32>} : memref<32x128xf32, #tpu.memory_space<vmem>>, vector<16xf32>,
      %swap3A_1098 = arith.constant 20 : i32
      %swap3A_1099 = arith.index_cast %swap3A_1098 : i32 to index
      %swap3A_1100 = arith.constant 16 : index
      %swap3A_1101 = tpu.vector_load %arg8[%swap3A_1099, %swap3A_1100] {strides = array<i32>} : memref<32x128xf32, #tpu.memory_space<vmem>>, vector<16xf32>,
      tpu.vector_store %arg8[%swap3A_1099, %swap3A_1100], %broadcast_in_dim3A_0 {strides = array<i32>} : memref<32x128xf32, #tpu.memory_space<vmem>>, vector<16xf32>,
      %swap3A_1102 = arith.constant 20 : i32
      %swap3A_1103 = arith.index_cast %swap3A_1102 : i32 to index
      %swap3A_1104 = arith.constant 32 : index
      %swap3A_1105 = tpu.vector_load %arg8[%swap3A_1103, %swap3A_1104] {strides = array<i32>} : memref<32x128xf32, #tpu.memory_space<vmem>>, vector<16xf32>,
      tpu.vector_store %arg8[%swap3A_1103, %swap3A_1104], %broadcast_in_dim3A_0 {strides = array<i32>} : memref<32x128xf32, #tpu.memory_space<vmem>>, vector<16xf32>,
      %swap3A_1106 = arith.constant 20 : i32
      %swap3A_1107 = arith.index_cast %swap3A_1106 : i32 to index
      %swap3A_1108 = arith.constant 48 : index
      %swap3A_1109 = tpu.vector_load %arg8[%swap3A_1107, %swap3A_1108] {strides = array<i32>} : memref<32x128xf32, #tpu.memory_space<vmem>>, vector<16xf32>,
      tpu.vector_store %arg8[%swap3A_1107, %swap3A_1108], %broadcast_in_dim3A_0 {strides = array<i32>} : memref<32x128xf32, #tpu.memory_space<vmem>>, vector<16xf32>,
      %swap3A_1110 = arith.constant 20 : i32
      %swap3A_1111 = arith.index_cast %swap3A_1110 : i32 to index
      %swap3A_1112 = arith.constant 64 : index
      %swap3A_1113 = tpu.vector_load %arg8[%swap3A_1111, %swap3A_1112] {strides = array<i32>} : memref<32x128xf32, #tpu.memory_space<vmem>>, vector<16xf32>,
      tpu.vector_store %arg8[%swap3A_1111, %swap3A_1112], %broadcast_in_dim3A_0 {strides = array<i32>} : memref<32x128xf32, #tpu.memory_space<vmem>>, vector<16xf32>,
      %swap3A_1114 = arith.constant 20 : i32
      %swap3A_1115 = arith.index_cast %swap3A_1114 : i32 to index
      %swap3A_1116 = arith.constant 80 : index
      %swap3A_1117 = tpu.vector_load %arg8[%swap3A_1115, %swap3A_1116] {strides = array<i32>} : memref<32x128xf32, #tpu.memory_space<vmem>>, vector<16xf32>,
      tpu.vector_store %arg8[%swap3A_1115, %swap3A_1116], %broadcast_in_dim3A_0 {strides = array<i32>} : memref<32x128xf32, #tpu.memory_space<vmem>>, vector<16xf32>,
      %swap3A_1118 = arith.constant 20 : i32
      %swap3A_1119 = arith.index_cast %swap3A_1118 : i32 to index
      %swap3A_1120 = arith.constant 96 : index
      %swap3A_1121 = tpu.vector_load %arg8[%swap3A_1119, %swap3A_1120] {strides = array<i32>} : memref<32x128xf32, #tpu.memory_space<vmem>>, vector<16xf32>,
      tpu.vector_store %arg8[%swap3A_1119, %swap3A_1120], %broadcast_in_dim3A_0 {strides = array<i32>} : memref<32x128xf32, #tpu.memory_space<vmem>>, vector<16xf32>,
      %swap3A_1122 = arith.constant 20 : i32
      %swap3A_1123 = arith.index_cast %swap3A_1122 : i32 to index
      %swap3A_1124 = arith.constant 112 : index
      %swap3A_1125 = tpu.vector_load %arg8[%swap3A_1123, %swap3A_1124] {strides = array<i32>} : memref<32x128xf32, #tpu.memory_space<vmem>>, vector<16xf32>,
      tpu.vector_store %arg8[%swap3A_1123, %swap3A_1124], %broadcast_in_dim3A_0 {strides = array<i32>} : memref<32x128xf32, #tpu.memory_space<vmem>>, vector<16xf32>,
      %swap3A_1126 = arith.constant 21 : i32
      %swap3A_1127 = arith.index_cast %swap3A_1126 : i32 to index
      %swap3A_1128 = arith.constant 0 : index
      %swap3A_1129 = tpu.vector_load %arg8[%swap3A_1127, %swap3A_1128] {strides = array<i32>} : memref<32x128xf32, #tpu.memory_space<vmem>>, vector<16xf32>,
      tpu.vector_store %arg8[%swap3A_1127, %swap3A_1128], %broadcast_in_dim3A_0 {strides = array<i32>} : memref<32x128xf32, #tpu.memory_space<vmem>>, vector<16xf32>,
      %swap3A_1130 = arith.constant 21 : i32
      %swap3A_1131 = arith.index_cast %swap3A_1130 : i32 to index
      %swap3A_1132 = arith.constant 16 : index
      %swap3A_1133 = tpu.vector_load %arg8[%swap3A_1131, %swap3A_1132] {strides = array<i32>} : memref<32x128xf32, #tpu.memory_space<vmem>>, vector<16xf32>,
      tpu.vector_store %arg8[%swap3A_1131, %swap3A_1132], %broadcast_in_dim3A_0 {strides = array<i32>} : memref<32x128xf32, #tpu.memory_space<vmem>>, vector<16xf32>,
      %swap3A_1134 = arith.constant 21 : i32
      %swap3A_1135 = arith.index_cast %swap3A_1134 : i32 to index
      %swap3A_1136 = arith.constant 32 : index
      %swap3A_1137 = tpu.vector_load %arg8[%swap3A_1135, %swap3A_1136] {strides = array<i32>} : memref<32x128xf32, #tpu.memory_space<vmem>>, vector<16xf32>,
      tpu.vector_store %arg8[%swap3A_1135, %swap3A_1136], %broadcast_in_dim3A_0 {strides = array<i32>} : memref<32x128xf32, #tpu.memory_space<vmem>>, vector<16xf32>,
      %swap3A_1138 = arith.constant 21 : i32
      %swap3A_1139 = arith.index_cast %swap3A_1138 : i32 to index
      %swap3A_1140 = arith.constant 48 : index
      %swap3A_1141 = tpu.vector_load %arg8[%swap3A_1139, %swap3A_1140] {strides = array<i32>} : memref<32x128xf32, #tpu.memory_space<vmem>>, vector<16xf32>,
      tpu.vector_store %arg8[%swap3A_1139, %swap3A_1140], %broadcast_in_dim3A_0 {strides = array<i32>} : memref<32x128xf32, #tpu.memory_space<vmem>>, vector<16xf32>,
      %swap3A_1142 = arith.constant 21 : i32
      %swap3A_1143 = arith.index_cast %swap3A_1142 : i32 to index
      %swap3A_1144 = arith.constant 64 : index
      %swap3A_1145 = tpu.vector_load %arg8[%swap3A_1143, %swap3A_1144] {strides = array<i32>} : memref<32x128xf32, #tpu.memory_space<vmem>>, vector<16xf32>,
      tpu.vector_store %arg8[%swap3A_1143, %swap3A_1144], %broadcast_in_dim3A_0 {strides = array<i32>} : memref<32x128xf32, #tpu.memory_space<vmem>>, vector<16xf32>,
      %swap3A_1146 = arith.constant 21 : i32
      %swap3A_1147 = arith.index_cast %swap3A_1146 : i32 to index
      %swap3A_1148 = arith.constant 80 : index
      %swap3A_1149 = tpu.vector_load %arg8[%swap3A_1147, %swap3A_1148] {strides = array<i32>} : memref<32x128xf32, #tpu.memory_space<vmem>>, vector<16xf32>,
      tpu.vector_store %arg8[%swap3A_1147, %swap3A_1148], %broadcast_in_dim3A_0 {strides = array<i32>} : memref<32x128xf32, #tpu.memory_space<vmem>>, vector<16xf32>,
      %swap3A_1150 = arith.constant 21 : i32
      %swap3A_1151 = arith.index_cast %swap3A_1150 : i32 to index
      %swap3A_1152 = arith.constant 96 : index
      %swap3A_1153 = tpu.vector_load %arg8[%swap3A_1151, %swap3A_1152] {strides = array<i32>} : memref<32x128xf32, #tpu.memory_space<vmem>>, vector<16xf32>,
      tpu.vector_store %arg8[%swap3A_1151, %swap3A_1152], %broadcast_in_dim3A_0 {strides = array<i32>} : memref<32x128xf32, #tpu.memory_space<vmem>>, vector<16xf32>,
      %swap3A_1154 = arith.constant 21 : i32
      %swap3A_1155 = arith.index_cast %swap3A_1154 : i32 to index
      %swap3A_1156 = arith.constant 112 : index
      %swap3A_1157 = tpu.vector_load %arg8[%swap3A_1155, %swap3A_1156] {strides = array<i32>} : memref<32x128xf32, #tpu.memory_space<vmem>>, vector<16xf32>,
      tpu.vector_store %arg8[%swap3A_1155, %swap3A_1156], %broadcast_in_dim3A_0 {strides = array<i32>} : memref<32x128xf32, #tpu.memory_space<vmem>>, vector<16xf32>,
      %swap3A_1158 = arith.constant 22 : i32
      %swap3A_1159 = arith.index_cast %swap3A_1158 : i32 to index
      %swap3A_1160 = arith.constant 0 : index
      %swap3A_1161 = tpu.vector_load %arg8[%swap3A_1159, %swap3A_1160] {strides = array<i32>} : memref<32x128xf32, #tpu.memory_space<vmem>>, vector<16xf32>,
      tpu.vector_store %arg8[%swap3A_1159, %swap3A_1160], %broadcast_in_dim3A_0 {strides = array<i32>} : memref<32x128xf32, #tpu.memory_space<vmem>>, vector<16xf32>,
      %swap3A_1162 = arith.constant 22 : i32
      %swap3A_1163 = arith.index_cast %swap3A_1162 : i32 to index
      %swap3A_1164 = arith.constant 16 : index
      %swap3A_1165 = tpu.vector_load %arg8[%swap3A_1163, %swap3A_1164] {strides = array<i32>} : memref<32x128xf32, #tpu.memory_space<vmem>>, vector<16xf32>,
      tpu.vector_store %arg8[%swap3A_1163, %swap3A_1164], %broadcast_in_dim3A_0 {strides = array<i32>} : memref<32x128xf32, #tpu.memory_space<vmem>>, vector<16xf32>,
      %swap3A_1166 = arith.constant 22 : i32
      %swap3A_1167 = arith.index_cast %swap3A_1166 : i32 to index
      %swap3A_1168 = arith.constant 32 : index
      %swap3A_1169 = tpu.vector_load %arg8[%swap3A_1167, %swap3A_1168] {strides = array<i32>} : memref<32x128xf32, #tpu.memory_space<vmem>>, vector<16xf32>,
      tpu.vector_store %arg8[%swap3A_1167, %swap3A_1168], %broadcast_in_dim3A_0 {strides = array<i32>} : memref<32x128xf32, #tpu.memory_space<vmem>>, vector<16xf32>,
      %swap3A_1170 = arith.constant 22 : i32
      %swap3A_1171 = arith.index_cast %swap3A_1170 : i32 to index
      %swap3A_1172 = arith.constant 48 : index
      %swap3A_1173 = tpu.vector_load %arg8[%swap3A_1171, %swap3A_1172] {strides = array<i32>} : memref<32x128xf32, #tpu.memory_space<vmem>>, vector<16xf32>,
      tpu.vector_store %arg8[%swap3A_1171, %swap3A_1172], %broadcast_in_dim3A_0 {strides = array<i32>} : memref<32x128xf32, #tpu.memory_space<vmem>>, vector<16xf32>,
      %swap3A_1174 = arith.constant 22 : i32
      %swap3A_1175 = arith.index_cast %swap3A_1174 : i32 to index
      %swap3A_1176 = arith.constant 64 : index
      %swap3A_1177 = tpu.vector_load %arg8[%swap3A_1175, %swap3A_1176] {strides = array<i32>} : memref<32x128xf32, #tpu.memory_space<vmem>>, vector<16xf32>,
      tpu.vector_store %arg8[%swap3A_1175, %swap3A_1176], %broadcast_in_dim3A_0 {strides = array<i32>} : memref<32x128xf32, #tpu.memory_space<vmem>>, vector<16xf32>,
      %swap3A_1178 = arith.constant 22 : i32
      %swap3A_1179 = arith.index_cast %swap3A_1178 : i32 to index
      %swap3A_1180 = arith.constant 80 : index
      %swap3A_1181 = tpu.vector_load %arg8[%swap3A_1179, %swap3A_1180] {strides = array<i32>} : memref<32x128xf32, #tpu.memory_space<vmem>>, vector<16xf32>,
      tpu.vector_store %arg8[%swap3A_1179, %swap3A_1180], %broadcast_in_dim3A_0 {strides = array<i32>} : memref<32x128xf32, #tpu.memory_space<vmem>>, vector<16xf32>,
      %swap3A_1182 = arith.constant 22 : i32
      %swap3A_1183 = arith.index_cast %swap3A_1182 : i32 to index
      %swap3A_1184 = arith.constant 96 : index
      %swap3A_1185 = tpu.vector_load %arg8[%swap3A_1183, %swap3A_1184] {strides = array<i32>} : memref<32x128xf32, #tpu.memory_space<vmem>>, vector<16xf32>,
      tpu.vector_store %arg8[%swap3A_1183, %swap3A_1184], %broadcast_in_dim3A_0 {strides = array<i32>} : memref<32x128xf32, #tpu.memory_space<vmem>>, vector<16xf32>,
      %swap3A_1186 = arith.constant 22 : i32
      %swap3A_1187 = arith.index_cast %swap3A_1186 : i32 to index
      %swap3A_1188 = arith.constant 112 : index
      %swap3A_1189 = tpu.vector_load %arg8[%swap3A_1187, %swap3A_1188] {strides = array<i32>} : memref<32x128xf32, #tpu.memory_space<vmem>>, vector<16xf32>,
      tpu.vector_store %arg8[%swap3A_1187, %swap3A_1188], %broadcast_in_dim3A_0 {strides = array<i32>} : memref<32x128xf32, #tpu.memory_space<vmem>>, vector<16xf32>,
      %swap3A_1190 = arith.constant 23 : i32
      %swap3A_1191 = arith.index_cast %swap3A_1190 : i32 to index
      %swap3A_1192 = arith.constant 0 : index
      %swap3A_1193 = tpu.vector_load %arg8[%swap3A_1191, %swap3A_1192] {strides = array<i32>} : memref<32x128xf32, #tpu.memory_space<vmem>>, vector<16xf32>,
      tpu.vector_store %arg8[%swap3A_1191, %swap3A_1192], %broadcast_in_dim3A_0 {strides = array<i32>} : memref<32x128xf32, #tpu.memory_space<vmem>>, vector<16xf32>,
      %swap3A_1194 = arith.constant 23 : i32
      %swap3A_1195 = arith.index_cast %swap3A_1194 : i32 to index
      %swap3A_1196 = arith.constant 16 : index
      %swap3A_1197 = tpu.vector_load %arg8[%swap3A_1195, %swap3A_1196] {strides = array<i32>} : memref<32x128xf32, #tpu.memory_space<vmem>>, vector<16xf32>,
      tpu.vector_store %arg8[%swap3A_1195, %swap3A_1196], %broadcast_in_dim3A_0 {strides = array<i32>} : memref<32x128xf32, #tpu.memory_space<vmem>>, vector<16xf32>,
      %swap3A_1198 = arith.constant 23 : i32
      %swap3A_1199 = arith.index_cast %swap3A_1198 : i32 to index
      %swap3A_1200 = arith.constant 32 : index
      %swap3A_1201 = tpu.vector_load %arg8[%swap3A_1199, %swap3A_1200] {strides = array<i32>} : memref<32x128xf32, #tpu.memory_space<vmem>>, vector<16xf32>,
      tpu.vector_store %arg8[%swap3A_1199, %swap3A_1200], %broadcast_in_dim3A_0 {strides = array<i32>} : memref<32x128xf32, #tpu.memory_space<vmem>>, vector<16xf32>,
      %swap3A_1202 = arith.constant 23 : i32
      %swap3A_1203 = arith.index_cast %swap3A_1202 : i32 to index
      %swap3A_1204 = arith.constant 48 : index
      %swap3A_1205 = tpu.vector_load %arg8[%swap3A_1203, %swap3A_1204] {strides = array<i32>} : memref<32x128xf32, #tpu.memory_space<vmem>>, vector<16xf32>,
      tpu.vector_store %arg8[%swap3A_1203, %swap3A_1204], %broadcast_in_dim3A_0 {strides = array<i32>} : memref<32x128xf32, #tpu.memory_space<vmem>>, vector<16xf32>,
      %swap3A_1206 = arith.constant 23 : i32
      %swap3A_1207 = arith.index_cast %swap3A_1206 : i32 to index
      %swap3A_1208 = arith.constant 64 : index
      %swap3A_1209 = tpu.vector_load %arg8[%swap3A_1207, %swap3A_1208] {strides = array<i32>} : memref<32x128xf32, #tpu.memory_space<vmem>>, vector<16xf32>,
      tpu.vector_store %arg8[%swap3A_1207, %swap3A_1208], %broadcast_in_dim3A_0 {strides = array<i32>} : memref<32x128xf32, #tpu.memory_space<vmem>>, vector<16xf32>,
      %swap3A_1210 = arith.constant 23 : i32
      %swap3A_1211 = arith.index_cast %swap3A_1210 : i32 to index
      %swap3A_1212 = arith.constant 80 : index
      %swap3A_1213 = tpu.vector_load %arg8[%swap3A_1211, %swap3A_1212] {strides = array<i32>} : memref<32x128xf32, #tpu.memory_space<vmem>>, vector<16xf32>,
      tpu.vector_store %arg8[%swap3A_1211, %swap3A_1212], %broadcast_in_dim3A_0 {strides = array<i32>} : memref<32x128xf32, #tpu.memory_space<vmem>>, vector<16xf32>,
      %swap3A_1214 = arith.constant 23 : i32
      %swap3A_1215 = arith.index_cast %swap3A_1214 : i32 to index
      %swap3A_1216 = arith.constant 96 : index
      %swap3A_1217 = tpu.vector_load %arg8[%swap3A_1215, %swap3A_1216] {strides = array<i32>} : memref<32x128xf32, #tpu.memory_space<vmem>>, vector<16xf32>,
      tpu.vector_store %arg8[%swap3A_1215, %swap3A_1216], %broadcast_in_dim3A_0 {strides = array<i32>} : memref<32x128xf32, #tpu.memory_space<vmem>>, vector<16xf32>,
      %swap3A_1218 = arith.constant 23 : i32
      %swap3A_1219 = arith.index_cast %swap3A_1218 : i32 to index
      %swap3A_1220 = arith.constant 112 : index
      %swap3A_1221 = tpu.vector_load %arg8[%swap3A_1219, %swap3A_1220] {strides = array<i32>} : memref<32x128xf32, #tpu.memory_space<vmem>>, vector<16xf32>,
      tpu.vector_store %arg8[%swap3A_1219, %swap3A_1220], %broadcast_in_dim3A_0 {strides = array<i32>} : memref<32x128xf32, #tpu.memory_space<vmem>>, vector<16xf32>,
      %swap3A_1222 = arith.constant 24 : i32
      %swap3A_1223 = arith.index_cast %swap3A_1222 : i32 to index
      %swap3A_1224 = arith.constant 0 : index
      %swap3A_1225 = tpu.vector_load %arg8[%swap3A_1223, %swap3A_1224] {strides = array<i32>} : memref<32x128xf32, #tpu.memory_space<vmem>>, vector<16xf32>,
      tpu.vector_store %arg8[%swap3A_1223, %swap3A_1224], %broadcast_in_dim3A_0 {strides = array<i32>} : memref<32x128xf32, #tpu.memory_space<vmem>>, vector<16xf32>,
      %swap3A_1226 = arith.constant 24 : i32
      %swap3A_1227 = arith.index_cast %swap3A_1226 : i32 to index
      %swap3A_1228 = arith.constant 16 : index
      %swap3A_1229 = tpu.vector_load %arg8[%swap3A_1227, %swap3A_1228] {strides = array<i32>} : memref<32x128xf32, #tpu.memory_space<vmem>>, vector<16xf32>,
      tpu.vector_store %arg8[%swap3A_1227, %swap3A_1228], %broadcast_in_dim3A_0 {strides = array<i32>} : memref<32x128xf32, #tpu.memory_space<vmem>>, vector<16xf32>,
      %swap3A_1230 = arith.constant 24 : i32
      %swap3A_1231 = arith.index_cast %swap3A_1230 : i32 to index
      %swap3A_1232 = arith.constant 32 : index
      %swap3A_1233 = tpu.vector_load %arg8[%swap3A_1231, %swap3A_1232] {strides = array<i32>} : memref<32x128xf32, #tpu.memory_space<vmem>>, vector<16xf32>,
      tpu.vector_store %arg8[%swap3A_1231, %swap3A_1232], %broadcast_in_dim3A_0 {strides = array<i32>} : memref<32x128xf32, #tpu.memory_space<vmem>>, vector<16xf32>,
      %swap3A_1234 = arith.constant 24 : i32
      %swap3A_1235 = arith.index_cast %swap3A_1234 : i32 to index
      %swap3A_1236 = arith.constant 48 : index
      %swap3A_1237 = tpu.vector_load %arg8[%swap3A_1235, %swap3A_1236] {strides = array<i32>} : memref<32x128xf32, #tpu.memory_space<vmem>>, vector<16xf32>,
      tpu.vector_store %arg8[%swap3A_1235, %swap3A_1236], %broadcast_in_dim3A_0 {strides = array<i32>} : memref<32x128xf32, #tpu.memory_space<vmem>>, vector<16xf32>,
      %swap3A_1238 = arith.constant 24 : i32
      %swap3A_1239 = arith.index_cast %swap3A_1238 : i32 to index
      %swap3A_1240 = arith.constant 64 : index
      %swap3A_1241 = tpu.vector_load %arg8[%swap3A_1239, %swap3A_1240] {strides = array<i32>} : memref<32x128xf32, #tpu.memory_space<vmem>>, vector<16xf32>,
      tpu.vector_store %arg8[%swap3A_1239, %swap3A_1240], %broadcast_in_dim3A_0 {strides = array<i32>} : memref<32x128xf32, #tpu.memory_space<vmem>>, vector<16xf32>,
      %swap3A_1242 = arith.constant 24 : i32
      %swap3A_1243 = arith.index_cast %swap3A_1242 : i32 to index
      %swap3A_1244 = arith.constant 80 : index
      %swap3A_1245 = tpu.vector_load %arg8[%swap3A_1243, %swap3A_1244] {strides = array<i32>} : memref<32x128xf32, #tpu.memory_space<vmem>>, vector<16xf32>,
      tpu.vector_store %arg8[%swap3A_1243, %swap3A_1244], %broadcast_in_dim3A_0 {strides = array<i32>} : memref<32x128xf32, #tpu.memory_space<vmem>>, vector<16xf32>,
      %swap3A_1246 = arith.constant 24 : i32
      %swap3A_1247 = arith.index_cast %swap3A_1246 : i32 to index
      %swap3A_1248 = arith.constant 96 : index
      %swap3A_1249 = tpu.vector_load %arg8[%swap3A_1247, %swap3A_1248] {strides = array<i32>} : memref<32x128xf32, #tpu.memory_space<vmem>>, vector<16xf32>,
      tpu.vector_store %arg8[%swap3A_1247, %swap3A_1248], %broadcast_in_dim3A_0 {strides = array<i32>} : memref<32x128xf32, #tpu.memory_space<vmem>>, vector<16xf32>,
      %swap3A_1250 = arith.constant 24 : i32
      %swap3A_1251 = arith.index_cast %swap3A_1250 : i32 to index
      %swap3A_1252 = arith.constant 112 : index
      %swap3A_1253 = tpu.vector_load %arg8[%swap3A_1251, %swap3A_1252] {strides = array<i32>} : memref<32x128xf32, #tpu.memory_space<vmem>>, vector<16xf32>,
      tpu.vector_store %arg8[%swap3A_1251, %swap3A_1252], %broadcast_in_dim3A_0 {strides = array<i32>} : memref<32x128xf32, #tpu.memory_space<vmem>>, vector<16xf32>,
      %swap3A_1254 = arith.constant 25 : i32
      %swap3A_1255 = arith.index_cast %swap3A_1254 : i32 to index
      %swap3A_1256 = arith.constant 0 : index
      %swap3A_1257 = tpu.vector_load %arg8[%swap3A_1255, %swap3A_1256] {strides = array<i32>} : memref<32x128xf32, #tpu.memory_space<vmem>>, vector<16xf32>,
      tpu.vector_store %arg8[%swap3A_1255, %swap3A_1256], %broadcast_in_dim3A_0 {strides = array<i32>} : memref<32x128xf32, #tpu.memory_space<vmem>>, vector<16xf32>,
      %swap3A_1258 = arith.constant 25 : i32
      %swap3A_1259 = arith.index_cast %swap3A_1258 : i32 to index
      %swap3A_1260 = arith.constant 16 : index
      %swap3A_1261 = tpu.vector_load %arg8[%swap3A_1259, %swap3A_1260] {strides = array<i32>} : memref<32x128xf32, #tpu.memory_space<vmem>>, vector<16xf32>,
      tpu.vector_store %arg8[%swap3A_1259, %swap3A_1260], %broadcast_in_dim3A_0 {strides = array<i32>} : memref<32x128xf32, #tpu.memory_space<vmem>>, vector<16xf32>,
      %swap3A_1262 = arith.constant 25 : i32
      %swap3A_1263 = arith.index_cast %swap3A_1262 : i32 to index
      %swap3A_1264 = arith.constant 32 : index
      %swap3A_1265 = tpu.vector_load %arg8[%swap3A_1263, %swap3A_1264] {strides = array<i32>} : memref<32x128xf32, #tpu.memory_space<vmem>>, vector<16xf32>,
      tpu.vector_store %arg8[%swap3A_1263, %swap3A_1264], %broadcast_in_dim3A_0 {strides = array<i32>} : memref<32x128xf32, #tpu.memory_space<vmem>>, vector<16xf32>,
      %swap3A_1266 = arith.constant 25 : i32
      %swap3A_1267 = arith.index_cast %swap3A_1266 : i32 to index
      %swap3A_1268 = arith.constant 48 : index
      %swap3A_1269 = tpu.vector_load %arg8[%swap3A_1267, %swap3A_1268] {strides = array<i32>} : memref<32x128xf32, #tpu.memory_space<vmem>>, vector<16xf32>,
      tpu.vector_store %arg8[%swap3A_1267, %swap3A_1268], %broadcast_in_dim3A_0 {strides = array<i32>} : memref<32x128xf32, #tpu.memory_space<vmem>>, vector<16xf32>,
      %swap3A_1270 = arith.constant 25 : i32
      %swap3A_1271 = arith.index_cast %swap3A_1270 : i32 to index
      %swap3A_1272 = arith.constant 64 : index
      %swap3A_1273 = tpu.vector_load %arg8[%swap3A_1271, %swap3A_1272] {strides = array<i32>} : memref<32x128xf32, #tpu.memory_space<vmem>>, vector<16xf32>,
      tpu.vector_store %arg8[%swap3A_1271, %swap3A_1272], %broadcast_in_dim3A_0 {strides = array<i32>} : memref<32x128xf32, #tpu.memory_space<vmem>>, vector<16xf32>,
      %swap3A_1274 = arith.constant 25 : i32
      %swap3A_1275 = arith.index_cast %swap3A_1274 : i32 to index
      %swap3A_1276 = arith.constant 80 : index
      %swap3A_1277 = tpu.vector_load %arg8[%swap3A_1275, %swap3A_1276] {strides = array<i32>} : memref<32x128xf32, #tpu.memory_space<vmem>>, vector<16xf32>,
      tpu.vector_store %arg8[%swap3A_1275, %swap3A_1276], %broadcast_in_dim3A_0 {strides = array<i32>} : memref<32x128xf32, #tpu.memory_space<vmem>>, vector<16xf32>,
      %swap3A_1278 = arith.constant 25 : i32
      %swap3A_1279 = arith.index_cast %swap3A_1278 : i32 to index
      %swap3A_1280 = arith.constant 96 : index
      %swap3A_1281 = tpu.vector_load %arg8[%swap3A_1279, %swap3A_1280] {strides = array<i32>} : memref<32x128xf32, #tpu.memory_space<vmem>>, vector<16xf32>,
      tpu.vector_store %arg8[%swap3A_1279, %swap3A_1280], %broadcast_in_dim3A_0 {strides = array<i32>} : memref<32x128xf32, #tpu.memory_space<vmem>>, vector<16xf32>,
      %swap3A_1282 = arith.constant 25 : i32
      %swap3A_1283 = arith.index_cast %swap3A_1282 : i32 to index
      %swap3A_1284 = arith.constant 112 : index
      %swap3A_1285 = tpu.vector_load %arg8[%swap3A_1283, %swap3A_1284] {strides = array<i32>} : memref<32x128xf32, #tpu.memory_space<vmem>>, vector<16xf32>,
      tpu.vector_store %arg8[%swap3A_1283, %swap3A_1284], %broadcast_in_dim3A_0 {strides = array<i32>} : memref<32x128xf32, #tpu.memory_space<vmem>>, vector<16xf32>,
      %swap3A_1286 = arith.constant 26 : i32
      %swap3A_1287 = arith.index_cast %swap3A_1286 : i32 to index
      %swap3A_1288 = arith.constant 0 : index
      %swap3A_1289 = tpu.vector_load %arg8[%swap3A_1287, %swap3A_1288] {strides = array<i32>} : memref<32x128xf32, #tpu.memory_space<vmem>>, vector<16xf32>,
      tpu.vector_store %arg8[%swap3A_1287, %swap3A_1288], %broadcast_in_dim3A_0 {strides = array<i32>} : memref<32x128xf32, #tpu.memory_space<vmem>>, vector<16xf32>,
      %swap3A_1290 = arith.constant 26 : i32
      %swap3A_1291 = arith.index_cast %swap3A_1290 : i32 to index
      %swap3A_1292 = arith.constant 16 : index
      %swap3A_1293 = tpu.vector_load %arg8[%swap3A_1291, %swap3A_1292] {strides = array<i32>} : memref<32x128xf32, #tpu.memory_space<vmem>>, vector<16xf32>,
      tpu.vector_store %arg8[%swap3A_1291, %swap3A_1292], %broadcast_in_dim3A_0 {strides = array<i32>} : memref<32x128xf32, #tpu.memory_space<vmem>>, vector<16xf32>,
      %swap3A_1294 = arith.constant 26 : i32
      %swap3A_1295 = arith.index_cast %swap3A_1294 : i32 to index
      %swap3A_1296 = arith.constant 32 : index
      %swap3A_1297 = tpu.vector_load %arg8[%swap3A_1295, %swap3A_1296] {strides = array<i32>} : memref<32x128xf32, #tpu.memory_space<vmem>>, vector<16xf32>,
      tpu.vector_store %arg8[%swap3A_1295, %swap3A_1296], %broadcast_in_dim3A_0 {strides = array<i32>} : memref<32x128xf32, #tpu.memory_space<vmem>>, vector<16xf32>,
      %swap3A_1298 = arith.constant 26 : i32
      %swap3A_1299 = arith.index_cast %swap3A_1298 : i32 to index
      %swap3A_1300 = arith.constant 48 : index
      %swap3A_1301 = tpu.vector_load %arg8[%swap3A_1299, %swap3A_1300] {strides = array<i32>} : memref<32x128xf32, #tpu.memory_space<vmem>>, vector<16xf32>,
      tpu.vector_store %arg8[%swap3A_1299, %swap3A_1300], %broadcast_in_dim3A_0 {strides = array<i32>} : memref<32x128xf32, #tpu.memory_space<vmem>>, vector<16xf32>,
      %swap3A_1302 = arith.constant 26 : i32
      %swap3A_1303 = arith.index_cast %swap3A_1302 : i32 to index
      %swap3A_1304 = arith.constant 64 : index
      %swap3A_1305 = tpu.vector_load %arg8[%swap3A_1303, %swap3A_1304] {strides = array<i32>} : memref<32x128xf32, #tpu.memory_space<vmem>>, vector<16xf32>,
      tpu.vector_store %arg8[%swap3A_1303, %swap3A_1304], %broadcast_in_dim3A_0 {strides = array<i32>} : memref<32x128xf32, #tpu.memory_space<vmem>>, vector<16xf32>,
      %swap3A_1306 = arith.constant 26 : i32
      %swap3A_1307 = arith.index_cast %swap3A_1306 : i32 to index
      %swap3A_1308 = arith.constant 80 : index
      %swap3A_1309 = tpu.vector_load %arg8[%swap3A_1307, %swap3A_1308] {strides = array<i32>} : memref<32x128xf32, #tpu.memory_space<vmem>>, vector<16xf32>,
      tpu.vector_store %arg8[%swap3A_1307, %swap3A_1308], %broadcast_in_dim3A_0 {strides = array<i32>} : memref<32x128xf32, #tpu.memory_space<vmem>>, vector<16xf32>,
      %swap3A_1310 = arith.constant 26 : i32
      %swap3A_1311 = arith.index_cast %swap3A_1310 : i32 to index
      %swap3A_1312 = arith.constant 96 : index
      %swap3A_1313 = tpu.vector_load %arg8[%swap3A_1311, %swap3A_1312] {strides = array<i32>} : memref<32x128xf32, #tpu.memory_space<vmem>>, vector<16xf32>,
      tpu.vector_store %arg8[%swap3A_1311, %swap3A_1312], %broadcast_in_dim3A_0 {strides = array<i32>} : memref<32x128xf32, #tpu.memory_space<vmem>>, vector<16xf32>,
      %swap3A_1314 = arith.constant 26 : i32
      %swap3A_1315 = arith.index_cast %swap3A_1314 : i32 to index
      %swap3A_1316 = arith.constant 112 : index
      %swap3A_1317 = tpu.vector_load %arg8[%swap3A_1315, %swap3A_1316] {strides = array<i32>} : memref<32x128xf32, #tpu.memory_space<vmem>>, vector<16xf32>,
      tpu.vector_store %arg8[%swap3A_1315, %swap3A_1316], %broadcast_in_dim3A_0 {strides = array<i32>} : memref<32x128xf32, #tpu.memory_space<vmem>>, vector<16xf32>,
      %swap3A_1318 = arith.constant 27 : i32
      %swap3A_1319 = arith.index_cast %swap3A_1318 : i32 to index
      %swap3A_1320 = arith.constant 0 : index
      %swap3A_1321 = tpu.vector_load %arg8[%swap3A_1319, %swap3A_1320] {strides = array<i32>} : memref<32x128xf32, #tpu.memory_space<vmem>>, vector<16xf32>,
      tpu.vector_store %arg8[%swap3A_1319, %swap3A_1320], %broadcast_in_dim3A_0 {strides = array<i32>} : memref<32x128xf32, #tpu.memory_space<vmem>>, vector<16xf32>,
      %swap3A_1322 = arith.constant 27 : i32
      %swap3A_1323 = arith.index_cast %swap3A_1322 : i32 to index
      %swap3A_1324 = arith.constant 16 : index
      %swap3A_1325 = tpu.vector_load %arg8[%swap3A_1323, %swap3A_1324] {strides = array<i32>} : memref<32x128xf32, #tpu.memory_space<vmem>>, vector<16xf32>,
      tpu.vector_store %arg8[%swap3A_1323, %swap3A_1324], %broadcast_in_dim3A_0 {strides = array<i32>} : memref<32x128xf32, #tpu.memory_space<vmem>>, vector<16xf32>,
      %swap3A_1326 = arith.constant 27 : i32
      %swap3A_1327 = arith.index_cast %swap3A_1326 : i32 to index
      %swap3A_1328 = arith.constant 32 : index
      %swap3A_1329 = tpu.vector_load %arg8[%swap3A_1327, %swap3A_1328] {strides = array<i32>} : memref<32x128xf32, #tpu.memory_space<vmem>>, vector<16xf32>,
      tpu.vector_store %arg8[%swap3A_1327, %swap3A_1328], %broadcast_in_dim3A_0 {strides = array<i32>} : memref<32x128xf32, #tpu.memory_space<vmem>>, vector<16xf32>,
      %swap3A_1330 = arith.constant 27 : i32
      %swap3A_1331 = arith.index_cast %swap3A_1330 : i32 to index
      %swap3A_1332 = arith.constant 48 : index
      %swap3A_1333 = tpu.vector_load %arg8[%swap3A_1331, %swap3A_1332] {strides = array<i32>} : memref<32x128xf32, #tpu.memory_space<vmem>>, vector<16xf32>,
      tpu.vector_store %arg8[%swap3A_1331, %swap3A_1332], %broadcast_in_dim3A_0 {strides = array<i32>} : memref<32x128xf32, #tpu.memory_space<vmem>>, vector<16xf32>,
      %swap3A_1334 = arith.constant 27 : i32
      %swap3A_1335 = arith.index_cast %swap3A_1334 : i32 to index
      %swap3A_1336 = arith.constant 64 : index
      %swap3A_1337 = tpu.vector_load %arg8[%swap3A_1335, %swap3A_1336] {strides = array<i32>} : memref<32x128xf32, #tpu.memory_space<vmem>>, vector<16xf32>,
      tpu.vector_store %arg8[%swap3A_1335, %swap3A_1336], %broadcast_in_dim3A_0 {strides = array<i32>} : memref<32x128xf32, #tpu.memory_space<vmem>>, vector<16xf32>,
      %swap3A_1338 = arith.constant 27 : i32
      %swap3A_1339 = arith.index_cast %swap3A_1338 : i32 to index
      %swap3A_1340 = arith.constant 80 : index
      %swap3A_1341 = tpu.vector_load %arg8[%swap3A_1339, %swap3A_1340] {strides = array<i32>} : memref<32x128xf32, #tpu.memory_space<vmem>>, vector<16xf32>,
      tpu.vector_store %arg8[%swap3A_1339, %swap3A_1340], %broadcast_in_dim3A_0 {strides = array<i32>} : memref<32x128xf32, #tpu.memory_space<vmem>>, vector<16xf32>,
      %swap3A_1342 = arith.constant 27 : i32
      %swap3A_1343 = arith.index_cast %swap3A_1342 : i32 to index
      %swap3A_1344 = arith.constant 96 : index
      %swap3A_1345 = tpu.vector_load %arg8[%swap3A_1343, %swap3A_1344] {strides = array<i32>} : memref<32x128xf32, #tpu.memory_space<vmem>>, vector<16xf32>,
      tpu.vector_store %arg8[%swap3A_1343, %swap3A_1344], %broadcast_in_dim3A_0 {strides = array<i32>} : memref<32x128xf32, #tpu.memory_space<vmem>>, vector<16xf32>,
      %swap3A_1346 = arith.constant 27 : i32
      %swap3A_1347 = arith.index_cast %swap3A_1346 : i32 to index
      %swap3A_1348 = arith.constant 112 : index
      %swap3A_1349 = tpu.vector_load %arg8[%swap3A_1347, %swap3A_1348] {strides = array<i32>} : memref<32x128xf32, #tpu.memory_space<vmem>>, vector<16xf32>,
      tpu.vector_store %arg8[%swap3A_1347, %swap3A_1348], %broadcast_in_dim3A_0 {strides = array<i32>} : memref<32x128xf32, #tpu.memory_space<vmem>>, vector<16xf32>,
      %swap3A_1350 = arith.constant 28 : i32
      %swap3A_1351 = arith.index_cast %swap3A_1350 : i32 to index
      %swap3A_1352 = arith.constant 0 : index
      %swap3A_1353 = tpu.vector_load %arg8[%swap3A_1351, %swap3A_1352] {strides = array<i32>} : memref<32x128xf32, #tpu.memory_space<vmem>>, vector<16xf32>,
      tpu.vector_store %arg8[%swap3A_1351, %swap3A_1352], %broadcast_in_dim3A_0 {strides = array<i32>} : memref<32x128xf32, #tpu.memory_space<vmem>>, vector<16xf32>,
      %swap3A_1354 = arith.constant 28 : i32
      %swap3A_1355 = arith.index_cast %swap3A_1354 : i32 to index
      %swap3A_1356 = arith.constant 16 : index
      %swap3A_1357 = tpu.vector_load %arg8[%swap3A_1355, %swap3A_1356] {strides = array<i32>} : memref<32x128xf32, #tpu.memory_space<vmem>>, vector<16xf32>,
      tpu.vector_store %arg8[%swap3A_1355, %swap3A_1356], %broadcast_in_dim3A_0 {strides = array<i32>} : memref<32x128xf32, #tpu.memory_space<vmem>>, vector<16xf32>,
      %swap3A_1358 = arith.constant 28 : i32
      %swap3A_1359 = arith.index_cast %swap3A_1358 : i32 to index
      %swap3A_1360 = arith.constant 32 : index
      %swap3A_1361 = tpu.vector_load %arg8[%swap3A_1359, %swap3A_1360] {strides = array<i32>} : memref<32x128xf32, #tpu.memory_space<vmem>>, vector<16xf32>,
      tpu.vector_store %arg8[%swap3A_1359, %swap3A_1360], %broadcast_in_dim3A_0 {strides = array<i32>} : memref<32x128xf32, #tpu.memory_space<vmem>>, vector<16xf32>,
      %swap3A_1362 = arith.constant 28 : i32
      %swap3A_1363 = arith.index_cast %swap3A_1362 : i32 to index
      %swap3A_1364 = arith.constant 48 : index
      %swap3A_1365 = tpu.vector_load %arg8[%swap3A_1363, %swap3A_1364] {strides = array<i32>} : memref<32x128xf32, #tpu.memory_space<vmem>>, vector<16xf32>,
      tpu.vector_store %arg8[%swap3A_1363, %swap3A_1364], %broadcast_in_dim3A_0 {strides = array<i32>} : memref<32x128xf32, #tpu.memory_space<vmem>>, vector<16xf32>,
      %swap3A_1366 = arith.constant 28 : i32
      %swap3A_1367 = arith.index_cast %swap3A_1366 : i32 to index
      %swap3A_1368 = arith.constant 64 : index
      %swap3A_1369 = tpu.vector_load %arg8[%swap3A_1367, %swap3A_1368] {strides = array<i32>} : memref<32x128xf32, #tpu.memory_space<vmem>>, vector<16xf32>,
      tpu.vector_store %arg8[%swap3A_1367, %swap3A_1368], %broadcast_in_dim3A_0 {strides = array<i32>} : memref<32x128xf32, #tpu.memory_space<vmem>>, vector<16xf32>,
      %swap3A_1370 = arith.constant 28 : i32
      %swap3A_1371 = arith.index_cast %swap3A_1370 : i32 to index
      %swap3A_1372 = arith.constant 80 : index
      %swap3A_1373 = tpu.vector_load %arg8[%swap3A_1371, %swap3A_1372] {strides = array<i32>} : memref<32x128xf32, #tpu.memory_space<vmem>>, vector<16xf32>,
      tpu.vector_store %arg8[%swap3A_1371, %swap3A_1372], %broadcast_in_dim3A_0 {strides = array<i32>} : memref<32x128xf32, #tpu.memory_space<vmem>>, vector<16xf32>,
      %swap3A_1374 = arith.constant 28 : i32
      %swap3A_1375 = arith.index_cast %swap3A_1374 : i32 to index
      %swap3A_1376 = arith.constant 96 : index
      %swap3A_1377 = tpu.vector_load %arg8[%swap3A_1375, %swap3A_1376] {strides = array<i32>} : memref<32x128xf32, #tpu.memory_space<vmem>>, vector<16xf32>,
      tpu.vector_store %arg8[%swap3A_1375, %swap3A_1376], %broadcast_in_dim3A_0 {strides = array<i32>} : memref<32x128xf32, #tpu.memory_space<vmem>>, vector<16xf32>,
      %swap3A_1378 = arith.constant 28 : i32
      %swap3A_1379 = arith.index_cast %swap3A_1378 : i32 to index
      %swap3A_1380 = arith.constant 112 : index
      %swap3A_1381 = tpu.vector_load %arg8[%swap3A_1379, %swap3A_1380] {strides = array<i32>} : memref<32x128xf32, #tpu.memory_space<vmem>>, vector<16xf32>,
      tpu.vector_store %arg8[%swap3A_1379, %swap3A_1380], %broadcast_in_dim3A_0 {strides = array<i32>} : memref<32x128xf32, #tpu.memory_space<vmem>>, vector<16xf32>,
      %swap3A_1382 = arith.constant 29 : i32
      %swap3A_1383 = arith.index_cast %swap3A_1382 : i32 to index
      %swap3A_1384 = arith.constant 0 : index
      %swap3A_1385 = tpu.vector_load %arg8[%swap3A_1383, %swap3A_1384] {strides = array<i32>} : memref<32x128xf32, #tpu.memory_space<vmem>>, vector<16xf32>,
      tpu.vector_store %arg8[%swap3A_1383, %swap3A_1384], %broadcast_in_dim3A_0 {strides = array<i32>} : memref<32x128xf32, #tpu.memory_space<vmem>>, vector<16xf32>,
      %swap3A_1386 = arith.constant 29 : i32
      %swap3A_1387 = arith.index_cast %swap3A_1386 : i32 to index
      %swap3A_1388 = arith.constant 16 : index
      %swap3A_1389 = tpu.vector_load %arg8[%swap3A_1387, %swap3A_1388] {strides = array<i32>} : memref<32x128xf32, #tpu.memory_space<vmem>>, vector<16xf32>,
      tpu.vector_store %arg8[%swap3A_1387, %swap3A_1388], %broadcast_in_dim3A_0 {strides = array<i32>} : memref<32x128xf32, #tpu.memory_space<vmem>>, vector<16xf32>,
      %swap3A_1390 = arith.constant 29 : i32
      %swap3A_1391 = arith.index_cast %swap3A_1390 : i32 to index
      %swap3A_1392 = arith.constant 32 : index
      %swap3A_1393 = tpu.vector_load %arg8[%swap3A_1391, %swap3A_1392] {strides = array<i32>} : memref<32x128xf32, #tpu.memory_space<vmem>>, vector<16xf32>,
      tpu.vector_store %arg8[%swap3A_1391, %swap3A_1392], %broadcast_in_dim3A_0 {strides = array<i32>} : memref<32x128xf32, #tpu.memory_space<vmem>>, vector<16xf32>,
      %swap3A_1394 = arith.constant 29 : i32
      %swap3A_1395 = arith.index_cast %swap3A_1394 : i32 to index
      %swap3A_1396 = arith.constant 48 : index
      %swap3A_1397 = tpu.vector_load %arg8[%swap3A_1395, %swap3A_1396] {strides = array<i32>} : memref<32x128xf32, #tpu.memory_space<vmem>>, vector<16xf32>,
      tpu.vector_store %arg8[%swap3A_1395, %swap3A_1396], %broadcast_in_dim3A_0 {strides = array<i32>} : memref<32x128xf32, #tpu.memory_space<vmem>>, vector<16xf32>,
      %swap3A_1398 = arith.constant 29 : i32
      %swap3A_1399 = arith.index_cast %swap3A_1398 : i32 to index
      %swap3A_1400 = arith.constant 64 : index
      %swap3A_1401 = tpu.vector_load %arg8[%swap3A_1399, %swap3A_1400] {strides = array<i32>} : memref<32x128xf32, #tpu.memory_space<vmem>>, vector<16xf32>,
      tpu.vector_store %arg8[%swap3A_1399, %swap3A_1400], %broadcast_in_dim3A_0 {strides = array<i32>} : memref<32x128xf32, #tpu.memory_space<vmem>>, vector<16xf32>,
      %swap3A_1402 = arith.constant 29 : i32
      %swap3A_1403 = arith.index_cast %swap3A_1402 : i32 to index
      %swap3A_1404 = arith.constant 80 : index
      %swap3A_1405 = tpu.vector_load %arg8[%swap3A_1403, %swap3A_1404] {strides = array<i32>} : memref<32x128xf32, #tpu.memory_space<vmem>>, vector<16xf32>,
      tpu.vector_store %arg8[%swap3A_1403, %swap3A_1404], %broadcast_in_dim3A_0 {strides = array<i32>} : memref<32x128xf32, #tpu.memory_space<vmem>>, vector<16xf32>,
      %swap3A_1406 = arith.constant 29 : i32
      %swap3A_1407 = arith.index_cast %swap3A_1406 : i32 to index
      %swap3A_1408 = arith.constant 96 : index
      %swap3A_1409 = tpu.vector_load %arg8[%swap3A_1407, %swap3A_1408] {strides = array<i32>} : memref<32x128xf32, #tpu.memory_space<vmem>>, vector<16xf32>,
      tpu.vector_store %arg8[%swap3A_1407, %swap3A_1408], %broadcast_in_dim3A_0 {strides = array<i32>} : memref<32x128xf32, #tpu.memory_space<vmem>>, vector<16xf32>,
      %swap3A_1410 = arith.constant 29 : i32
      %swap3A_1411 = arith.index_cast %swap3A_1410 : i32 to index
      %swap3A_1412 = arith.constant 112 : index
      %swap3A_1413 = tpu.vector_load %arg8[%swap3A_1411, %swap3A_1412] {strides = array<i32>} : memref<32x128xf32, #tpu.memory_space<vmem>>, vector<16xf32>,
      tpu.vector_store %arg8[%swap3A_1411, %swap3A_1412], %broadcast_in_dim3A_0 {strides = array<i32>} : memref<32x128xf32, #tpu.memory_space<vmem>>, vector<16xf32>,
      %swap3A_1414 = arith.constant 30 : i32
      %swap3A_1415 = arith.index_cast %swap3A_1414 : i32 to index
      %swap3A_1416 = arith.constant 0 : index
      %swap3A_1417 = tpu.vector_load %arg8[%swap3A_1415, %swap3A_1416] {strides = array<i32>} : memref<32x128xf32, #tpu.memory_space<vmem>>, vector<16xf32>,
      tpu.vector_store %arg8[%swap3A_1415, %swap3A_1416], %broadcast_in_dim3A_0 {strides = array<i32>} : memref<32x128xf32, #tpu.memory_space<vmem>>, vector<16xf32>,
      %swap3A_1418 = arith.constant 30 : i32
      %swap3A_1419 = arith.index_cast %swap3A_1418 : i32 to index
      %swap3A_1420 = arith.constant 16 : index
      %swap3A_1421 = tpu.vector_load %arg8[%swap3A_1419, %swap3A_1420] {strides = array<i32>} : memref<32x128xf32, #tpu.memory_space<vmem>>, vector<16xf32>,
      tpu.vector_store %arg8[%swap3A_1419, %swap3A_1420], %broadcast_in_dim3A_0 {strides = array<i32>} : memref<32x128xf32, #tpu.memory_space<vmem>>, vector<16xf32>,
      %swap3A_1422 = arith.constant 30 : i32
      %swap3A_1423 = arith.index_cast %swap3A_1422 : i32 to index
      %swap3A_1424 = arith.constant 32 : index
      %swap3A_1425 = tpu.vector_load %arg8[%swap3A_1423, %swap3A_1424] {strides = array<i32>} : memref<32x128xf32, #tpu.memory_space<vmem>>, vector<16xf32>,
      tpu.vector_store %arg8[%swap3A_1423, %swap3A_1424], %broadcast_in_dim3A_0 {strides = array<i32>} : memref<32x128xf32, #tpu.memory_space<vmem>>, vector<16xf32>,
      %swap3A_1426 = arith.constant 30 : i32
      %swap3A_1427 = arith.index_cast %swap3A_1426 : i32 to index
      %swap3A_1428 = arith.constant 48 : index
      %swap3A_1429 = tpu.vector_load %arg8[%swap3A_1427, %swap3A_1428] {strides = array<i32>} : memref<32x128xf32, #tpu.memory_space<vmem>>, vector<16xf32>,
      tpu.vector_store %arg8[%swap3A_1427, %swap3A_1428], %broadcast_in_dim3A_0 {strides = array<i32>} : memref<32x128xf32, #tpu.memory_space<vmem>>, vector<16xf32>,
      %swap3A_1430 = arith.constant 30 : i32
      %swap3A_1431 = arith.index_cast %swap3A_1430 : i32 to index
      %swap3A_1432 = arith.constant 64 : index
      %swap3A_1433 = tpu.vector_load %arg8[%swap3A_1431, %swap3A_1432] {strides = array<i32>} : memref<32x128xf32, #tpu.memory_space<vmem>>, vector<16xf32>,
      tpu.vector_store %arg8[%swap3A_1431, %swap3A_1432], %broadcast_in_dim3A_0 {strides = array<i32>} : memref<32x128xf32, #tpu.memory_space<vmem>>, vector<16xf32>,
      %swap3A_1434 = arith.constant 30 : i32
      %swap3A_1435 = arith.index_cast %swap3A_1434 : i32 to index
      %swap3A_1436 = arith.constant 80 : index
      %swap3A_1437 = tpu.vector_load %arg8[%swap3A_1435, %swap3A_1436] {strides = array<i32>} : memref<32x128xf32, #tpu.memory_space<vmem>>, vector<16xf32>,
      tpu.vector_store %arg8[%swap3A_1435, %swap3A_1436], %broadcast_in_dim3A_0 {strides = array<i32>} : memref<32x128xf32, #tpu.memory_space<vmem>>, vector<16xf32>,
      %swap3A_1438 = arith.constant 30 : i32
      %swap3A_1439 = arith.index_cast %swap3A_1438 : i32 to index
      %swap3A_1440 = arith.constant 96 : index
      %swap3A_1441 = tpu.vector_load %arg8[%swap3A_1439, %swap3A_1440] {strides = array<i32>} : memref<32x128xf32, #tpu.memory_space<vmem>>, vector<16xf32>,
      tpu.vector_store %arg8[%swap3A_1439, %swap3A_1440], %broadcast_in_dim3A_0 {strides = array<i32>} : memref<32x128xf32, #tpu.memory_space<vmem>>, vector<16xf32>,
      %swap3A_1442 = arith.constant 30 : i32
      %swap3A_1443 = arith.index_cast %swap3A_1442 : i32 to index
      %swap3A_1444 = arith.constant 112 : index
      %swap3A_1445 = tpu.vector_load %arg8[%swap3A_1443, %swap3A_1444] {strides = array<i32>} : memref<32x128xf32, #tpu.memory_space<vmem>>, vector<16xf32>,
      tpu.vector_store %arg8[%swap3A_1443, %swap3A_1444], %broadcast_in_dim3A_0 {strides = array<i32>} : memref<32x128xf32, #tpu.memory_space<vmem>>, vector<16xf32>,
      %swap3A_1446 = arith.constant 31 : i32
      %swap3A_1447 = arith.index_cast %swap3A_1446 : i32 to index
      %swap3A_1448 = arith.constant 0 : index
      %swap3A_1449 = tpu.vector_load %arg8[%swap3A_1447, %swap3A_1448] {strides = array<i32>} : memref<32x128xf32, #tpu.memory_space<vmem>>, vector<16xf32>,
      tpu.vector_store %arg8[%swap3A_1447, %swap3A_1448], %broadcast_in_dim3A_0 {strides = array<i32>} : memref<32x128xf32, #tpu.memory_space<vmem>>, vector<16xf32>,
      %swap3A_1450 = arith.constant 31 : i32
      %swap3A_1451 = arith.index_cast %swap3A_1450 : i32 to index
      %swap3A_1452 = arith.constant 16 : index
      %swap3A_1453 = tpu.vector_load %arg8[%swap3A_1451, %swap3A_1452] {strides = array<i32>} : memref<32x128xf32, #tpu.memory_space<vmem>>, vector<16xf32>,
      tpu.vector_store %arg8[%swap3A_1451, %swap3A_1452], %broadcast_in_dim3A_0 {strides = array<i32>} : memref<32x128xf32, #tpu.memory_space<vmem>>, vector<16xf32>,
      %swap3A_1454 = arith.constant 31 : i32
      %swap3A_1455 = arith.index_cast %swap3A_1454 : i32 to index
      %swap3A_1456 = arith.constant 32 : index
      %swap3A_1457 = tpu.vector_load %arg8[%swap3A_1455, %swap3A_1456] {strides = array<i32>} : memref<32x128xf32, #tpu.memory_space<vmem>>, vector<16xf32>,
      tpu.vector_store %arg8[%swap3A_1455, %swap3A_1456], %broadcast_in_dim3A_0 {strides = array<i32>} : memref<32x128xf32, #tpu.memory_space<vmem>>, vector<16xf32>,
      %swap3A_1458 = arith.constant 31 : i32
      %swap3A_1459 = arith.index_cast %swap3A_1458 : i32 to index
      %swap3A_1460 = arith.constant 48 : index
      %swap3A_1461 = tpu.vector_load %arg8[%swap3A_1459, %swap3A_1460] {strides = array<i32>} : memref<32x128xf32, #tpu.memory_space<vmem>>, vector<16xf32>,
      tpu.vector_store %arg8[%swap3A_1459, %swap3A_1460], %broadcast_in_dim3A_0 {strides = array<i32>} : memref<32x128xf32, #tpu.memory_space<vmem>>, vector<16xf32>,
      %swap3A_1462 = arith.constant 31 : i32
      %swap3A_1463 = arith.index_cast %swap3A_1462 : i32 to index
      %swap3A_1464 = arith.constant 64 : index
      %swap3A_1465 = tpu.vector_load %arg8[%swap3A_1463, %swap3A_1464] {strides = array<i32>} : memref<32x128xf32, #tpu.memory_space<vmem>>, vector<16xf32>,
      tpu.vector_store %arg8[%swap3A_1463, %swap3A_1464], %broadcast_in_dim3A_0 {strides = array<i32>} : memref<32x128xf32, #tpu.memory_space<vmem>>, vector<16xf32>,
      %swap3A_1466 = arith.constant 31 : i32
      %swap3A_1467 = arith.index_cast %swap3A_1466 : i32 to index
      %swap3A_1468 = arith.constant 80 : index
      %swap3A_1469 = tpu.vector_load %arg8[%swap3A_1467, %swap3A_1468] {strides = array<i32>} : memref<32x128xf32, #tpu.memory_space<vmem>>, vector<16xf32>,
      tpu.vector_store %arg8[%swap3A_1467, %swap3A_1468], %broadcast_in_dim3A_0 {strides = array<i32>} : memref<32x128xf32, #tpu.memory_space<vmem>>, vector<16xf32>,
      %swap3A_1470 = arith.constant 31 : i32
      %swap3A_1471 = arith.index_cast %swap3A_1470 : i32 to index
      %swap3A_1472 = arith.constant 96 : index
      %swap3A_1473 = tpu.vector_load %arg8[%swap3A_1471, %swap3A_1472] {strides = array<i32>} : memref<32x128xf32, #tpu.memory_space<vmem>>, vector<16xf32>,
      tpu.vector_store %arg8[%swap3A_1471, %swap3A_1472], %broadcast_in_dim3A_0 {strides = array<i32>} : memref<32x128xf32, #tpu.memory_space<vmem>>, vector<16xf32>,
      %swap3A_1474 = arith.constant 31 : i32
      %swap3A_1475 = arith.index_cast %swap3A_1474 : i32 to index
      %swap3A_1476 = arith.constant 112 : index
      %swap3A_1477 = tpu.vector_load %arg8[%swap3A_1475, %swap3A_1476] {strides = array<i32>} : memref<32x128xf32, #tpu.memory_space<vmem>>, vector<16xf32>,
      tpu.vector_store %arg8[%swap3A_1475, %swap3A_1476], %broadcast_in_dim3A_0 {strides = array<i32>} : memref<32x128xf32, #tpu.memory_space<vmem>>, vector<16xf32>,
      "tpu.region"() ({
        %run_scoped3A = tpu.sem_alloc : memref<!tpu.dma_semaphore, #tpu.memory_space<semaphore_mem>>
        tpu.enqueue_dma source(%arg8 : memref<32x128xf32, #tpu.memory_space<vmem>>) target(%arg11 : memref<32x128xf32, #tpu.memory_space<vmem_shared>>) target_semaphore(%run_scoped3A : memref<!tpu.dma_semaphore, #tpu.memory_space<semaphore_mem>>)
        tpu.wait_dma2 semaphore(%run_scoped3A : memref<!tpu.dma_semaphore, #tpu.memory_space<semaphore_mem>>) src(%arg8 : memref<32x128xf32, #tpu.memory_space<vmem>>) dst(%arg11 : memref<32x128xf32, #tpu.memory_space<vmem_shared>>)
        tpu.yield
      }) : () -> ()
      "tpu.region"() ({
        %run_scoped3A = tpu.sem_alloc : memref<!tpu.dma_semaphore, #tpu.memory_space<semaphore_mem>>
        %dma_start3A_1478 = arith.constant 0 : i32
        %dma_start3A_1479 = arith.constant 0 : i32
        %dma_start3A_1480 = tpu.memref_slice %arg8[%dma_start3A_1478, %dma_start3A_1479] : memref<32x128xf32, #tpu.memory_space<vmem>> -> memref<32x16xf32, #tpu.memory_space<vmem>>
        %dma_start3A_1481 = arith.constant 0 : i32
        %dma_start3A_1482 = arith.constant 0 : i32
        %dma_start3A_1483 = tpu.memref_slice %arg8[%dma_start3A_1481, %dma_start3A_1482] : memref<32x128xf32, #tpu.memory_space<vmem>> -> memref<32x16xf32, #tpu.memory_space<vmem>>
        tpu.enqueue_dma source(%dma_start3A_1483 : memref<32x16xf32, #tpu.memory_space<vmem>>) target(%arg12 : memref<32x16xf32, #tpu.memory_space<vmem_shared>>) target_semaphore(%run_scoped3A : memref<!tpu.dma_semaphore, #tpu.memory_space<semaphore_mem>>)
        %dma_wait3A_1484 = arith.constant 0 : i32
        %dma_wait3A_1485 = arith.constant 0 : i32
        %dma_wait3A_1486 = tpu.memref_slice %arg8[%dma_wait3A_1484, %dma_wait3A_1485] : memref<32x128xf32, #tpu.memory_space<vmem>> -> memref<32x16xf32, #tpu.memory_space<vmem>>
        %dma_wait3A_1487 = arith.constant 0 : i32
        %dma_wait3A_1488 = arith.constant 0 : i32
        %dma_wait3A_1489 = tpu.memref_slice %arg8[%dma_wait3A_1487, %dma_wait3A_1488] : memref<32x128xf32, #tpu.memory_space<vmem>> -> memref<32x16xf32, #tpu.memory_space<vmem>>
        tpu.wait_dma2 semaphore(%run_scoped3A : memref<!tpu.dma_semaphore, #tpu.memory_space<semaphore_mem>>) src(%dma_wait3A_1489 : memref<32x16xf32, #tpu.memory_space<vmem>>) dst(%arg12 : memref<32x16xf32, #tpu.memory_space<vmem_shared>>)
        tpu.yield
      }) : () -> ()
    } else {
    }
    %barrier3A = arith.constant 0 : index
    tpu.barrier barrier_id(%barrier3A)
    %mul3A = arith.constant 78 : i32
    %mul3A_138 = arith.muli %arg1, %mul3A : i32
    %sub3A = arith.constant 14 : i32
    %sub3A_139 = arith.subi %arg1, %sub3A : i32
    %max3A = arith.constant 0 : i32
    %max3A_140 = arith.maxsi %sub3A_139, %max3A : i32
    %add3A_141 = arith.addi %mul3A_138, %max3A_140 : i32
    %ge3A = arith.constant 14 : i32
    %ge3A_142 = arith.cmpi sge, %arg1, %ge3A : i32
    %jit3A = arith.constant 1 : i32
    %jit3A_143 = arith.constant 0 : i32
    %select_n3A = arith.select %ge3A_142, %jit3A, %jit3A_143 : i32
    %add3A_144 = arith.constant 78 : i32
    %add3A_145 = arith.addi %add3A_144, %select_n3A : i32
    %add3A_146 = arith.constant 0 : i32
    %add3A_147 = arith.addi %add3A_141, %add3A_146 : i32
    %mul3A_148 = arith.constant 160000 : i32
    %mul3A_149 = arith.muli %arg0, %mul3A_148 : i32
    %mul3A_150 = arith.constant 128 : i32
    %mul3A_151 = arith.muli %add3A_147, %mul3A_150 : i32
    %add3A_152 = arith.addi %mul3A_149, %mul3A_151 : i32
    %jit3A_153 = arith.constant 128 : i32
    %div3A = arith.divsi %add3A_152, %jit3A_153 : i32
    %sign3A = arith.constant 0 : i32
    %sign3A_154 = arith.cmpi sgt, %add3A_152, %sign3A : i32
    %sign3A_155 = arith.extui %sign3A_154 : i1 to i32
    %sign3A_156 = arith.constant 0 : i32
    %sign3A_157 = arith.cmpi slt, %add3A_152, %sign3A_156 : i32
    %sign3A_158 = arith.extui %sign3A_157 : i1 to i32
    %sign3A_159 = arith.subi %sign3A_155, %sign3A_158 : i32
    %sign3A_160 = arith.constant 0 : i32
    %sign3A_161 = arith.cmpi sgt, %jit3A_153, %sign3A_160 : i32
    %sign3A_162 = arith.extui %sign3A_161 : i1 to i32
    %sign3A_163 = arith.constant 0 : i32
    %sign3A_164 = arith.cmpi slt, %jit3A_153, %sign3A_163 : i32
    %sign3A_165 = arith.extui %sign3A_164 : i1 to i32
    %sign3A_166 = arith.subi %sign3A_162, %sign3A_165 : i32
    %ne3A = arith.cmpi ne, %sign3A_159, %sign3A_166 : i32
    %rem3A = arith.remsi %add3A_152, %jit3A_153 : i32
    %ne3A_167 = arith.constant 0 : i32
    %ne3A_168 = arith.cmpi ne, %rem3A, %ne3A_167 : i32
    %and3A = arith.andi %ne3A, %ne3A_168 : i1
    %sub3A_169 = arith.constant 1 : i32
    %sub3A_170 = arith.subi %div3A, %sub3A_169 : i32
    %select_n3A_171 = arith.select %and3A, %sub3A_170, %div3A : i32
    %dma_start3A = arith.constant 0 : i32
    %dma_start3A_172 = arith.constant 0 : i32
    %dma_start3A_173 = arith.constant 0 : i32
    %dma_start3A_174 = tpu.memref_slice %arg6[%dma_start3A, %dma_start3A_172, %dma_start3A_173] : memref<6x128x128xf32, #tpu.memory_space<vmem>> -> memref<1x128x128xf32, #tpu.memory_space<vmem>>
    %dma_start3A_175 = tpu.memref_squeeze %dma_start3A_174 : memref<1x128x128xf32, #tpu.memory_space<vmem>> -> memref<128x128xf32, #tpu.memory_space<vmem>>
    %dma_start3A_176 = arith.constant 0 : i32
    %dma_start3A_177 = tpu.memref_slice %arg2[%add3A_152, %dma_start3A_176] : memref<320000x128xf32, #tpu.memory_space<hbm>> -> memref<128x128xf32, #tpu.memory_space<hbm>>
    %dma_start3A_178 = arith.constant 0 : i32
    %dma_start3A_179 = arith.constant 0 : i32
    %dma_start3A_180 = tpu.memref_slice %arg6[%dma_start3A, %dma_start3A_178, %dma_start3A_179] : memref<6x128x128xf32, #tpu.memory_space<vmem>> -> memref<1x128x128xf32, #tpu.memory_space<vmem>>
    %dma_start3A_181 = tpu.memref_squeeze %dma_start3A_180 : memref<1x128x128xf32, #tpu.memory_space<vmem>> -> memref<128x128xf32, #tpu.memory_space<vmem>>
    %dma_start3A_182 = arith.constant 0 : i32
    %dma_start3A_183 = tpu.memref_slice %arg2[%add3A_152, %dma_start3A_182] : memref<320000x128xf32, #tpu.memory_space<hbm>> -> memref<128x128xf32, #tpu.memory_space<hbm>>
    tpu.enqueue_dma source(%dma_start3A_183 : memref<128x128xf32, #tpu.memory_space<hbm>>) target(%dma_start3A_181 : memref<128x128xf32, #tpu.memory_space<vmem>>) target_semaphore(%arg13 : memref<!tpu.dma_semaphore, #tpu.memory_space<semaphore_mem>>)
    %dma_start3A_184 = arith.constant 0 : i32
    %dma_start3A_185 = arith.constant 0 : i32
    %dma_start3A_186 = arith.constant 0 : i32
    %dma_start3A_187 = tpu.memref_slice %arg7[%dma_start3A_184, %dma_start3A_185, %dma_start3A_186] : memref<6x1x128xi32, #tpu.memory_space<vmem>> -> memref<1x1x128xi32, #tpu.memory_space<vmem>>
    %dma_start3A_188 = tpu.memref_squeeze %dma_start3A_187 : memref<1x1x128xi32, #tpu.memory_space<vmem>> -> memref<1x128xi32, #tpu.memory_space<vmem>>
    %dma_start3A_189 = arith.constant 0 : i32
    %dma_start3A_190 = tpu.memref_slice %arg3[%select_n3A_171, %dma_start3A_189] : memref<2500x128xi32, #tpu.memory_space<hbm>> -> memref<1x128xi32, #tpu.memory_space<hbm>>
    %dma_start3A_191 = arith.constant 0 : i32
    %dma_start3A_192 = arith.constant 0 : i32
    %dma_start3A_193 = tpu.memref_slice %arg7[%dma_start3A_184, %dma_start3A_191, %dma_start3A_192] : memref<6x1x128xi32, #tpu.memory_space<vmem>> -> memref<1x1x128xi32, #tpu.memory_space<vmem>>
    %dma_start3A_194 = tpu.memref_squeeze %dma_start3A_193 : memref<1x1x128xi32, #tpu.memory_space<vmem>> -> memref<1x128xi32, #tpu.memory_space<vmem>>
    %dma_start3A_195 = arith.constant 0 : i32
    %dma_start3A_196 = tpu.memref_slice %arg3[%select_n3A_171, %dma_start3A_195] : memref<2500x128xi32, #tpu.memory_space<hbm>> -> memref<1x128xi32, #tpu.memory_space<hbm>>
    tpu.enqueue_dma source(%dma_start3A_196 : memref<1x128xi32, #tpu.memory_space<hbm>>) target(%dma_start3A_194 : memref<1x128xi32, #tpu.memory_space<vmem>>) target_semaphore(%arg13 : memref<!tpu.dma_semaphore, #tpu.memory_space<semaphore_mem>>)
    %add3A_197 = arith.constant 1 : i32
    %add3A_198 = arith.addi %add3A_141, %add3A_197 : i32
    %mul3A_199 = arith.constant 160000 : i32
    %mul3A_200 = arith.muli %arg0, %mul3A_199 : i32
    %mul3A_201 = arith.constant 128 : i32
    %mul3A_202 = arith.muli %add3A_198, %mul3A_201 : i32
    %add3A_203 = arith.addi %mul3A_200, %mul3A_202 : i32
    %jit3A_204 = arith.constant 128 : i32
    %div3A_205 = arith.divsi %add3A_203, %jit3A_204 : i32
    %sign3A_206 = arith.constant 0 : i32
    %sign3A_207 = arith.cmpi sgt, %add3A_203, %sign3A_206 : i32
    %sign3A_208 = arith.extui %sign3A_207 : i1 to i32
    %sign3A_209 = arith.constant 0 : i32
    %sign3A_210 = arith.cmpi slt, %add3A_203, %sign3A_209 : i32
    %sign3A_211 = arith.extui %sign3A_210 : i1 to i32
    %sign3A_212 = arith.subi %sign3A_208, %sign3A_211 : i32
    %sign3A_213 = arith.constant 0 : i32
    %sign3A_214 = arith.cmpi sgt, %jit3A_204, %sign3A_213 : i32
    %sign3A_215 = arith.extui %sign3A_214 : i1 to i32
    %sign3A_216 = arith.constant 0 : i32
    %sign3A_217 = arith.cmpi slt, %jit3A_204, %sign3A_216 : i32
    %sign3A_218 = arith.extui %sign3A_217 : i1 to i32
    %sign3A_219 = arith.subi %sign3A_215, %sign3A_218 : i32
    %ne3A_220 = arith.cmpi ne, %sign3A_212, %sign3A_219 : i32
    %rem3A_221 = arith.remsi %add3A_203, %jit3A_204 : i32
    %ne3A_222 = arith.constant 0 : i32
    %ne3A_223 = arith.cmpi ne, %rem3A_221, %ne3A_222 : i32
    %and3A_224 = arith.andi %ne3A_220, %ne3A_223 : i1
    %sub3A_225 = arith.constant 1 : i32
    %sub3A_226 = arith.subi %div3A_205, %sub3A_225 : i32
    %select_n3A_227 = arith.select %and3A_224, %sub3A_226, %div3A_205 : i32
    %dma_start3A_228 = arith.constant 1 : i32
    %dma_start3A_229 = arith.constant 0 : i32
    %dma_start3A_230 = arith.constant 0 : i32
    %dma_start3A_231 = tpu.memref_slice %arg6[%dma_start3A_228, %dma_start3A_229, %dma_start3A_230] : memref<6x128x128xf32, #tpu.memory_space<vmem>> -> memref<1x128x128xf32, #tpu.memory_space<vmem>>
    %dma_start3A_232 = tpu.memref_squeeze %dma_start3A_231 : memref<1x128x128xf32, #tpu.memory_space<vmem>> -> memref<128x128xf32, #tpu.memory_space<vmem>>
    %dma_start3A_233 = arith.constant 0 : i32
    %dma_start3A_234 = tpu.memref_slice %arg2[%add3A_203, %dma_start3A_233] : memref<320000x128xf32, #tpu.memory_space<hbm>> -> memref<128x128xf32, #tpu.memory_space<hbm>>
    %dma_start3A_235 = arith.constant 0 : i32
    %dma_start3A_236 = arith.constant 0 : i32
    %dma_start3A_237 = tpu.memref_slice %arg6[%dma_start3A_228, %dma_start3A_235, %dma_start3A_236] : memref<6x128x128xf32, #tpu.memory_space<vmem>> -> memref<1x128x128xf32, #tpu.memory_space<vmem>>
    %dma_start3A_238 = tpu.memref_squeeze %dma_start3A_237 : memref<1x128x128xf32, #tpu.memory_space<vmem>> -> memref<128x128xf32, #tpu.memory_space<vmem>>
    %dma_start3A_239 = arith.constant 0 : i32
    %dma_start3A_240 = tpu.memref_slice %arg2[%add3A_203, %dma_start3A_239] : memref<320000x128xf32, #tpu.memory_space<hbm>> -> memref<128x128xf32, #tpu.memory_space<hbm>>
    tpu.enqueue_dma source(%dma_start3A_240 : memref<128x128xf32, #tpu.memory_space<hbm>>) target(%dma_start3A_238 : memref<128x128xf32, #tpu.memory_space<vmem>>) target_semaphore(%arg13 : memref<!tpu.dma_semaphore, #tpu.memory_space<semaphore_mem>>)
    %dma_start3A_241 = arith.constant 1 : i32
    %dma_start3A_242 = arith.constant 0 : i32
    %dma_start3A_243 = arith.constant 0 : i32
    %dma_start3A_244 = tpu.memref_slice %arg7[%dma_start3A_241, %dma_start3A_242, %dma_start3A_243] : memref<6x1x128xi32, #tpu.memory_space<vmem>> -> memref<1x1x128xi32, #tpu.memory_space<vmem>>
    %dma_start3A_245 = tpu.memref_squeeze %dma_start3A_244 : memref<1x1x128xi32, #tpu.memory_space<vmem>> -> memref<1x128xi32, #tpu.memory_space<vmem>>
    %dma_start3A_246 = arith.constant 0 : i32
    %dma_start3A_247 = tpu.memref_slice %arg3[%select_n3A_227, %dma_start3A_246] : memref<2500x128xi32, #tpu.memory_space<hbm>> -> memref<1x128xi32, #tpu.memory_space<hbm>>
    %dma_start3A_248 = arith.constant 0 : i32
    %dma_start3A_249 = arith.constant 0 : i32
    %dma_start3A_250 = tpu.memref_slice %arg7[%dma_start3A_241, %dma_start3A_248, %dma_start3A_249] : memref<6x1x128xi32, #tpu.memory_space<vmem>> -> memref<1x1x128xi32, #tpu.memory_space<vmem>>
    %dma_start3A_251 = tpu.memref_squeeze %dma_start3A_250 : memref<1x1x128xi32, #tpu.memory_space<vmem>> -> memref<1x128xi32, #tpu.memory_space<vmem>>
    %dma_start3A_252 = arith.constant 0 : i32
    %dma_start3A_253 = tpu.memref_slice %arg3[%select_n3A_227, %dma_start3A_252] : memref<2500x128xi32, #tpu.memory_space<hbm>> -> memref<1x128xi32, #tpu.memory_space<hbm>>
    tpu.enqueue_dma source(%dma_start3A_253 : memref<1x128xi32, #tpu.memory_space<hbm>>) target(%dma_start3A_251 : memref<1x128xi32, #tpu.memory_space<vmem>>) target_semaphore(%arg13 : memref<!tpu.dma_semaphore, #tpu.memory_space<semaphore_mem>>)
    %add3A_254 = arith.constant 2 : i32
    %add3A_255 = arith.addi %add3A_141, %add3A_254 : i32
    %mul3A_256 = arith.constant 160000 : i32
    %mul3A_257 = arith.muli %arg0, %mul3A_256 : i32
    %mul3A_258 = arith.constant 128 : i32
    %mul3A_259 = arith.muli %add3A_255, %mul3A_258 : i32
    %add3A_260 = arith.addi %mul3A_257, %mul3A_259 : i32
    %jit3A_261 = arith.constant 128 : i32
    %div3A_262 = arith.divsi %add3A_260, %jit3A_261 : i32
    %sign3A_263 = arith.constant 0 : i32
    %sign3A_264 = arith.cmpi sgt, %add3A_260, %sign3A_263 : i32
    %sign3A_265 = arith.extui %sign3A_264 : i1 to i32
    %sign3A_266 = arith.constant 0 : i32
    %sign3A_267 = arith.cmpi slt, %add3A_260, %sign3A_266 : i32
    %sign3A_268 = arith.extui %sign3A_267 : i1 to i32
    %sign3A_269 = arith.subi %sign3A_265, %sign3A_268 : i32
    %sign3A_270 = arith.constant 0 : i32
    %sign3A_271 = arith.cmpi sgt, %jit3A_261, %sign3A_270 : i32
    %sign3A_272 = arith.extui %sign3A_271 : i1 to i32
    %sign3A_273 = arith.constant 0 : i32
    %sign3A_274 = arith.cmpi slt, %jit3A_261, %sign3A_273 : i32
    %sign3A_275 = arith.extui %sign3A_274 : i1 to i32
    %sign3A_276 = arith.subi %sign3A_272, %sign3A_275 : i32
    %ne3A_277 = arith.cmpi ne, %sign3A_269, %sign3A_276 : i32
    %rem3A_278 = arith.remsi %add3A_260, %jit3A_261 : i32
    %ne3A_279 = arith.constant 0 : i32
    %ne3A_280 = arith.cmpi ne, %rem3A_278, %ne3A_279 : i32
    %and3A_281 = arith.andi %ne3A_277, %ne3A_280 : i1
    %sub3A_282 = arith.constant 1 : i32
    %sub3A_283 = arith.subi %div3A_262, %sub3A_282 : i32
    %select_n3A_284 = arith.select %and3A_281, %sub3A_283, %div3A_262 : i32
    %dma_start3A_285 = arith.constant 2 : i32
    %dma_start3A_286 = arith.constant 0 : i32
    %dma_start3A_287 = arith.constant 0 : i32
    %dma_start3A_288 = tpu.memref_slice %arg6[%dma_start3A_285, %dma_start3A_286, %dma_start3A_287] : memref<6x128x128xf32, #tpu.memory_space<vmem>> -> memref<1x128x128xf32, #tpu.memory_space<vmem>>
    %dma_start3A_289 = tpu.memref_squeeze %dma_start3A_288 : memref<1x128x128xf32, #tpu.memory_space<vmem>> -> memref<128x128xf32, #tpu.memory_space<vmem>>
    %dma_start3A_290 = arith.constant 0 : i32
    %dma_start3A_291 = tpu.memref_slice %arg2[%add3A_260, %dma_start3A_290] : memref<320000x128xf32, #tpu.memory_space<hbm>> -> memref<128x128xf32, #tpu.memory_space<hbm>>
    %dma_start3A_292 = arith.constant 0 : i32
    %dma_start3A_293 = arith.constant 0 : i32
    %dma_start3A_294 = tpu.memref_slice %arg6[%dma_start3A_285, %dma_start3A_292, %dma_start3A_293] : memref<6x128x128xf32, #tpu.memory_space<vmem>> -> memref<1x128x128xf32, #tpu.memory_space<vmem>>
    %dma_start3A_295 = tpu.memref_squeeze %dma_start3A_294 : memref<1x128x128xf32, #tpu.memory_space<vmem>> -> memref<128x128xf32, #tpu.memory_space<vmem>>
    %dma_start3A_296 = arith.constant 0 : i32
    %dma_start3A_297 = tpu.memref_slice %arg2[%add3A_260, %dma_start3A_296] : memref<320000x128xf32, #tpu.memory_space<hbm>> -> memref<128x128xf32, #tpu.memory_space<hbm>>
    tpu.enqueue_dma source(%dma_start3A_297 : memref<128x128xf32, #tpu.memory_space<hbm>>) target(%dma_start3A_295 : memref<128x128xf32, #tpu.memory_space<vmem>>) target_semaphore(%arg13 : memref<!tpu.dma_semaphore, #tpu.memory_space<semaphore_mem>>)
    %dma_start3A_298 = arith.constant 2 : i32
    %dma_start3A_299 = arith.constant 0 : i32
    %dma_start3A_300 = arith.constant 0 : i32
    %dma_start3A_301 = tpu.memref_slice %arg7[%dma_start3A_298, %dma_start3A_299, %dma_start3A_300] : memref<6x1x128xi32, #tpu.memory_space<vmem>> -> memref<1x1x128xi32, #tpu.memory_space<vmem>>
    %dma_start3A_302 = tpu.memref_squeeze %dma_start3A_301 : memref<1x1x128xi32, #tpu.memory_space<vmem>> -> memref<1x128xi32, #tpu.memory_space<vmem>>
    %dma_start3A_303 = arith.constant 0 : i32
    %dma_start3A_304 = tpu.memref_slice %arg3[%select_n3A_284, %dma_start3A_303] : memref<2500x128xi32, #tpu.memory_space<hbm>> -> memref<1x128xi32, #tpu.memory_space<hbm>>
    %dma_start3A_305 = arith.constant 0 : i32
    %dma_start3A_306 = arith.constant 0 : i32
    %dma_start3A_307 = tpu.memref_slice %arg7[%dma_start3A_298, %dma_start3A_305, %dma_start3A_306] : memref<6x1x128xi32, #tpu.memory_space<vmem>> -> memref<1x1x128xi32, #tpu.memory_space<vmem>>
    %dma_start3A_308 = tpu.memref_squeeze %dma_start3A_307 : memref<1x1x128xi32, #tpu.memory_space<vmem>> -> memref<1x128xi32, #tpu.memory_space<vmem>>
    %dma_start3A_309 = arith.constant 0 : i32
    %dma_start3A_310 = tpu.memref_slice %arg3[%select_n3A_284, %dma_start3A_309] : memref<2500x128xi32, #tpu.memory_space<hbm>> -> memref<1x128xi32, #tpu.memory_space<hbm>>
    tpu.enqueue_dma source(%dma_start3A_310 : memref<1x128xi32, #tpu.memory_space<hbm>>) target(%dma_start3A_308 : memref<1x128xi32, #tpu.memory_space<vmem>>) target_semaphore(%arg13 : memref<!tpu.dma_semaphore, #tpu.memory_space<semaphore_mem>>)
    %add3A_311 = arith.constant 3 : i32
    %add3A_312 = arith.addi %add3A_141, %add3A_311 : i32
    %mul3A_313 = arith.constant 160000 : i32
    %mul3A_314 = arith.muli %arg0, %mul3A_313 : i32
    %mul3A_315 = arith.constant 128 : i32
    %mul3A_316 = arith.muli %add3A_312, %mul3A_315 : i32
    %add3A_317 = arith.addi %mul3A_314, %mul3A_316 : i32
    %jit3A_318 = arith.constant 128 : i32
    %div3A_319 = arith.divsi %add3A_317, %jit3A_318 : i32
    %sign3A_320 = arith.constant 0 : i32
    %sign3A_321 = arith.cmpi sgt, %add3A_317, %sign3A_320 : i32
    %sign3A_322 = arith.extui %sign3A_321 : i1 to i32
    %sign3A_323 = arith.constant 0 : i32
    %sign3A_324 = arith.cmpi slt, %add3A_317, %sign3A_323 : i32
    %sign3A_325 = arith.extui %sign3A_324 : i1 to i32
    %sign3A_326 = arith.subi %sign3A_322, %sign3A_325 : i32
    %sign3A_327 = arith.constant 0 : i32
    %sign3A_328 = arith.cmpi sgt, %jit3A_318, %sign3A_327 : i32
    %sign3A_329 = arith.extui %sign3A_328 : i1 to i32
    %sign3A_330 = arith.constant 0 : i32
    %sign3A_331 = arith.cmpi slt, %jit3A_318, %sign3A_330 : i32
    %sign3A_332 = arith.extui %sign3A_331 : i1 to i32
    %sign3A_333 = arith.subi %sign3A_329, %sign3A_332 : i32
    %ne3A_334 = arith.cmpi ne, %sign3A_326, %sign3A_333 : i32
    %rem3A_335 = arith.remsi %add3A_317, %jit3A_318 : i32
    %ne3A_336 = arith.constant 0 : i32
    %ne3A_337 = arith.cmpi ne, %rem3A_335, %ne3A_336 : i32
    %and3A_338 = arith.andi %ne3A_334, %ne3A_337 : i1
    %sub3A_339 = arith.constant 1 : i32
    %sub3A_340 = arith.subi %div3A_319, %sub3A_339 : i32
    %select_n3A_341 = arith.select %and3A_338, %sub3A_340, %div3A_319 : i32
    %dma_start3A_342 = arith.constant 3 : i32
    %dma_start3A_343 = arith.constant 0 : i32
    %dma_start3A_344 = arith.constant 0 : i32
    %dma_start3A_345 = tpu.memref_slice %arg6[%dma_start3A_342, %dma_start3A_343, %dma_start3A_344] : memref<6x128x128xf32, #tpu.memory_space<vmem>> -> memref<1x128x128xf32, #tpu.memory_space<vmem>>
    %dma_start3A_346 = tpu.memref_squeeze %dma_start3A_345 : memref<1x128x128xf32, #tpu.memory_space<vmem>> -> memref<128x128xf32, #tpu.memory_space<vmem>>
    %dma_start3A_347 = arith.constant 0 : i32
    %dma_start3A_348 = tpu.memref_slice %arg2[%add3A_317, %dma_start3A_347] : memref<320000x128xf32, #tpu.memory_space<hbm>> -> memref<128x128xf32, #tpu.memory_space<hbm>>
    %dma_start3A_349 = arith.constant 0 : i32
    %dma_start3A_350 = arith.constant 0 : i32
    %dma_start3A_351 = tpu.memref_slice %arg6[%dma_start3A_342, %dma_start3A_349, %dma_start3A_350] : memref<6x128x128xf32, #tpu.memory_space<vmem>> -> memref<1x128x128xf32, #tpu.memory_space<vmem>>
    %dma_start3A_352 = tpu.memref_squeeze %dma_start3A_351 : memref<1x128x128xf32, #tpu.memory_space<vmem>> -> memref<128x128xf32, #tpu.memory_space<vmem>>
    %dma_start3A_353 = arith.constant 0 : i32
    %dma_start3A_354 = tpu.memref_slice %arg2[%add3A_317, %dma_start3A_353] : memref<320000x128xf32, #tpu.memory_space<hbm>> -> memref<128x128xf32, #tpu.memory_space<hbm>>
    tpu.enqueue_dma source(%dma_start3A_354 : memref<128x128xf32, #tpu.memory_space<hbm>>) target(%dma_start3A_352 : memref<128x128xf32, #tpu.memory_space<vmem>>) target_semaphore(%arg13 : memref<!tpu.dma_semaphore, #tpu.memory_space<semaphore_mem>>)
    %dma_start3A_355 = arith.constant 3 : i32
    %dma_start3A_356 = arith.constant 0 : i32
    %dma_start3A_357 = arith.constant 0 : i32
    %dma_start3A_358 = tpu.memref_slice %arg7[%dma_start3A_355, %dma_start3A_356, %dma_start3A_357] : memref<6x1x128xi32, #tpu.memory_space<vmem>> -> memref<1x1x128xi32, #tpu.memory_space<vmem>>
    %dma_start3A_359 = tpu.memref_squeeze %dma_start3A_358 : memref<1x1x128xi32, #tpu.memory_space<vmem>> -> memref<1x128xi32, #tpu.memory_space<vmem>>
    %dma_start3A_360 = arith.constant 0 : i32
    %dma_start3A_361 = tpu.memref_slice %arg3[%select_n3A_341, %dma_start3A_360] : memref<2500x128xi32, #tpu.memory_space<hbm>> -> memref<1x128xi32, #tpu.memory_space<hbm>>
    %dma_start3A_362 = arith.constant 0 : i32
    %dma_start3A_363 = arith.constant 0 : i32
    %dma_start3A_364 = tpu.memref_slice %arg7[%dma_start3A_355, %dma_start3A_362, %dma_start3A_363] : memref<6x1x128xi32, #tpu.memory_space<vmem>> -> memref<1x1x128xi32, #tpu.memory_space<vmem>>
    %dma_start3A_365 = tpu.memref_squeeze %dma_start3A_364 : memref<1x1x128xi32, #tpu.memory_space<vmem>> -> memref<1x128xi32, #tpu.memory_space<vmem>>
    %dma_start3A_366 = arith.constant 0 : i32
    %dma_start3A_367 = tpu.memref_slice %arg3[%select_n3A_341, %dma_start3A_366] : memref<2500x128xi32, #tpu.memory_space<hbm>> -> memref<1x128xi32, #tpu.memory_space<hbm>>
    tpu.enqueue_dma source(%dma_start3A_367 : memref<1x128xi32, #tpu.memory_space<hbm>>) target(%dma_start3A_365 : memref<1x128xi32, #tpu.memory_space<vmem>>) target_semaphore(%arg13 : memref<!tpu.dma_semaphore, #tpu.memory_space<semaphore_mem>>)
    %add3A_368 = arith.constant 4 : i32
    %add3A_369 = arith.addi %add3A_141, %add3A_368 : i32
    %mul3A_370 = arith.constant 160000 : i32
    %mul3A_371 = arith.muli %arg0, %mul3A_370 : i32
    %mul3A_372 = arith.constant 128 : i32
    %mul3A_373 = arith.muli %add3A_369, %mul3A_372 : i32
    %add3A_374 = arith.addi %mul3A_371, %mul3A_373 : i32
    %jit3A_375 = arith.constant 128 : i32
    %div3A_376 = arith.divsi %add3A_374, %jit3A_375 : i32
    %sign3A_377 = arith.constant 0 : i32
    %sign3A_378 = arith.cmpi sgt, %add3A_374, %sign3A_377 : i32
    %sign3A_379 = arith.extui %sign3A_378 : i1 to i32
    %sign3A_380 = arith.constant 0 : i32
    %sign3A_381 = arith.cmpi slt, %add3A_374, %sign3A_380 : i32
    %sign3A_382 = arith.extui %sign3A_381 : i1 to i32
    %sign3A_383 = arith.subi %sign3A_379, %sign3A_382 : i32
    %sign3A_384 = arith.constant 0 : i32
    %sign3A_385 = arith.cmpi sgt, %jit3A_375, %sign3A_384 : i32
    %sign3A_386 = arith.extui %sign3A_385 : i1 to i32
    %sign3A_387 = arith.constant 0 : i32
    %sign3A_388 = arith.cmpi slt, %jit3A_375, %sign3A_387 : i32
    %sign3A_389 = arith.extui %sign3A_388 : i1 to i32
    %sign3A_390 = arith.subi %sign3A_386, %sign3A_389 : i32
    %ne3A_391 = arith.cmpi ne, %sign3A_383, %sign3A_390 : i32
    %rem3A_392 = arith.remsi %add3A_374, %jit3A_375 : i32
    %ne3A_393 = arith.constant 0 : i32
    %ne3A_394 = arith.cmpi ne, %rem3A_392, %ne3A_393 : i32
    %and3A_395 = arith.andi %ne3A_391, %ne3A_394 : i1
    %sub3A_396 = arith.constant 1 : i32
    %sub3A_397 = arith.subi %div3A_376, %sub3A_396 : i32
    %select_n3A_398 = arith.select %and3A_395, %sub3A_397, %div3A_376 : i32
    %dma_start3A_399 = arith.constant 4 : i32
    %dma_start3A_400 = arith.constant 0 : i32
    %dma_start3A_401 = arith.constant 0 : i32
    %dma_start3A_402 = tpu.memref_slice %arg6[%dma_start3A_399, %dma_start3A_400, %dma_start3A_401] : memref<6x128x128xf32, #tpu.memory_space<vmem>> -> memref<1x128x128xf32, #tpu.memory_space<vmem>>
    %dma_start3A_403 = tpu.memref_squeeze %dma_start3A_402 : memref<1x128x128xf32, #tpu.memory_space<vmem>> -> memref<128x128xf32, #tpu.memory_space<vmem>>
    %dma_start3A_404 = arith.constant 0 : i32
    %dma_start3A_405 = tpu.memref_slice %arg2[%add3A_374, %dma_start3A_404] : memref<320000x128xf32, #tpu.memory_space<hbm>> -> memref<128x128xf32, #tpu.memory_space<hbm>>
    %dma_start3A_406 = arith.constant 0 : i32
    %dma_start3A_407 = arith.constant 0 : i32
    %dma_start3A_408 = tpu.memref_slice %arg6[%dma_start3A_399, %dma_start3A_406, %dma_start3A_407] : memref<6x128x128xf32, #tpu.memory_space<vmem>> -> memref<1x128x128xf32, #tpu.memory_space<vmem>>
    %dma_start3A_409 = tpu.memref_squeeze %dma_start3A_408 : memref<1x128x128xf32, #tpu.memory_space<vmem>> -> memref<128x128xf32, #tpu.memory_space<vmem>>
    %dma_start3A_410 = arith.constant 0 : i32
    %dma_start3A_411 = tpu.memref_slice %arg2[%add3A_374, %dma_start3A_410] : memref<320000x128xf32, #tpu.memory_space<hbm>> -> memref<128x128xf32, #tpu.memory_space<hbm>>
    tpu.enqueue_dma source(%dma_start3A_411 : memref<128x128xf32, #tpu.memory_space<hbm>>) target(%dma_start3A_409 : memref<128x128xf32, #tpu.memory_space<vmem>>) target_semaphore(%arg13 : memref<!tpu.dma_semaphore, #tpu.memory_space<semaphore_mem>>)
    %dma_start3A_412 = arith.constant 4 : i32
    %dma_start3A_413 = arith.constant 0 : i32
    %dma_start3A_414 = arith.constant 0 : i32
    %dma_start3A_415 = tpu.memref_slice %arg7[%dma_start3A_412, %dma_start3A_413, %dma_start3A_414] : memref<6x1x128xi32, #tpu.memory_space<vmem>> -> memref<1x1x128xi32, #tpu.memory_space<vmem>>
    %dma_start3A_416 = tpu.memref_squeeze %dma_start3A_415 : memref<1x1x128xi32, #tpu.memory_space<vmem>> -> memref<1x128xi32, #tpu.memory_space<vmem>>
    %dma_start3A_417 = arith.constant 0 : i32
    %dma_start3A_418 = tpu.memref_slice %arg3[%select_n3A_398, %dma_start3A_417] : memref<2500x128xi32, #tpu.memory_space<hbm>> -> memref<1x128xi32, #tpu.memory_space<hbm>>
    %dma_start3A_419 = arith.constant 0 : i32
    %dma_start3A_420 = arith.constant 0 : i32
    %dma_start3A_421 = tpu.memref_slice %arg7[%dma_start3A_412, %dma_start3A_419, %dma_start3A_420] : memref<6x1x128xi32, #tpu.memory_space<vmem>> -> memref<1x1x128xi32, #tpu.memory_space<vmem>>
    %dma_start3A_422 = tpu.memref_squeeze %dma_start3A_421 : memref<1x1x128xi32, #tpu.memory_space<vmem>> -> memref<1x128xi32, #tpu.memory_space<vmem>>
    %dma_start3A_423 = arith.constant 0 : i32
    %dma_start3A_424 = tpu.memref_slice %arg3[%select_n3A_398, %dma_start3A_423] : memref<2500x128xi32, #tpu.memory_space<hbm>> -> memref<1x128xi32, #tpu.memory_space<hbm>>
    tpu.enqueue_dma source(%dma_start3A_424 : memref<1x128xi32, #tpu.memory_space<hbm>>) target(%dma_start3A_422 : memref<1x128xi32, #tpu.memory_space<vmem>>) target_semaphore(%arg13 : memref<!tpu.dma_semaphore, #tpu.memory_space<semaphore_mem>>)
    %while3A = arith.constant 0 : i32
    %while3A_425 = arith.constant 0 : i32
    %while3A_426 = arith.subi %add3A_145, %while3A_425 : i32
    %while3A_427 = arith.addi %while3A_425, %while3A_426 : i32
    %while3A_428 = arith.constant 1 : i32
    %while3A_429 = arith.divsi %while3A_426, %while3A_428 : i32
    %while3A_430 = arith.muli %while3A_429, %while3A_428 : i32
    %while3A_431 = arith.addi %while3A_425, %while3A_430 : i32
    %while3A_432 = arith.constant 1 : i32
    scf.for %while3A_454 = %while3A_425 to %while3A_431 step %while3A_432  : i32 {
      %rem3A_455 = arith.constant 6 : i32
      %rem3A_456 = arith.remsi %while3A_454, %rem3A_455 : i32
      %add3A_457 = arith.constant 6 : i32
      %add3A_458 = arith.addi %while3A_454, %add3A_457 : i32
      %sub3A_459 = arith.constant 1 : i32
      %sub3A_460 = arith.subi %add3A_458, %sub3A_459 : i32
      %rem3A_461 = arith.constant 6 : i32
      %rem3A_462 = arith.remsi %sub3A_460, %rem3A_461 : i32
      %add3A_463 = arith.addi %add3A_141, %while3A_454 : i32
      %mul3A_464 = arith.constant 160000 : i32
      %mul3A_465 = arith.muli %arg0, %mul3A_464 : i32
      %mul3A_466 = arith.constant 128 : i32
      %mul3A_467 = arith.muli %add3A_463, %mul3A_466 : i32
      %add3A_468 = arith.addi %mul3A_465, %mul3A_467 : i32
      %jit3A_469 = arith.constant 128 : i32
      %div3A_470 = arith.divsi %add3A_468, %jit3A_469 : i32
      %sign3A_471 = arith.constant 0 : i32
      %sign3A_472 = arith.cmpi sgt, %add3A_468, %sign3A_471 : i32
      %sign3A_473 = arith.extui %sign3A_472 : i1 to i32
      %sign3A_474 = arith.constant 0 : i32
      %sign3A_475 = arith.cmpi slt, %add3A_468, %sign3A_474 : i32
      %sign3A_476 = arith.extui %sign3A_475 : i1 to i32
      %sign3A_477 = arith.subi %sign3A_473, %sign3A_476 : i32
      %sign3A_478 = arith.constant 0 : i32
      %sign3A_479 = arith.cmpi sgt, %jit3A_469, %sign3A_478 : i32
      %sign3A_480 = arith.extui %sign3A_479 : i1 to i32
      %sign3A_481 = arith.constant 0 : i32
      %sign3A_482 = arith.cmpi slt, %jit3A_469, %sign3A_481 : i32
      %sign3A_483 = arith.extui %sign3A_482 : i1 to i32
      %sign3A_484 = arith.subi %sign3A_480, %sign3A_483 : i32
      %ne3A_485 = arith.cmpi ne, %sign3A_477, %sign3A_484 : i32
      %rem3A_486 = arith.remsi %add3A_468, %jit3A_469 : i32
      %ne3A_487 = arith.constant 0 : i32
      %ne3A_488 = arith.cmpi ne, %rem3A_486, %ne3A_487 : i32
      %and3A_489 = arith.andi %ne3A_485, %ne3A_488 : i1
      %sub3A_490 = arith.constant 1 : i32
      %sub3A_491 = arith.subi %div3A_470, %sub3A_490 : i32
      %select_n3A_492 = arith.select %and3A_489, %sub3A_491, %div3A_470 : i32
      %dma_wait3A_493 = arith.constant 0 : i32
      %dma_wait3A_494 = arith.constant 0 : i32
      %dma_wait3A_495 = tpu.memref_slice %arg6[%rem3A_456, %dma_wait3A_493, %dma_wait3A_494] : memref<6x128x128xf32, #tpu.memory_space<vmem>> -> memref<1x128x128xf32, #tpu.memory_space<vmem>>
      %dma_wait3A_496 = tpu.memref_squeeze %dma_wait3A_495 : memref<1x128x128xf32, #tpu.memory_space<vmem>> -> memref<128x128xf32, #tpu.memory_space<vmem>>
      %dma_wait3A_497 = arith.constant 0 : i32
      %dma_wait3A_498 = tpu.memref_slice %arg2[%add3A_468, %dma_wait3A_497] : memref<320000x128xf32, #tpu.memory_space<hbm>> -> memref<128x128xf32, #tpu.memory_space<hbm>>
      %dma_wait3A_499 = arith.constant 0 : i32
      %dma_wait3A_500 = arith.constant 0 : i32
      %dma_wait3A_501 = tpu.memref_slice %arg6[%rem3A_456, %dma_wait3A_499, %dma_wait3A_500] : memref<6x128x128xf32, #tpu.memory_space<vmem>> -> memref<1x128x128xf32, #tpu.memory_space<vmem>>
      %dma_wait3A_502 = tpu.memref_squeeze %dma_wait3A_501 : memref<1x128x128xf32, #tpu.memory_space<vmem>> -> memref<128x128xf32, #tpu.memory_space<vmem>>
      %dma_wait3A_503 = arith.constant 0 : i32
      %dma_wait3A_504 = tpu.memref_slice %arg2[%add3A_468, %dma_wait3A_503] : memref<320000x128xf32, #tpu.memory_space<hbm>> -> memref<128x128xf32, #tpu.memory_space<hbm>>
      tpu.wait_dma2 semaphore(%arg13 : memref<!tpu.dma_semaphore, #tpu.memory_space<semaphore_mem>>) src(%dma_wait3A_504 : memref<128x128xf32, #tpu.memory_space<hbm>>) dst(%dma_wait3A_502 : memref<128x128xf32, #tpu.memory_space<vmem>>)
      %dma_wait3A_505 = arith.constant 0 : i32
      %dma_wait3A_506 = arith.constant 0 : i32
      %dma_wait3A_507 = tpu.memref_slice %arg7[%rem3A_456, %dma_wait3A_505, %dma_wait3A_506] : memref<6x1x128xi32, #tpu.memory_space<vmem>> -> memref<1x1x128xi32, #tpu.memory_space<vmem>>
      %dma_wait3A_508 = tpu.memref_squeeze %dma_wait3A_507 : memref<1x1x128xi32, #tpu.memory_space<vmem>> -> memref<1x128xi32, #tpu.memory_space<vmem>>
      %dma_wait3A_509 = arith.constant 0 : i32
      %dma_wait3A_510 = tpu.memref_slice %arg3[%select_n3A_492, %dma_wait3A_509] : memref<2500x128xi32, #tpu.memory_space<hbm>> -> memref<1x128xi32, #tpu.memory_space<hbm>>
      %dma_wait3A_511 = arith.constant 0 : i32
      %dma_wait3A_512 = arith.constant 0 : i32
      %dma_wait3A_513 = tpu.memref_slice %arg7[%rem3A_456, %dma_wait3A_511, %dma_wait3A_512] : memref<6x1x128xi32, #tpu.memory_space<vmem>> -> memref<1x1x128xi32, #tpu.memory_space<vmem>>
      %dma_wait3A_514 = tpu.memref_squeeze %dma_wait3A_513 : memref<1x1x128xi32, #tpu.memory_space<vmem>> -> memref<1x128xi32, #tpu.memory_space<vmem>>
      %dma_wait3A_515 = arith.constant 0 : i32
      %dma_wait3A_516 = tpu.memref_slice %arg3[%select_n3A_492, %dma_wait3A_515] : memref<2500x128xi32, #tpu.memory_space<hbm>> -> memref<1x128xi32, #tpu.memory_space<hbm>>
      tpu.wait_dma2 semaphore(%arg13 : memref<!tpu.dma_semaphore, #tpu.memory_space<semaphore_mem>>) src(%dma_wait3A_516 : memref<1x128xi32, #tpu.memory_space<hbm>>) dst(%dma_wait3A_514 : memref<1x128xi32, #tpu.memory_space<vmem>>)
      %get3A = arith.constant 0 : i32
      %get3A_517 = arith.index_cast %rem3A_456 : i32 to index
      %get3A_518 = arith.index_cast %get3A : i32 to index
      %get3A_519 = arith.constant 0 : index
      %get3A_520 = tpu.vector_load %arg7[%get3A_517, %get3A_518, %get3A_519] {strides = array<i32>} : memref<6x1x128xi32, #tpu.memory_space<vmem>>, vector<16xi32>,
      tpu.vector_store_idx %arg9[%get3A_520, %iota3A], %broadcast_in_dim3A_2 {add = true} : memref<32x16xf32, #tpu.memory_space<vmem>>[vector<16xi32>, vector<16xi32>], vector<16xf32>,
      %get3A_521 = arith.constant 0 : i32
      %get3A_522 = arith.index_cast %rem3A_456 : i32 to index
      %get3A_523 = arith.index_cast %get3A_521 : i32 to index
      %get3A_524 = arith.constant 16 : index
      %get3A_525 = tpu.vector_load %arg7[%get3A_522, %get3A_523, %get3A_524] {strides = array<i32>} : memref<6x1x128xi32, #tpu.memory_space<vmem>>, vector<16xi32>,
      tpu.vector_store_idx %arg9[%get3A_525, %iota3A], %broadcast_in_dim3A_2 {add = true} : memref<32x16xf32, #tpu.memory_space<vmem>>[vector<16xi32>, vector<16xi32>], vector<16xf32>,
      %get3A_526 = arith.constant 0 : i32
      %get3A_527 = arith.index_cast %rem3A_456 : i32 to index
      %get3A_528 = arith.index_cast %get3A_526 : i32 to index
      %get3A_529 = arith.constant 32 : index
      %get3A_530 = tpu.vector_load %arg7[%get3A_527, %get3A_528, %get3A_529] {strides = array<i32>} : memref<6x1x128xi32, #tpu.memory_space<vmem>>, vector<16xi32>,
      tpu.vector_store_idx %arg9[%get3A_530, %iota3A], %broadcast_in_dim3A_2 {add = true} : memref<32x16xf32, #tpu.memory_space<vmem>>[vector<16xi32>, vector<16xi32>], vector<16xf32>,
      %get3A_531 = arith.constant 0 : i32
      %get3A_532 = arith.index_cast %rem3A_456 : i32 to index
      %get3A_533 = arith.index_cast %get3A_531 : i32 to index
      %get3A_534 = arith.constant 48 : index
      %get3A_535 = tpu.vector_load %arg7[%get3A_532, %get3A_533, %get3A_534] {strides = array<i32>} : memref<6x1x128xi32, #tpu.memory_space<vmem>>, vector<16xi32>,
      tpu.vector_store_idx %arg9[%get3A_535, %iota3A], %broadcast_in_dim3A_2 {add = true} : memref<32x16xf32, #tpu.memory_space<vmem>>[vector<16xi32>, vector<16xi32>], vector<16xf32>,
      %get3A_536 = arith.constant 0 : i32
      %get3A_537 = arith.index_cast %rem3A_456 : i32 to index
      %get3A_538 = arith.index_cast %get3A_536 : i32 to index
      %get3A_539 = arith.constant 64 : index
      %get3A_540 = tpu.vector_load %arg7[%get3A_537, %get3A_538, %get3A_539] {strides = array<i32>} : memref<6x1x128xi32, #tpu.memory_space<vmem>>, vector<16xi32>,
      tpu.vector_store_idx %arg9[%get3A_540, %iota3A], %broadcast_in_dim3A_2 {add = true} : memref<32x16xf32, #tpu.memory_space<vmem>>[vector<16xi32>, vector<16xi32>], vector<16xf32>,
      %get3A_541 = arith.constant 0 : i32
      %get3A_542 = arith.index_cast %rem3A_456 : i32 to index
      %get3A_543 = arith.index_cast %get3A_541 : i32 to index
      %get3A_544 = arith.constant 80 : index
      %get3A_545 = tpu.vector_load %arg7[%get3A_542, %get3A_543, %get3A_544] {strides = array<i32>} : memref<6x1x128xi32, #tpu.memory_space<vmem>>, vector<16xi32>,
      tpu.vector_store_idx %arg9[%get3A_545, %iota3A], %broadcast_in_dim3A_2 {add = true} : memref<32x16xf32, #tpu.memory_space<vmem>>[vector<16xi32>, vector<16xi32>], vector<16xf32>,
      %get3A_546 = arith.constant 0 : i32
      %get3A_547 = arith.index_cast %rem3A_456 : i32 to index
      %get3A_548 = arith.index_cast %get3A_546 : i32 to index
      %get3A_549 = arith.constant 96 : index
      %get3A_550 = tpu.vector_load %arg7[%get3A_547, %get3A_548, %get3A_549] {strides = array<i32>} : memref<6x1x128xi32, #tpu.memory_space<vmem>>, vector<16xi32>,
      tpu.vector_store_idx %arg9[%get3A_550, %iota3A], %broadcast_in_dim3A_2 {add = true} : memref<32x16xf32, #tpu.memory_space<vmem>>[vector<16xi32>, vector<16xi32>], vector<16xf32>,
      %get3A_551 = arith.constant 0 : i32
      %get3A_552 = arith.index_cast %rem3A_456 : i32 to index
      %get3A_553 = arith.index_cast %get3A_551 : i32 to index
      %get3A_554 = arith.constant 112 : index
      %get3A_555 = tpu.vector_load %arg7[%get3A_552, %get3A_553, %get3A_554] {strides = array<i32>} : memref<6x1x128xi32, #tpu.memory_space<vmem>>, vector<16xi32>,
      tpu.vector_store_idx %arg9[%get3A_555, %iota3A], %broadcast_in_dim3A_2 {add = true} : memref<32x16xf32, #tpu.memory_space<vmem>>[vector<16xi32>, vector<16xi32>], vector<16xf32>,
      %gt3A = arith.constant 0 : i32
      %gt3A_556 = arith.cmpi sgt, %while3A_454, %gt3A : i32
      %convert_element_type3A_557 = arith.extui %gt3A_556 : i1 to i32
      %cond3A_558 = arith.constant 0 : i32
      %cond3A_559 = arith.cmpi ne, %convert_element_type3A_557, %cond3A_558 : i32
      scf.if %cond3A_559 {
        %dma_wait3A_578 = arith.constant 0 : i32
        %dma_wait3A_579 = arith.constant 0 : i32
        %dma_wait3A_580 = arith.constant 0 : i32
        %dma_wait3A_581 = tpu.memref_slice %arg6[%rem3A_462, %dma_wait3A_579, %dma_wait3A_580] : memref<6x128x128xf32, #tpu.memory_space<vmem>> -> memref<1x128x128xf32, #tpu.memory_space<vmem>>
        %dma_wait3A_582 = tpu.memref_squeeze %dma_wait3A_581 : memref<1x128x128xf32, #tpu.memory_space<vmem>> -> memref<128x128xf32, #tpu.memory_space<vmem>>
        %dma_wait3A_583 = arith.constant 0 : i32
        %dma_wait3A_584 = tpu.memref_slice %arg7[%rem3A_462, %dma_wait3A_578, %dma_wait3A_583] : memref<6x1x128xi32, #tpu.memory_space<vmem>> -> memref<1x1x128xi32, #tpu.memory_space<vmem>>
        %dma_wait3A_585 = tpu.memref_squeeze %dma_wait3A_584 : memref<1x1x128xi32, #tpu.memory_space<vmem>> -> memref<128xi32, #tpu.memory_space<vmem>>
        %dma_wait3A_586 = arith.constant 0 : i32
        %dma_wait3A_587 = arith.constant 0 : i32
        %dma_wait3A_588 = tpu.memref_slice %arg11[%dma_wait3A_586, %dma_wait3A_587] : memref<32x128xf32, #tpu.memory_space<vmem_shared>> -> memref<32x128xf32, #tpu.memory_space<vmem_shared>>
        tpu.wait_indirect_dma semaphore(%arg14 : memref<!tpu.dma_semaphore, #tpu.memory_space<semaphore_mem>>) src(%dma_wait3A_582 : memref<128x128xf32, #tpu.memory_space<vmem>>) dst(%dma_wait3A_588 : memref<32x128xf32, #tpu.memory_space<vmem_shared>>)
      } else {
      }
      %add3A_560 = arith.constant 6 : i32
      %add3A_561 = arith.addi %while3A_454, %add3A_560 : i32
      %sub3A_562 = arith.constant 1 : i32
      %sub3A_563 = arith.subi %add3A_561, %sub3A_562 : i32
      %lt3A = arith.cmpi slt, %sub3A_563, %add3A_145 : i32
      %convert_element_type3A_564 = arith.extui %lt3A : i1 to i32
      %cond3A_565 = arith.constant 0 : i32
      %cond3A_566 = arith.cmpi ne, %convert_element_type3A_564, %cond3A_565 : i32
      scf.if %cond3A_566 {
        %add3A_578 = arith.constant 6 : i32
        %add3A_579 = arith.addi %add3A_463, %add3A_578 : i32
        %sub3A_580 = arith.constant 1 : i32
        %sub3A_581 = arith.subi %add3A_579, %sub3A_580 : i32
        %mul3A_582 = arith.constant 160000 : i32
        %mul3A_583 = arith.muli %arg0, %mul3A_582 : i32
        %mul3A_584 = arith.constant 128 : i32
        %mul3A_585 = arith.muli %sub3A_581, %mul3A_584 : i32
        %add3A_586 = arith.addi %mul3A_583, %mul3A_585 : i32
        %jit3A_587 = arith.constant 128 : i32
        %div3A_588 = arith.divsi %add3A_586, %jit3A_587 : i32
        %sign3A_589 = arith.constant 0 : i32
        %sign3A_590 = arith.cmpi sgt, %add3A_586, %sign3A_589 : i32
        %sign3A_591 = arith.extui %sign3A_590 : i1 to i32
        %sign3A_592 = arith.constant 0 : i32
        %sign3A_593 = arith.cmpi slt, %add3A_586, %sign3A_592 : i32
        %sign3A_594 = arith.extui %sign3A_593 : i1 to i32
        %sign3A_595 = arith.subi %sign3A_591, %sign3A_594 : i32
        %sign3A_596 = arith.constant 0 : i32
        %sign3A_597 = arith.cmpi sgt, %jit3A_587, %sign3A_596 : i32
        %sign3A_598 = arith.extui %sign3A_597 : i1 to i32
        %sign3A_599 = arith.constant 0 : i32
        %sign3A_600 = arith.cmpi slt, %jit3A_587, %sign3A_599 : i32
        %sign3A_601 = arith.extui %sign3A_600 : i1 to i32
        %sign3A_602 = arith.subi %sign3A_598, %sign3A_601 : i32
        %ne3A_603 = arith.cmpi ne, %sign3A_595, %sign3A_602 : i32
        %rem3A_604 = arith.remsi %add3A_586, %jit3A_587 : i32
        %ne3A_605 = arith.constant 0 : i32
        %ne3A_606 = arith.cmpi ne, %rem3A_604, %ne3A_605 : i32
        %and3A_607 = arith.andi %ne3A_603, %ne3A_606 : i1
        %sub3A_608 = arith.constant 1 : i32
        %sub3A_609 = arith.subi %div3A_588, %sub3A_608 : i32
        %select_n3A_610 = arith.select %and3A_607, %sub3A_609, %div3A_588 : i32
        %dma_start3A_611 = arith.constant 0 : i32
        %dma_start3A_612 = arith.constant 0 : i32
        %dma_start3A_613 = tpu.memref_slice %arg6[%rem3A_462, %dma_start3A_611, %dma_start3A_612] : memref<6x128x128xf32, #tpu.memory_space<vmem>> -> memref<1x128x128xf32, #tpu.memory_space<vmem>>
        %dma_start3A_614 = tpu.memref_squeeze %dma_start3A_613 : memref<1x128x128xf32, #tpu.memory_space<vmem>> -> memref<128x128xf32, #tpu.memory_space<vmem>>
        %dma_start3A_615 = arith.constant 0 : i32
        %dma_start3A_616 = tpu.memref_slice %arg2[%add3A_586, %dma_start3A_615] : memref<320000x128xf32, #tpu.memory_space<hbm>> -> memref<128x128xf32, #tpu.memory_space<hbm>>
        %dma_start3A_617 = arith.constant 0 : i32
        %dma_start3A_618 = arith.constant 0 : i32
        %dma_start3A_619 = tpu.memref_slice %arg6[%rem3A_462, %dma_start3A_617, %dma_start3A_618] : memref<6x128x128xf32, #tpu.memory_space<vmem>> -> memref<1x128x128xf32, #tpu.memory_space<vmem>>
        %dma_start3A_620 = tpu.memref_squeeze %dma_start3A_619 : memref<1x128x128xf32, #tpu.memory_space<vmem>> -> memref<128x128xf32, #tpu.memory_space<vmem>>
        %dma_start3A_621 = arith.constant 0 : i32
        %dma_start3A_622 = tpu.memref_slice %arg2[%add3A_586, %dma_start3A_621] : memref<320000x128xf32, #tpu.memory_space<hbm>> -> memref<128x128xf32, #tpu.memory_space<hbm>>
        tpu.enqueue_dma source(%dma_start3A_622 : memref<128x128xf32, #tpu.memory_space<hbm>>) target(%dma_start3A_620 : memref<128x128xf32, #tpu.memory_space<vmem>>) target_semaphore(%arg13 : memref<!tpu.dma_semaphore, #tpu.memory_space<semaphore_mem>>)
        %dma_start3A_623 = arith.constant 0 : i32
        %dma_start3A_624 = arith.constant 0 : i32
        %dma_start3A_625 = tpu.memref_slice %arg7[%rem3A_462, %dma_start3A_623, %dma_start3A_624] : memref<6x1x128xi32, #tpu.memory_space<vmem>> -> memref<1x1x128xi32, #tpu.memory_space<vmem>>
        %dma_start3A_626 = tpu.memref_squeeze %dma_start3A_625 : memref<1x1x128xi32, #tpu.memory_space<vmem>> -> memref<1x128xi32, #tpu.memory_space<vmem>>
        %dma_start3A_627 = arith.constant 0 : i32
        %dma_start3A_628 = tpu.memref_slice %arg3[%select_n3A_610, %dma_start3A_627] : memref<2500x128xi32, #tpu.memory_space<hbm>> -> memref<1x128xi32, #tpu.memory_space<hbm>>
        %dma_start3A_629 = arith.constant 0 : i32
        %dma_start3A_630 = arith.constant 0 : i32
        %dma_start3A_631 = tpu.memref_slice %arg7[%rem3A_462, %dma_start3A_629, %dma_start3A_630] : memref<6x1x128xi32, #tpu.memory_space<vmem>> -> memref<1x1x128xi32, #tpu.memory_space<vmem>>
        %dma_start3A_632 = tpu.memref_squeeze %dma_start3A_631 : memref<1x1x128xi32, #tpu.memory_space<vmem>> -> memref<1x128xi32, #tpu.memory_space<vmem>>
        %dma_start3A_633 = arith.constant 0 : i32
        %dma_start3A_634 = tpu.memref_slice %arg3[%select_n3A_610, %dma_start3A_633] : memref<2500x128xi32, #tpu.memory_space<hbm>> -> memref<1x128xi32, #tpu.memory_space<hbm>>
        tpu.enqueue_dma source(%dma_start3A_634 : memref<1x128xi32, #tpu.memory_space<hbm>>) target(%dma_start3A_632 : memref<1x128xi32, #tpu.memory_space<vmem>>) target_semaphore(%arg13 : memref<!tpu.dma_semaphore, #tpu.memory_space<semaphore_mem>>)
      } else {
      }
      %dma_start3A_567 = arith.constant 0 : i32
      %dma_start3A_568 = arith.constant 0 : i32
      %dma_start3A_569 = arith.constant 0 : i32
      %dma_start3A_570 = tpu.memref_slice %arg6[%rem3A_456, %dma_start3A_568, %dma_start3A_569] : memref<6x128x128xf32, #tpu.memory_space<vmem>> -> memref<1x128x128xf32, #tpu.memory_space<vmem>>
      %dma_start3A_571 = tpu.memref_squeeze %dma_start3A_570 : memref<1x128x128xf32, #tpu.memory_space<vmem>> -> memref<128x128xf32, #tpu.memory_space<vmem>>
      %dma_start3A_572 = arith.constant 0 : i32
      %dma_start3A_573 = tpu.memref_slice %arg7[%rem3A_456, %dma_start3A_567, %dma_start3A_572] : memref<6x1x128xi32, #tpu.memory_space<vmem>> -> memref<1x1x128xi32, #tpu.memory_space<vmem>>
      %dma_start3A_574 = tpu.memref_squeeze %dma_start3A_573 : memref<1x1x128xi32, #tpu.memory_space<vmem>> -> memref<128xi32, #tpu.memory_space<vmem>>
      %dma_start3A_575 = arith.constant 0 : i32
      %dma_start3A_576 = arith.constant 0 : i32
      %dma_start3A_577 = tpu.memref_slice %arg11[%dma_start3A_575, %dma_start3A_576] : memref<32x128xf32, #tpu.memory_space<vmem_shared>> -> memref<32x128xf32, #tpu.memory_space<vmem_shared>>
      tpu.enqueue_indirect_dma source(%dma_start3A_571 : memref<128x128xf32, #tpu.memory_space<vmem>>) target(%dma_start3A_577 : memref<32x128xf32, #tpu.memory_space<vmem_shared>>) offsets(%dma_start3A_574 : memref<128xi32, #tpu.memory_space<vmem>>) semaphore(%arg14 : memref<!tpu.dma_semaphore, #tpu.memory_space<semaphore_mem>>) {add = true}
    }
    %while3A_433 = arith.constant 1 : i32
    scf.for %while3A_454 = %while3A_431 to %while3A_427 step %while3A_433  : i32 {
      %rem3A_455 = arith.constant 6 : i32
      %rem3A_456 = arith.remsi %while3A_454, %rem3A_455 : i32
      %add3A_457 = arith.constant 6 : i32
      %add3A_458 = arith.addi %while3A_454, %add3A_457 : i32
      %sub3A_459 = arith.constant 1 : i32
      %sub3A_460 = arith.subi %add3A_458, %sub3A_459 : i32
      %rem3A_461 = arith.constant 6 : i32
      %rem3A_462 = arith.remsi %sub3A_460, %rem3A_461 : i32
      %add3A_463 = arith.addi %add3A_141, %while3A_454 : i32
      %mul3A_464 = arith.constant 160000 : i32
      %mul3A_465 = arith.muli %arg0, %mul3A_464 : i32
      %mul3A_466 = arith.constant 128 : i32
      %mul3A_467 = arith.muli %add3A_463, %mul3A_466 : i32
      %add3A_468 = arith.addi %mul3A_465, %mul3A_467 : i32
      %jit3A_469 = arith.constant 128 : i32
      %div3A_470 = arith.divsi %add3A_468, %jit3A_469 : i32
      %sign3A_471 = arith.constant 0 : i32
      %sign3A_472 = arith.cmpi sgt, %add3A_468, %sign3A_471 : i32
      %sign3A_473 = arith.extui %sign3A_472 : i1 to i32
      %sign3A_474 = arith.constant 0 : i32
      %sign3A_475 = arith.cmpi slt, %add3A_468, %sign3A_474 : i32
      %sign3A_476 = arith.extui %sign3A_475 : i1 to i32
      %sign3A_477 = arith.subi %sign3A_473, %sign3A_476 : i32
      %sign3A_478 = arith.constant 0 : i32
      %sign3A_479 = arith.cmpi sgt, %jit3A_469, %sign3A_478 : i32
      %sign3A_480 = arith.extui %sign3A_479 : i1 to i32
      %sign3A_481 = arith.constant 0 : i32
      %sign3A_482 = arith.cmpi slt, %jit3A_469, %sign3A_481 : i32
      %sign3A_483 = arith.extui %sign3A_482 : i1 to i32
      %sign3A_484 = arith.subi %sign3A_480, %sign3A_483 : i32
      %ne3A_485 = arith.cmpi ne, %sign3A_477, %sign3A_484 : i32
      %rem3A_486 = arith.remsi %add3A_468, %jit3A_469 : i32
      %ne3A_487 = arith.constant 0 : i32
      %ne3A_488 = arith.cmpi ne, %rem3A_486, %ne3A_487 : i32
      %and3A_489 = arith.andi %ne3A_485, %ne3A_488 : i1
      %sub3A_490 = arith.constant 1 : i32
      %sub3A_491 = arith.subi %div3A_470, %sub3A_490 : i32
      %select_n3A_492 = arith.select %and3A_489, %sub3A_491, %div3A_470 : i32
      %dma_wait3A_493 = arith.constant 0 : i32
      %dma_wait3A_494 = arith.constant 0 : i32
      %dma_wait3A_495 = tpu.memref_slice %arg6[%rem3A_456, %dma_wait3A_493, %dma_wait3A_494] : memref<6x128x128xf32, #tpu.memory_space<vmem>> -> memref<1x128x128xf32, #tpu.memory_space<vmem>>
      %dma_wait3A_496 = tpu.memref_squeeze %dma_wait3A_495 : memref<1x128x128xf32, #tpu.memory_space<vmem>> -> memref<128x128xf32, #tpu.memory_space<vmem>>
      %dma_wait3A_497 = arith.constant 0 : i32
      %dma_wait3A_498 = tpu.memref_slice %arg2[%add3A_468, %dma_wait3A_497] : memref<320000x128xf32, #tpu.memory_space<hbm>> -> memref<128x128xf32, #tpu.memory_space<hbm>>
      %dma_wait3A_499 = arith.constant 0 : i32
      %dma_wait3A_500 = arith.constant 0 : i32
      %dma_wait3A_501 = tpu.memref_slice %arg6[%rem3A_456, %dma_wait3A_499, %dma_wait3A_500] : memref<6x128x128xf32, #tpu.memory_space<vmem>> -> memref<1x128x128xf32, #tpu.memory_space<vmem>>
      %dma_wait3A_502 = tpu.memref_squeeze %dma_wait3A_501 : memref<1x128x128xf32, #tpu.memory_space<vmem>> -> memref<128x128xf32, #tpu.memory_space<vmem>>
      %dma_wait3A_503 = arith.constant 0 : i32
      %dma_wait3A_504 = tpu.memref_slice %arg2[%add3A_468, %dma_wait3A_503] : memref<320000x128xf32, #tpu.memory_space<hbm>> -> memref<128x128xf32, #tpu.memory_space<hbm>>
      tpu.wait_dma2 semaphore(%arg13 : memref<!tpu.dma_semaphore, #tpu.memory_space<semaphore_mem>>) src(%dma_wait3A_504 : memref<128x128xf32, #tpu.memory_space<hbm>>) dst(%dma_wait3A_502 : memref<128x128xf32, #tpu.memory_space<vmem>>)
      %dma_wait3A_505 = arith.constant 0 : i32
      %dma_wait3A_506 = arith.constant 0 : i32
      %dma_wait3A_507 = tpu.memref_slice %arg7[%rem3A_456, %dma_wait3A_505, %dma_wait3A_506] : memref<6x1x128xi32, #tpu.memory_space<vmem>> -> memref<1x1x128xi32, #tpu.memory_space<vmem>>
      %dma_wait3A_508 = tpu.memref_squeeze %dma_wait3A_507 : memref<1x1x128xi32, #tpu.memory_space<vmem>> -> memref<1x128xi32, #tpu.memory_space<vmem>>
      %dma_wait3A_509 = arith.constant 0 : i32
      %dma_wait3A_510 = tpu.memref_slice %arg3[%select_n3A_492, %dma_wait3A_509] : memref<2500x128xi32, #tpu.memory_space<hbm>> -> memref<1x128xi32, #tpu.memory_space<hbm>>
      %dma_wait3A_511 = arith.constant 0 : i32
      %dma_wait3A_512 = arith.constant 0 : i32
      %dma_wait3A_513 = tpu.memref_slice %arg7[%rem3A_456, %dma_wait3A_511, %dma_wait3A_512] : memref<6x1x128xi32, #tpu.memory_space<vmem>> -> memref<1x1x128xi32, #tpu.memory_space<vmem>>
      %dma_wait3A_514 = tpu.memref_squeeze %dma_wait3A_513 : memref<1x1x128xi32, #tpu.memory_space<vmem>> -> memref<1x128xi32, #tpu.memory_space<vmem>>
      %dma_wait3A_515 = arith.constant 0 : i32
      %dma_wait3A_516 = tpu.memref_slice %arg3[%select_n3A_492, %dma_wait3A_515] : memref<2500x128xi32, #tpu.memory_space<hbm>> -> memref<1x128xi32, #tpu.memory_space<hbm>>
      tpu.wait_dma2 semaphore(%arg13 : memref<!tpu.dma_semaphore, #tpu.memory_space<semaphore_mem>>) src(%dma_wait3A_516 : memref<1x128xi32, #tpu.memory_space<hbm>>) dst(%dma_wait3A_514 : memref<1x128xi32, #tpu.memory_space<vmem>>)
      %get3A = arith.constant 0 : i32
      %get3A_517 = arith.index_cast %rem3A_456 : i32 to index
      %get3A_518 = arith.index_cast %get3A : i32 to index
      %get3A_519 = arith.constant 0 : index
      %get3A_520 = tpu.vector_load %arg7[%get3A_517, %get3A_518, %get3A_519] {strides = array<i32>} : memref<6x1x128xi32, #tpu.memory_space<vmem>>, vector<16xi32>,
      tpu.vector_store_idx %arg9[%get3A_520, %iota3A], %broadcast_in_dim3A_2 {add = true} : memref<32x16xf32, #tpu.memory_space<vmem>>[vector<16xi32>, vector<16xi32>], vector<16xf32>,
      %get3A_521 = arith.constant 0 : i32
      %get3A_522 = arith.index_cast %rem3A_456 : i32 to index
      %get3A_523 = arith.index_cast %get3A_521 : i32 to index
      %get3A_524 = arith.constant 16 : index
      %get3A_525 = tpu.vector_load %arg7[%get3A_522, %get3A_523, %get3A_524] {strides = array<i32>} : memref<6x1x128xi32, #tpu.memory_space<vmem>>, vector<16xi32>,
      tpu.vector_store_idx %arg9[%get3A_525, %iota3A], %broadcast_in_dim3A_2 {add = true} : memref<32x16xf32, #tpu.memory_space<vmem>>[vector<16xi32>, vector<16xi32>], vector<16xf32>,
      %get3A_526 = arith.constant 0 : i32
      %get3A_527 = arith.index_cast %rem3A_456 : i32 to index
      %get3A_528 = arith.index_cast %get3A_526 : i32 to index
      %get3A_529 = arith.constant 32 : index
      %get3A_530 = tpu.vector_load %arg7[%get3A_527, %get3A_528, %get3A_529] {strides = array<i32>} : memref<6x1x128xi32, #tpu.memory_space<vmem>>, vector<16xi32>,
      tpu.vector_store_idx %arg9[%get3A_530, %iota3A], %broadcast_in_dim3A_2 {add = true} : memref<32x16xf32, #tpu.memory_space<vmem>>[vector<16xi32>, vector<16xi32>], vector<16xf32>,
      %get3A_531 = arith.constant 0 : i32
      %get3A_532 = arith.index_cast %rem3A_456 : i32 to index
      %get3A_533 = arith.index_cast %get3A_531 : i32 to index
      %get3A_534 = arith.constant 48 : index
      %get3A_535 = tpu.vector_load %arg7[%get3A_532, %get3A_533, %get3A_534] {strides = array<i32>} : memref<6x1x128xi32, #tpu.memory_space<vmem>>, vector<16xi32>,
      tpu.vector_store_idx %arg9[%get3A_535, %iota3A], %broadcast_in_dim3A_2 {add = true} : memref<32x16xf32, #tpu.memory_space<vmem>>[vector<16xi32>, vector<16xi32>], vector<16xf32>,
      %get3A_536 = arith.constant 0 : i32
      %get3A_537 = arith.index_cast %rem3A_456 : i32 to index
      %get3A_538 = arith.index_cast %get3A_536 : i32 to index
      %get3A_539 = arith.constant 64 : index
      %get3A_540 = tpu.vector_load %arg7[%get3A_537, %get3A_538, %get3A_539] {strides = array<i32>} : memref<6x1x128xi32, #tpu.memory_space<vmem>>, vector<16xi32>,
      tpu.vector_store_idx %arg9[%get3A_540, %iota3A], %broadcast_in_dim3A_2 {add = true} : memref<32x16xf32, #tpu.memory_space<vmem>>[vector<16xi32>, vector<16xi32>], vector<16xf32>,
      %get3A_541 = arith.constant 0 : i32
      %get3A_542 = arith.index_cast %rem3A_456 : i32 to index
      %get3A_543 = arith.index_cast %get3A_541 : i32 to index
      %get3A_544 = arith.constant 80 : index
      %get3A_545 = tpu.vector_load %arg7[%get3A_542, %get3A_543, %get3A_544] {strides = array<i32>} : memref<6x1x128xi32, #tpu.memory_space<vmem>>, vector<16xi32>,
      tpu.vector_store_idx %arg9[%get3A_545, %iota3A], %broadcast_in_dim3A_2 {add = true} : memref<32x16xf32, #tpu.memory_space<vmem>>[vector<16xi32>, vector<16xi32>], vector<16xf32>,
      %get3A_546 = arith.constant 0 : i32
      %get3A_547 = arith.index_cast %rem3A_456 : i32 to index
      %get3A_548 = arith.index_cast %get3A_546 : i32 to index
      %get3A_549 = arith.constant 96 : index
      %get3A_550 = tpu.vector_load %arg7[%get3A_547, %get3A_548, %get3A_549] {strides = array<i32>} : memref<6x1x128xi32, #tpu.memory_space<vmem>>, vector<16xi32>,
      tpu.vector_store_idx %arg9[%get3A_550, %iota3A], %broadcast_in_dim3A_2 {add = true} : memref<32x16xf32, #tpu.memory_space<vmem>>[vector<16xi32>, vector<16xi32>], vector<16xf32>,
      %get3A_551 = arith.constant 0 : i32
      %get3A_552 = arith.index_cast %rem3A_456 : i32 to index
      %get3A_553 = arith.index_cast %get3A_551 : i32 to index
      %get3A_554 = arith.constant 112 : index
      %get3A_555 = tpu.vector_load %arg7[%get3A_552, %get3A_553, %get3A_554] {strides = array<i32>} : memref<6x1x128xi32, #tpu.memory_space<vmem>>, vector<16xi32>,
      tpu.vector_store_idx %arg9[%get3A_555, %iota3A], %broadcast_in_dim3A_2 {add = true} : memref<32x16xf32, #tpu.memory_space<vmem>>[vector<16xi32>, vector<16xi32>], vector<16xf32>,
      %gt3A = arith.constant 0 : i32
      %gt3A_556 = arith.cmpi sgt, %while3A_454, %gt3A : i32
      %convert_element_type3A_557 = arith.extui %gt3A_556 : i1 to i32
      %cond3A_558 = arith.constant 0 : i32
      %cond3A_559 = arith.cmpi ne, %convert_element_type3A_557, %cond3A_558 : i32
      scf.if %cond3A_559 {
        %dma_wait3A_578 = arith.constant 0 : i32
        %dma_wait3A_579 = arith.constant 0 : i32
        %dma_wait3A_580 = arith.constant 0 : i32
        %dma_wait3A_581 = tpu.memref_slice %arg6[%rem3A_462, %dma_wait3A_579, %dma_wait3A_580] : memref<6x128x128xf32, #tpu.memory_space<vmem>> -> memref<1x128x128xf32, #tpu.memory_space<vmem>>
        %dma_wait3A_582 = tpu.memref_squeeze %dma_wait3A_581 : memref<1x128x128xf32, #tpu.memory_space<vmem>> -> memref<128x128xf32, #tpu.memory_space<vmem>>
        %dma_wait3A_583 = arith.constant 0 : i32
        %dma_wait3A_584 = tpu.memref_slice %arg7[%rem3A_462, %dma_wait3A_578, %dma_wait3A_583] : memref<6x1x128xi32, #tpu.memory_space<vmem>> -> memref<1x1x128xi32, #tpu.memory_space<vmem>>
        %dma_wait3A_585 = tpu.memref_squeeze %dma_wait3A_584 : memref<1x1x128xi32, #tpu.memory_space<vmem>> -> memref<128xi32, #tpu.memory_space<vmem>>
        %dma_wait3A_586 = arith.constant 0 : i32
        %dma_wait3A_587 = arith.constant 0 : i32
        %dma_wait3A_588 = tpu.memref_slice %arg11[%dma_wait3A_586, %dma_wait3A_587] : memref<32x128xf32, #tpu.memory_space<vmem_shared>> -> memref<32x128xf32, #tpu.memory_space<vmem_shared>>
        tpu.wait_indirect_dma semaphore(%arg14 : memref<!tpu.dma_semaphore, #tpu.memory_space<semaphore_mem>>) src(%dma_wait3A_582 : memref<128x128xf32, #tpu.memory_space<vmem>>) dst(%dma_wait3A_588 : memref<32x128xf32, #tpu.memory_space<vmem_shared>>)
      } else {
      }
      %add3A_560 = arith.constant 6 : i32
      %add3A_561 = arith.addi %while3A_454, %add3A_560 : i32
      %sub3A_562 = arith.constant 1 : i32
      %sub3A_563 = arith.subi %add3A_561, %sub3A_562 : i32
      %lt3A = arith.cmpi slt, %sub3A_563, %add3A_145 : i32
      %convert_element_type3A_564 = arith.extui %lt3A : i1 to i32
      %cond3A_565 = arith.constant 0 : i32
      %cond3A_566 = arith.cmpi ne, %convert_element_type3A_564, %cond3A_565 : i32
      scf.if %cond3A_566 {
        %add3A_578 = arith.constant 6 : i32
        %add3A_579 = arith.addi %add3A_463, %add3A_578 : i32
        %sub3A_580 = arith.constant 1 : i32
        %sub3A_581 = arith.subi %add3A_579, %sub3A_580 : i32
        %mul3A_582 = arith.constant 160000 : i32
        %mul3A_583 = arith.muli %arg0, %mul3A_582 : i32
        %mul3A_584 = arith.constant 128 : i32
        %mul3A_585 = arith.muli %sub3A_581, %mul3A_584 : i32
        %add3A_586 = arith.addi %mul3A_583, %mul3A_585 : i32
        %jit3A_587 = arith.constant 128 : i32
        %div3A_588 = arith.divsi %add3A_586, %jit3A_587 : i32
        %sign3A_589 = arith.constant 0 : i32
        %sign3A_590 = arith.cmpi sgt, %add3A_586, %sign3A_589 : i32
        %sign3A_591 = arith.extui %sign3A_590 : i1 to i32
        %sign3A_592 = arith.constant 0 : i32
        %sign3A_593 = arith.cmpi slt, %add3A_586, %sign3A_592 : i32
        %sign3A_594 = arith.extui %sign3A_593 : i1 to i32
        %sign3A_595 = arith.subi %sign3A_591, %sign3A_594 : i32
        %sign3A_596 = arith.constant 0 : i32
        %sign3A_597 = arith.cmpi sgt, %jit3A_587, %sign3A_596 : i32
        %sign3A_598 = arith.extui %sign3A_597 : i1 to i32
        %sign3A_599 = arith.constant 0 : i32
        %sign3A_600 = arith.cmpi slt, %jit3A_587, %sign3A_599 : i32
        %sign3A_601 = arith.extui %sign3A_600 : i1 to i32
        %sign3A_602 = arith.subi %sign3A_598, %sign3A_601 : i32
        %ne3A_603 = arith.cmpi ne, %sign3A_595, %sign3A_602 : i32
        %rem3A_604 = arith.remsi %add3A_586, %jit3A_587 : i32
        %ne3A_605 = arith.constant 0 : i32
        %ne3A_606 = arith.cmpi ne, %rem3A_604, %ne3A_605 : i32
        %and3A_607 = arith.andi %ne3A_603, %ne3A_606 : i1
        %sub3A_608 = arith.constant 1 : i32
        %sub3A_609 = arith.subi %div3A_588, %sub3A_608 : i32
        %select_n3A_610 = arith.select %and3A_607, %sub3A_609, %div3A_588 : i32
        %dma_start3A_611 = arith.constant 0 : i32
        %dma_start3A_612 = arith.constant 0 : i32
        %dma_start3A_613 = tpu.memref_slice %arg6[%rem3A_462, %dma_start3A_611, %dma_start3A_612] : memref<6x128x128xf32, #tpu.memory_space<vmem>> -> memref<1x128x128xf32, #tpu.memory_space<vmem>>
        %dma_start3A_614 = tpu.memref_squeeze %dma_start3A_613 : memref<1x128x128xf32, #tpu.memory_space<vmem>> -> memref<128x128xf32, #tpu.memory_space<vmem>>
        %dma_start3A_615 = arith.constant 0 : i32
        %dma_start3A_616 = tpu.memref_slice %arg2[%add3A_586, %dma_start3A_615] : memref<320000x128xf32, #tpu.memory_space<hbm>> -> memref<128x128xf32, #tpu.memory_space<hbm>>
        %dma_start3A_617 = arith.constant 0 : i32
        %dma_start3A_618 = arith.constant 0 : i32
        %dma_start3A_619 = tpu.memref_slice %arg6[%rem3A_462, %dma_start3A_617, %dma_start3A_618] : memref<6x128x128xf32, #tpu.memory_space<vmem>> -> memref<1x128x128xf32, #tpu.memory_space<vmem>>
        %dma_start3A_620 = tpu.memref_squeeze %dma_start3A_619 : memref<1x128x128xf32, #tpu.memory_space<vmem>> -> memref<128x128xf32, #tpu.memory_space<vmem>>
        %dma_start3A_621 = arith.constant 0 : i32
        %dma_start3A_622 = tpu.memref_slice %arg2[%add3A_586, %dma_start3A_621] : memref<320000x128xf32, #tpu.memory_space<hbm>> -> memref<128x128xf32, #tpu.memory_space<hbm>>
        tpu.enqueue_dma source(%dma_start3A_622 : memref<128x128xf32, #tpu.memory_space<hbm>>) target(%dma_start3A_620 : memref<128x128xf32, #tpu.memory_space<vmem>>) target_semaphore(%arg13 : memref<!tpu.dma_semaphore, #tpu.memory_space<semaphore_mem>>)
        %dma_start3A_623 = arith.constant 0 : i32
        %dma_start3A_624 = arith.constant 0 : i32
        %dma_start3A_625 = tpu.memref_slice %arg7[%rem3A_462, %dma_start3A_623, %dma_start3A_624] : memref<6x1x128xi32, #tpu.memory_space<vmem>> -> memref<1x1x128xi32, #tpu.memory_space<vmem>>
        %dma_start3A_626 = tpu.memref_squeeze %dma_start3A_625 : memref<1x1x128xi32, #tpu.memory_space<vmem>> -> memref<1x128xi32, #tpu.memory_space<vmem>>
        %dma_start3A_627 = arith.constant 0 : i32
        %dma_start3A_628 = tpu.memref_slice %arg3[%select_n3A_610, %dma_start3A_627] : memref<2500x128xi32, #tpu.memory_space<hbm>> -> memref<1x128xi32, #tpu.memory_space<hbm>>
        %dma_start3A_629 = arith.constant 0 : i32
        %dma_start3A_630 = arith.constant 0 : i32
        %dma_start3A_631 = tpu.memref_slice %arg7[%rem3A_462, %dma_start3A_629, %dma_start3A_630] : memref<6x1x128xi32, #tpu.memory_space<vmem>> -> memref<1x1x128xi32, #tpu.memory_space<vmem>>
        %dma_start3A_632 = tpu.memref_squeeze %dma_start3A_631 : memref<1x1x128xi32, #tpu.memory_space<vmem>> -> memref<1x128xi32, #tpu.memory_space<vmem>>
        %dma_start3A_633 = arith.constant 0 : i32
        %dma_start3A_634 = tpu.memref_slice %arg3[%select_n3A_610, %dma_start3A_633] : memref<2500x128xi32, #tpu.memory_space<hbm>> -> memref<1x128xi32, #tpu.memory_space<hbm>>
        tpu.enqueue_dma source(%dma_start3A_634 : memref<1x128xi32, #tpu.memory_space<hbm>>) target(%dma_start3A_632 : memref<1x128xi32, #tpu.memory_space<vmem>>) target_semaphore(%arg13 : memref<!tpu.dma_semaphore, #tpu.memory_space<semaphore_mem>>)
      } else {
      }
      %dma_start3A_567 = arith.constant 0 : i32
      %dma_start3A_568 = arith.constant 0 : i32
      %dma_start3A_569 = arith.constant 0 : i32
      %dma_start3A_570 = tpu.memref_slice %arg6[%rem3A_456, %dma_start3A_568, %dma_start3A_569] : memref<6x128x128xf32, #tpu.memory_space<vmem>> -> memref<1x128x128xf32, #tpu.memory_space<vmem>>
      %dma_start3A_571 = tpu.memref_squeeze %dma_start3A_570 : memref<1x128x128xf32, #tpu.memory_space<vmem>> -> memref<128x128xf32, #tpu.memory_space<vmem>>
      %dma_start3A_572 = arith.constant 0 : i32
      %dma_start3A_573 = tpu.memref_slice %arg7[%rem3A_456, %dma_start3A_567, %dma_start3A_572] : memref<6x1x128xi32, #tpu.memory_space<vmem>> -> memref<1x1x128xi32, #tpu.memory_space<vmem>>
      %dma_start3A_574 = tpu.memref_squeeze %dma_start3A_573 : memref<1x1x128xi32, #tpu.memory_space<vmem>> -> memref<128xi32, #tpu.memory_space<vmem>>
      %dma_start3A_575 = arith.constant 0 : i32
      %dma_start3A_576 = arith.constant 0 : i32
      %dma_start3A_577 = tpu.memref_slice %arg11[%dma_start3A_575, %dma_start3A_576] : memref<32x128xf32, #tpu.memory_space<vmem_shared>> -> memref<32x128xf32, #tpu.memory_space<vmem_shared>>
      tpu.enqueue_indirect_dma source(%dma_start3A_571 : memref<128x128xf32, #tpu.memory_space<vmem>>) target(%dma_start3A_577 : memref<32x128xf32, #tpu.memory_space<vmem_shared>>) offsets(%dma_start3A_574 : memref<128xi32, #tpu.memory_space<vmem>>) semaphore(%arg14 : memref<!tpu.dma_semaphore, #tpu.memory_space<semaphore_mem>>) {add = true}
    }
    %sub3A_434 = arith.constant 1 : i32
    %sub3A_435 = arith.subi %add3A_145, %sub3A_434 : i32
    %rem3A_436 = arith.constant 6 : i32
    %rem3A_437 = arith.remsi %sub3A_435, %rem3A_436 : i32
    %dma_wait3A = arith.constant 0 : i32
    %dma_wait3A_438 = arith.constant 0 : i32
    %dma_wait3A_439 = arith.constant 0 : i32
    %dma_wait3A_440 = tpu.memref_slice %arg6[%rem3A_437, %dma_wait3A_438, %dma_wait3A_439] : memref<6x128x128xf32, #tpu.memory_space<vmem>> -> memref<1x128x128xf32, #tpu.memory_space<vmem>>
    %dma_wait3A_441 = tpu.memref_squeeze %dma_wait3A_440 : memref<1x128x128xf32, #tpu.memory_space<vmem>> -> memref<128x128xf32, #tpu.memory_space<vmem>>
    %dma_wait3A_442 = arith.constant 0 : i32
    %dma_wait3A_443 = tpu.memref_slice %arg7[%rem3A_437, %dma_wait3A, %dma_wait3A_442] : memref<6x1x128xi32, #tpu.memory_space<vmem>> -> memref<1x1x128xi32, #tpu.memory_space<vmem>>
    %dma_wait3A_444 = tpu.memref_squeeze %dma_wait3A_443 : memref<1x1x128xi32, #tpu.memory_space<vmem>> -> memref<128xi32, #tpu.memory_space<vmem>>
    %dma_wait3A_445 = arith.constant 0 : i32
    %dma_wait3A_446 = arith.constant 0 : i32
    %dma_wait3A_447 = tpu.memref_slice %arg11[%dma_wait3A_445, %dma_wait3A_446] : memref<32x128xf32, #tpu.memory_space<vmem_shared>> -> memref<32x128xf32, #tpu.memory_space<vmem_shared>>
    tpu.wait_indirect_dma semaphore(%arg14 : memref<!tpu.dma_semaphore, #tpu.memory_space<semaphore_mem>>) src(%dma_wait3A_441 : memref<128x128xf32, #tpu.memory_space<vmem>>) dst(%dma_wait3A_447 : memref<32x128xf32, #tpu.memory_space<vmem_shared>>)
    "tpu.region"() ({
      %run_scoped3A = tpu.sem_alloc : memref<!tpu.dma_semaphore, #tpu.memory_space<semaphore_mem>>
      %dma_start3A_454 = arith.constant 0 : i32
      %dma_start3A_455 = arith.constant 0 : i32
      %dma_start3A_456 = tpu.memref_slice %arg12[%dma_start3A_454, %dma_start3A_455] : memref<32x16xf32, #tpu.memory_space<vmem_shared>> -> memref<32x16xf32, #tpu.memory_space<vmem_shared>>
      tpu.enqueue_indirect_dma source(%arg9 : memref<32x16xf32, #tpu.memory_space<vmem>>) target(%dma_start3A_456 : memref<32x16xf32, #tpu.memory_space<vmem_shared>>) offsets(%arg10 : memref<32xi32, #tpu.memory_space<vmem>>) semaphore(%run_scoped3A : memref<!tpu.dma_semaphore, #tpu.memory_space<semaphore_mem>>) {add = true}
      %dma_wait3A_457 = arith.constant 0 : i32
      %dma_wait3A_458 = arith.constant 0 : i32
      %dma_wait3A_459 = tpu.memref_slice %arg12[%dma_wait3A_457, %dma_wait3A_458] : memref<32x16xf32, #tpu.memory_space<vmem_shared>> -> memref<32x16xf32, #tpu.memory_space<vmem_shared>>
      tpu.wait_indirect_dma semaphore(%run_scoped3A : memref<!tpu.dma_semaphore, #tpu.memory_space<semaphore_mem>>) src(%arg9 : memref<32x16xf32, #tpu.memory_space<vmem>>) dst(%dma_wait3A_459 : memref<32x16xf32, #tpu.memory_space<vmem_shared>>)
      tpu.yield
    }) : () -> ()
    %barrier3A_448 = arith.constant 0 : index
    tpu.barrier barrier_id(%barrier3A_448)
    %eq3A_449 = arith.constant 0 : i32
    %eq3A_450 = arith.cmpi eq, %arg1, %eq3A_449 : i32
    %convert_element_type3A_451 = arith.extui %eq3A_450 : i1 to i32
    %cond3A_452 = arith.constant 0 : i32
    %cond3A_453 = arith.cmpi ne, %convert_element_type3A_451, %cond3A_452 : i32
    scf.if %cond3A_453 {
      "tpu.region"() ({
        %run_scoped3A = tpu.sem_alloc : memref<!tpu.dma_semaphore, #tpu.memory_space<semaphore_mem>>
        %dma_start3A_454 = arith.constant 0 : i32
        %dma_start3A_455 = arith.constant 0 : i32
        %dma_start3A_456 = tpu.memref_slice %arg4[%arg0, %dma_start3A_454, %dma_start3A_455] : memref<2x32x128xf32, #tpu.memory_space<hbm>> -> memref<1x32x128xf32, #tpu.memory_space<hbm>>
        %dma_start3A_457 = tpu.memref_squeeze %dma_start3A_456 : memref<1x32x128xf32, #tpu.memory_space<hbm>> -> memref<32x128xf32, #tpu.memory_space<hbm>>
        tpu.enqueue_dma source(%arg11 : memref<32x128xf32, #tpu.memory_space<vmem_shared>>) target(%dma_start3A_457 : memref<32x128xf32, #tpu.memory_space<hbm>>) target_semaphore(%run_scoped3A : memref<!tpu.dma_semaphore, #tpu.memory_space<semaphore_mem>>)
        %dma_wait3A_458 = arith.constant 0 : i32
        %dma_wait3A_459 = arith.constant 0 : i32
        %dma_wait3A_460 = tpu.memref_slice %arg4[%arg0, %dma_wait3A_458, %dma_wait3A_459] : memref<2x32x128xf32, #tpu.memory_space<hbm>> -> memref<1x32x128xf32, #tpu.memory_space<hbm>>
        %dma_wait3A_461 = tpu.memref_squeeze %dma_wait3A_460 : memref<1x32x128xf32, #tpu.memory_space<hbm>> -> memref<32x128xf32, #tpu.memory_space<hbm>>
        tpu.wait_dma2 semaphore(%run_scoped3A : memref<!tpu.dma_semaphore, #tpu.memory_space<semaphore_mem>>) src(%arg11 : memref<32x128xf32, #tpu.memory_space<vmem_shared>>) dst(%dma_wait3A_461 : memref<32x128xf32, #tpu.memory_space<hbm>>)
        tpu.yield
      }) : () -> ()
      "tpu.region"() ({
        %run_scoped3A = tpu.sem_alloc : memref<!tpu.dma_semaphore, #tpu.memory_space<semaphore_mem>>
        %dma_start3A_454 = arith.constant 0 : i32
        %dma_start3A_455 = arith.constant 0 : i32
        %dma_start3A_456 = tpu.memref_slice %arg5[%arg0, %dma_start3A_454, %dma_start3A_455] : memref<2x32x16xf32, #tpu.memory_space<hbm>> -> memref<1x32x16xf32, #tpu.memory_space<hbm>>
        %dma_start3A_457 = tpu.memref_squeeze %dma_start3A_456 : memref<1x32x16xf32, #tpu.memory_space<hbm>> -> memref<32x16xf32, #tpu.memory_space<hbm>>
        tpu.enqueue_dma source(%arg12 : memref<32x16xf32, #tpu.memory_space<vmem_shared>>) target(%dma_start3A_457 : memref<32x16xf32, #tpu.memory_space<hbm>>) target_semaphore(%run_scoped3A : memref<!tpu.dma_semaphore, #tpu.memory_space<semaphore_mem>>)
        %dma_wait3A_458 = arith.constant 0 : i32
        %dma_wait3A_459 = arith.constant 0 : i32
        %dma_wait3A_460 = tpu.memref_slice %arg5[%arg0, %dma_wait3A_458, %dma_wait3A_459] : memref<2x32x16xf32, #tpu.memory_space<hbm>> -> memref<1x32x16xf32, #tpu.memory_space<hbm>>
        %dma_wait3A_461 = tpu.memref_squeeze %dma_wait3A_460 : memref<1x32x16xf32, #tpu.memory_space<hbm>> -> memref<32x16xf32, #tpu.memory_space<hbm>>
        tpu.wait_dma2 semaphore(%run_scoped3A : memref<!tpu.dma_semaphore, #tpu.memory_space<semaphore_mem>>) src(%arg12 : memref<32x16xf32, #tpu.memory_space<vmem_shared>>) dst(%dma_wait3A_461 : memref<32x16xf32, #tpu.memory_space<hbm>>)
        tpu.yield
      }) : () -> ()
    } else {
    }
    return
  }
}

module attributes {stable_mosaic.version = 14 : i64} {
  func.func @_combine_body(%arg0: memref<2x32x128xf32, #tpu.memory_space<vmem>>, %arg1: memref<2x32x16xf32, #tpu.memory_space<vmem>>, %arg2: memref<32x128xf32, #tpu.memory_space<vmem>>) attributes {dimension_semantics = [], scalar_prefetch = 0 : i64, scratch_operands = 0 : i64, tpu.core_type = #tpu.core_type<tc>} {
    %get3A = arith.constant 0 : index
    %get3A_0 = arith.constant 0 : index
    %get3A_1 = arith.constant 0 : index
    %get3A_2 = vector.load %arg0[%get3A, %get3A_0, %get3A_1] : memref<2x32x128xf32, #tpu.memory_space<vmem>>, vector<1x32x128xf32>
    %get3A_3 = vector.shape_cast %get3A_2 : vector<1x32x128xf32> to vector<32x128xf32>
    %get3A_4 = arith.constant 1 : index
    %get3A_5 = arith.constant 0 : index
    %get3A_6 = arith.constant 0 : index
    %get3A_7 = vector.load %arg0[%get3A_4, %get3A_5, %get3A_6] : memref<2x32x128xf32, #tpu.memory_space<vmem>>, vector<1x32x128xf32>
    %get3A_8 = vector.shape_cast %get3A_7 : vector<1x32x128xf32> to vector<32x128xf32>
    %add3A = arith.addf %get3A_3, %get3A_8 : vector<32x128xf32>
    %get3A_9 = arith.constant 0 : index
    %get3A_10 = arith.constant 0 : index
    %get3A_11 = arith.constant 0 : index
    %get3A_12 = vector.load %arg1[%get3A_9, %get3A_10, %get3A_11] : memref<2x32x16xf32, #tpu.memory_space<vmem>>, vector<1x32x16xf32>
    %get3A_13 = vector.shape_cast %get3A_12 : vector<1x32x16xf32> to vector<32x16xf32>
    %get3A_14 = arith.constant 1 : index
    %get3A_15 = arith.constant 0 : index
    %get3A_16 = arith.constant 0 : index
    %get3A_17 = vector.load %arg1[%get3A_14, %get3A_15, %get3A_16] : memref<2x32x16xf32, #tpu.memory_space<vmem>>, vector<1x32x16xf32>
    %get3A_18 = vector.shape_cast %get3A_17 : vector<1x32x16xf32> to vector<32x16xf32>
    %add3A_19 = arith.addf %get3A_13, %get3A_18 : vector<32x16xf32>
    %reduce_sum3A = arith.constant dense<0.000000e+00> : vector<32xf32>
    %reduce_sum3A_20 = vector.multi_reduction <add>, %add3A_19, %reduce_sum3A [1] : vector<32x16xf32> to vector<32xf32>
    %broadcast_in_dim3A = vector.shape_cast %reduce_sum3A_20 : vector<32xf32> to vector<32x1xf32>
    %max3A = arith.constant 1.000000e+00 : f32
    %max3A_21 = vector.broadcast %max3A : f32 to vector<32x1xf32>
    %max3A_22 = arith.maximumf %broadcast_in_dim3A, %max3A_21 : vector<32x1xf32>
    %div3A = vector.broadcast %max3A_22 : vector<32x1xf32> to vector<32x128xf32>
    %div3A_23 = arith.divf %add3A, %div3A : vector<32x128xf32>
    %swap3A = arith.constant 0 : index
    %swap3A_24 = arith.constant 0 : index
    %swap3A_25 = vector.load %arg2[%swap3A, %swap3A_24] : memref<32x128xf32, #tpu.memory_space<vmem>>, vector<32x128xf32>
    tpu.vector_store %arg2[%swap3A, %swap3A_24], %div3A_23 {strides = array<i32>} : memref<32x128xf32, #tpu.memory_space<vmem>>, vector<32x128xf32>,
    return
  }
}

</mosaic_0001>

<sc_bundles>
// kernel: kernel.4.cloned.1.call-start
scs
__scs_entry_jumppad:
0x0: {  	(pc) =	sbr.rel $0x88, $3  }
0x1: {  	(tag) =	ssettag $0x0;
	lr =	simm.s32 $0x1  }
0x2: {  	[smem:$0x3F9F] =	sst lr;
	_ =	strace $0xD0000000  }
0x3: {  	_ = 	snop  }
0x4: {  	_ = 	snop  }
0x5: {  	_ = 	snop  }
0x6: {  	_ = 	snop  }
0x7: {  	_ = 	snop  }
__scs_overlays_trampoline_lowered:
0x8: {  	[smem:$0x3FAE] =	sst s0  }
0x9: {  	[smem:$0x3FAF] =	sst s1  }
0xa: {  	[smem:$0x3FB0] =	sst s2  }
0xb: {  	[smem:$0x3FB1] =	sst s3  }
0xc: {  	[smem:$0x3FB2] =	sst s4  }
0xd: {  	[smem:$0x3FB3] =	sst s5  }
0xe: {  	[smem:$0x3FB4] =	sst s6  }
0xf: {  	[smem:$0x3FB5] =	sst s7  }
0x10: {  	[smem:$0x3FB6] =	sst s8  }
0x11: {  	[smem:$0x3FB7] =	sst s9;
	s0 =	simm.s32 @!p0 $0x0  }
0x12: {  	s1 =	sld [smem:$0x3F9D];
	s0 =	simm.s32 @p0 $0x1  }
0x13: {  	[smem:$0x3FB8] =	sst s0;
	s0 =	simm.s32 @!p1 $0x0  }
0x14: {  	s2 =	sld [smem:$0x3F9C];
	s0 =	simm.s32 @p1 $0x1  }
0x15: {  	[smem:$0x3FB9] =	sst s0;
	s0 =	simm.s32 @!p2 $0x0  }
0x16: {  	s3 =	sld [smem:$0x3FDB];
	s0 =	simm.s32 @p2 $0x1  }
0x17: {  	s4 =	simm.s32 $0x1BF5;
	[smem:$0x3FBB] =	sst s0  }
0x18: {  	s0 =	sld [smem:$0x3F9E];
	_ =	swait.ge [sflag:s4], $0x0  }
0x19: {  	s7 =	sld [smem:$0x3F9F]  }
0x1a: {  	s8 =	sadd.s32 $0xFFFFE003, lr  }
0x1b: {  	s9 =	sadd.s32 $0xFFFFFEF7, lr;
	s5 =	simm.s32 $0xFFFFFFFF;
	p2 =	slt.u32 s8, $0xFFFFF086  }
0x1c: {  	p1 =	slt.u32 s9, $0xF7A;
	s5 =	simm.s32 @!p2 $0x0  }
0x1d: {  	s5 =	simm.s32 @p1 $0x1;
	p0 =	seq.s32 s7, s2  }
0x1e: {  	s7 =	smul.u32 @!p0 $0xF7A, s2;
	p2 =	seq.s32 @!p0 s5, $0x0  }
0x1f: {  	s9 =	smul.u32 $0xF7A, s1;
	s8 =	simm.s32 @!p0 $0x1BF5;
	p2 =	por !p2, p0  }
0x20: {  	[sflag:s8] =	ssyncset.s32 @!p0 $0xFFFFF086;
	s6 =	sadd.s32 @!p0 s3, s7;
	s7 =	simm.s32 @!p0 $0x108  }
0x21: {  	s3 =	sadd.s32 s3, s9;
	s6 =	sadd.s32 @!p0 $0x88, s6;
	s7 =	simm.s32 @p2 $0x1082  }
0x22: {  	[simem:s7], [sflag:s8] =	dma.local @!p0 [hbm:s6], $0xF7A  }
0x23: {  	s9 =	sor.u32 $0xD0000000, s2;
	s6 =	simm.s32 $0x108;
	_ =	swait.ge @!p0 [sflag:s8], $0x0  }
0x24: {  	s3 =	sadd.s32 $0x88, s3;
	s6 =	simm.s32 @!p1 $0x1082;
	[sflag:s4] =	ssyncset.s32 $0xFFFFF086  }
0x25: {  	[simem:s6], [sflag:s4] =	dma.local [hbm:s3], $0xF7A  }
0x26: {  	[smem:$0x3F9F] =	sst s1;
	(tag) =	ssettag s2;
	_ =	strace s9  }
0x27: {  	s1 =	sld [smem:$0x3FAF]  }
0x28: {  	s2 =	sld [smem:$0x3FB0]  }
0x29: {  	s4 =	sld [smem:$0x3FB2]  }
0x2a: {  	p0 =	seq.s32 s5, $0x0;
	s5 =	sld [smem:$0x3FB3]  }
0x2b: {  	s6 =	sld [smem:$0x3FB4]  }
0x2c: {  	s7 =	sld [smem:$0x3FB5]  }
0x2d: {  	s3 =	simm.s32 $0x108;
	s8 =	sld [smem:$0x3FB6]  }
0x2e: {  	s3 =	simm.s32 @!p0 $0x1082;
	s9 =	sld [smem:$0x3FB7]  }
0x2f: {  	lr =	sadd.s32 s0, s3;
	s0 =	sld [smem:$0x3FAE]  }
0x30: {  	s3 =	sld [smem:$0x3FB1]  }
0x31: {  	[smem:$0x3FBA] =	sst s10  }
0x32: {  	s10 =	sld [smem:$0x3FB8];
	_ =	sdelay $0x3  }
0x33: {  	p0 =	seq.s32 s10, $0x1;
	s10 =	sld [smem:$0x3FBA];
	_ =	sdelay $0x3  }
0x34: {  	[smem:$0x3FBA] =	sst s10  }
0x35: {  	s10 =	sld [smem:$0x3FB9];
	_ =	sdelay $0x3  }
0x36: {  	p1 =	seq.s32 s10, $0x1;
	s10 =	sld [smem:$0x3FBA];
	_ =	sdelay $0x3  }
0x37: {  	[smem:$0x3FBA] =	sst s10  }
0x38: {  	s10 =	sld [smem:$0x3FBB]  }
0x39: {  	_ = 	snop;
	(pc) =	sbr.ind lr, $3  }
0x3a: {  	_ = 	snop  }
0x3b: {  	_ = 	snop  }
0x3c: {  	p2 =	seq.s32 s10, $0x1;
	s10 =	sld [smem:$0x3FBA]  }
0x3d: {  	_ =	shalt  }
0x3e: {  	_ =	shalt  }
0x3f: {  	_ =	shalt  }
0x40: {  	_ =	shalt  }
0x41: {  	_ =	shalt  }
0x42: {  	_ =	shalt  }
0x43: {  	_ =	shalt  }
0x44: {  	_ =	shalt  }
0x45: {  	_ =	shalt  }
0x46: {  	_ =	shalt  }
0x47: {  	_ =	shalt  }
0x48: {  	_ =	shalt  }
0x49: {  	_ =	shalt  }
0x4a: {  	_ =	shalt  }
0x4b: {  	_ =	shalt  }
0x4c: {  	_ =	shalt  }
0x4d: {  	_ =	shalt  }
0x4e: {  	_ =	shalt  }
0x4f: {  	_ =	shalt  }
0x50: {  	_ =	shalt  }
0x51: {  	_ =	shalt  }
0x52: {  	_ =	shalt  }
0x53: {  	_ =	shalt  }
0x54: {  	_ =	shalt  }
0x55: {  	_ =	shalt  }
0x56: {  	_ =	shalt  }
0x57: {  	_ =	shalt  }
0x58: {  	_ =	shalt  }
0x59: {  	_ =	shalt  }
0x5a: {  	_ =	shalt  }
0x5b: {  	_ =	shalt  }
0x5c: {  	_ =	shalt  }
0x5d: {  	_ =	shalt  }
0x5e: {  	_ =	shalt  }
0x5f: {  	_ =	shalt  }
0x60: {  	_ =	shalt  }
0x61: {  	_ =	shalt  }
0x62: {  	_ =	shalt  }
0x63: {  	_ =	shalt  }
0x64: {  	_ =	shalt  }
0x65: {  	_ =	shalt  }
0x66: {  	_ =	shalt  }
0x67: {  	_ =	shalt  }
0x68: {  	_ =	shalt  }
0x69: {  	_ =	shalt  }
0x6a: {  	_ =	shalt  }
0x6b: {  	_ =	shalt  }
0x6c: {  	_ =	shalt  }
0x6d: {  	_ =	shalt  }
0x6e: {  	_ =	shalt  }
0x6f: {  	_ =	shalt  }
0x70: {  	_ =	shalt  }
0x71: {  	_ =	shalt  }
0x72: {  	_ =	shalt  }
0x73: {  	_ =	shalt  }
0x74: {  	_ =	shalt  }
0x75: {  	_ =	shalt  }
0x76: {  	_ =	shalt  }
0x77: {  	_ =	shalt  }
0x78: {  	_ =	shalt  }
0x79: {  	_ =	shalt  }
0x7a: {  	_ =	shalt  }
0x7b: {  	_ =	shalt  }
0x7c: {  	_ =	shalt  }
0x7d: {  	_ =	shalt  }
0x7e: {  	_ =	shalt  }
0x7f: {  	_ =	shalt  }
0x80: {  	_ =	shalt  }
0x81: {  	_ =	shalt  }
0x82: {  	_ =	shalt  }
0x83: {  	_ =	shalt  }
0x84: {  	_ =	shalt  }
0x85: {  	_ =	shalt  }
0x86: {  	_ =	shalt  }
0x87: {  	_ =	shalt  }
.Lfunc_end0:
.L_simem_size_0:
called_computation_lowered:
.L_overlay_start_0:
0x88: {  	s2 =	sld [smem:$0x3FD9]  }
0x89: {  	s3 =	sld [smem:$0x3FFE];
	_ =	sdelay $0x1  }
0x8a: {  	s1 =	srdreg.scid  }
0x8b: {  	s0 =	sand.u32 $0x1, s1  }
0x8c: {  	s17 =	sshll.u32 s0, $0xA;
	s2 =	sadd.s32 s3, s2  }
0x8d: {  	s2 =	sadd.s32 s2, s17  }
0x8e: {  	[smem:$0x3FC6] =	sst s2  }
0x8f: {  	_ = 	snop  }
0x90: {  	s2 =	sld [smem:$0x3FC9]  }
0x91: {  	s18 =	sld [smem:$0x3FC8]  }
0x92: {  	s4 =	sld [smem:$0x3FD0];
	(tm) =	ssettm $0x1  }
0x93: {  	s5 =	sld [smem:$0x3FFB];
	_ =	sdelay $0x3  }
0x94: {  	_ =	strace s5  }
0x95: {  	s5 =	sld [smem:$0x3FFC];
	_ =	sdelay $0x3  }
0x96: {  	_ =	strace s5  }
0x97: {  	s5 =	sld [smem:$0x3FFD];
	_ =	sdelay $0x3  }
0x98: {  	_ =	strace s5  }
0x99: {  	_ =	strace $0x8FFFFFFF  }
0x9a: {  	s19 =	sld [smem:$0x3FDB];
	_ =	sdelay $0x1  }
0x9b: {  	s6 =	simm.s32 $_scs_section_size  }
0x9c: {  	s7 =	simm.s32 $_size__tile_overlayer_lowered;
	s8 =	simm.s32 $_tile_overlayer_lowered  }
0x9d: {  	s22 =	simm.s32 $0x1BFF;
	s21 =	sshll.u32 s8, $0x1;
	s5 =	sadd.s32 s6, s19  }
0x9e: {  	s9 =	simm.s32 $0x0;
	s20 =	sshll.u32 s7, $0x1;
	s7 =	sadd.s32 s21, s5  }
0x9f: {  	[timem:s9], [sflag:s22] =	dma.local [hbm:s7], s20  }
0xa0: {  	_ =	swait.ge [sflag:s22], s20  }
0xa1: {  	s6 =	ssub.s32 $0x0, s20;
	[sflag:s22] =	ssyncset.done $0x0  }
0xa2: {  	[sflag:s22] =	ssyncadd.s32 s6;
	_ =	sdelay $0x1  }
0xa3: {  	s23 =	simm.s32 $0x1B8B  }
0xa4: {  	_ =	swait.ge [sflag:s23], $0x1  }
0xa5: {  	[sflag:s23] =	ssyncset.done $0x0  }
0xa6: {  	s25 =	simm.s32 $0x1B8E;
	s24 =	sld [smem:$0x3FFE];
	[sflag:s23] =	ssyncadd.s32 $0xFFFFFFFF  }
0xa7: {  	s26 =	simm.s32 $execute0_lowered;
	[smem:$0x3FD2] =	sst s25  }
0xa8: {  	s7 =	sshll.u32 s26, $0x1;
	_ =	strace $0x80000046;
	[dreg:$0x1] =	wrdreg $0xFFFFFFFF  }
0xa9: {  	s28 =	simm.s32 $_size_execute0_lowered;
	s5 =	sadd.s32 s5, s7;
	[dreg:$0x0] =	wrdreg $0x0  }
0xaa: {  	s7 =	sshll.u32 s28, $0x1;
	[dreg:$0x2] =	wrdreg s5  }
0xab: {  	[dreg:$0x3] =	wrdreg s7  }
0xac: {  	[dreg:$0x4] =	wrdreg $0xC0  }
0xad: {  	_ =	task [dreg:s9], $0x5FFFF  }
0xae: {  	[dreg:$0x1] =	wrdreg $0xFFFFFFFF  }
0xaf: {  	[dreg:$0x0] =	wrdreg $0x60  }
0xb0: {  	[dreg:$0x2] =	wrdreg s2  }
0xb1: {  	[dreg:$0x3] =	wrdreg s18  }
0xb2: {  	[dreg:$0x4] =	wrdreg s24  }
0xb3: {  	[dreg:$0x5] =	wrdreg s4  }
0xb4: {  	[dreg:$0x6] =	wrdreg $0x195200  }
0xb5: {  	[dreg:$0x7] =	wrdreg $0x196200  }
0xb6: {  	[dreg:$0x8] =	wrdreg $0x9  }
0xb7: {  	_ =	task.clear_ibuf [dreg:s9], $0x9FFFF;
	_ =	strace $0x90000046  }
0xb8: {  	s29 =	simm.s32 $0x9;
	_ =	strace $0x80000048  }
0xb9: {  	_ =	swait.ge [sflag:s29], $0x1  }
0xba: {  	[sflag:s29] =	ssyncadd.s32 $0xFFFFFFFF  }
0xbb: {  	_ =	strace $0x90000048  }
0xbc: {  	_ =	sfence  }
0xbd: {  	s30 =	sld [smem:$0x0];
	_ =	sdelay $0x2  }
0xbe: {  	s31 =	sshll.u32 s1, $0xD;
	s1 =	sshrl.u32 s1, $0x2  }
0xbf: {  	s3 =	sand.u32 $0x4000, s31;
	s1 =	sadd.s32 s1, s30  }
0xc0: {  	s0 =	sor.u32 s3, s0;
	s1 =	sshll.u32 s1, $0x11  }
0xc1: {  	s0 =	sor.u32 s1, s0  }
0xc2: {  	s0 =	sadd.s32 $0x8F2B, s0  }
0xc3: {  	[sflag:s0] =	ssyncadd.remote.s32 $0x1  }
0xc4: {  	_ =	sfence.sel $0xFFFF  }
0xc5: {  	[dreg:$0x0] =	wrdreg $0xFFFFFFFF;
	(pc) =	sbr.abs _section_cstart, $3  }
0xc6: {  	[dreg:$0x1] =	wrdreg $0xFFFFFFFF  }
0xc7: {  	_ =	task.clear_ibuf [dreg:s9], $0x2FFFF;
	_ =	strace $0x9FFFFFFF  }
0xc8: {  	(tm) =	ssettm $0x7FFFFFFF  }
0xc9: {  	_ =	shalt  }
tec
execute0_lowered:
.L_overlay_start_1:
0x0: {  	(tag) =	ssettag $0x1  }
0x1: {  	s0 =	rddreg [dreg:$0x0]  }
0x2: {  	s2 =	rddreg [dreg:$0x1]  }
0x3: {  	s1 =	rddreg [dreg:$0x2]  }
0x4: {  	s7 =	rddreg [dreg:$0x3]  }
0x5: {  	s3 =	rddreg [dreg:$0x4]  }
0x6: {  	s4 =	rddreg [dreg:$0x5]  }
0x7: {  	s20 =	stileid.u32;
	s6 =	srdreg.scid  }
0x8: {  	s5 =	simm.s32 $0x0;
	s8 =	smul.u32 $0x4E, s20;
	s18 =	sand.u32 $0x1, s6  }
0x9: {  	s12 =	smax.u32 s20, $0xE;
	[smem:$0x7FF] =	sst s5;
	s31 =	smul.u32 $0x2780, s20  }
0xa: {  	p0 =	sgt.u32 s20, $0xD;
	s21 =	smul.u32 $0x27100, s18;
	_ =	strace $0x80000047  }
0xb: {  	s13 =	ssub.s32 $0x2, s18;
	s9 =	sshll.u32 s18, $0x9;
	s30 =	sshll.u32 s18, $0x6  }
0xc: {  	s6 =	sadd.s32 s8, s12;
	s10 =	sshrl.u32 s13, $0x1;
	s1 =	sadd.s32 s9, s1  }
0xd: {  	s18 =	sadd.s32 s7, s30;
	s30 =	sadd.s32 $0xD0, s4;
	s6 =	sshll.u32 s6, $0x7  }
0xe: {  	[dreg:$0x1b] =	wrdreg s30;
	s30 =	sadd.s32 $0x1E0, s4;
	s12 =	sadd.s32 s21, s6  }
0xf: {  	s19 =	ssub.s32 s13, s10;
	[smem:$0x7FC] =	sst s30;
	s14 =	sadd.s32 $0xFFFFF900, s12  }
0x10: {  	s16 =	sadd.s32 $0xFFFFF980, s12;
	s13 =	sadd.s32 $0xFFFFFA00, s12;
	s15 =	sshll.u32 s14, $0x4  }
0x11: {  	s8 =	sshrl.u32 s14, $0x3;
	s17 =	sshll.u32 s16, $0x4;
	s10 =	sshrl.u32 s16, $0x3  }
0x12: {  	s14 =	sadd.s32 $0xFFFFFA80, s12;
	s16 =	sadd.s32 $0xFFFFFB00, s12;
	s12 =	simm.s32 $0x80  }
0x13: {  	s6 =	simm.s32 $0x4F;
	s9 =	sadd.s32 s0, s15;
	[dreg:$0x7] =	wrdreg s12  }
0x14: {  	s11 =	sshll.u32 s13, $0x4;
	s8 =	sadd.s32 s2, s8;
	[dreg:$0x8] =	wrdreg s9  }
0x15: {  	s13 =	sshrl.u32 s13, $0x3;
	s23 =	sadd.s32 s2, s10;
	[dreg:$0x9] =	wrdreg s8  }
0x16: {  	s6 =	simm.s32 @!p0 $0x4E;
	s25 =	sadd.s32 s2, s13;
	[dreg:$0xb] =	wrdreg s23  }
0x17: {  	p0 =	sne.s32 s20, $0x0;
	s13 =	sadd.s32 $0x40, s4;
	[dreg:$0xd] =	wrdreg s25  }
0x18: {  	s10 =	smin.u32 s20, $0xE;
	s20 =	sadd.s32 $0x50, s4;
	[dreg:$0x12] =	wrdreg s13  }
0x19: {  	s11 =	sand.u32 $0x1FFFF800, s11;
	s12 =	sadd.s32 $0x140, s4;
	[dreg:$0x13] =	wrdreg s20  }
0x1a: {  	s15 =	sshll.u32 s14, $0x4;
	s24 =	sadd.s32 s0, s11;
	[smem:$0x7F2] =	sst s12  }
0x1b: {  	s9 =	sand.u32 $0x1FFFF800, s17;
	s8 =	sadd.s32 $0x10, s4;
	[dreg:$0xc] =	wrdreg s24  }
0x1c: {  	s17 =	sadd.s32 $0xA00, s1;
	s11 =	sadd.s32 $0x30, s4;
	[dreg:$0xf] =	wrdreg s8  }
0x1d: {  	s1 =	sadd.s32 s31, s21;
	s21 =	sadd.s32 $0x60, s4;
	[dreg:$0x11] =	wrdreg s11  }
0x1e: {  	s28 =	sshll.u32 s16, $0x4;
	s23 =	sadd.s32 $0x80, s4;
	[dreg:$0x14] =	wrdreg s21  }
0x1f: {  	s26 =	sand.u32 $0x1FFFF800, s15;
	s25 =	sadd.s32 $0x90, s4;
	[dreg:$0x16] =	wrdreg s23  }
0x20: {  	s15 =	sand.u32 $0x1FFFF800, s28;
	s28 =	sadd.s32 $0xB0, s4;
	[dreg:$0x17] =	wrdreg s25  }
0x21: {  	s31 =	sadd.s32 $0xE0, s4;
	[dreg:$0x19] =	wrdreg s28  }
0x22: {  	s7 =	sshll.u32 s10, $0x7;
	s10 =	sadd.s32 $0x120, s4;
	[dreg:$0x1c] =	wrdreg s31  }
0x23: {  	s13 =	sadd.s32 $0x150, s4;
	[smem:$0x7F0] =	sst s10  }
0x24: {  	s20 =	sadd.s32 $0x160, s4;
	[smem:$0x7F3] =	sst s13  }
0x25: {  	s22 =	sadd.s32 s0, s9;
	[smem:$0x7F4] =	sst s20  }
0x26: {  	s29 =	sadd.s32 s0, s26;
	[dreg:$0xa] =	wrdreg s22  }
0x27: {  	s9 =	sadd.s32 $0x20, s4;
	[dreg:$0xe] =	wrdreg s29  }
0x28: {  	s26 =	sadd.s32 $0xA0, s4;
	[dreg:$0x10] =	wrdreg s9  }
0x29: {  	s1 =	ssub.s32 s1, s7;
	s7 =	sadd.s32 $0xF0, s4;
	[dreg:$0x18] =	wrdreg s26  }
0x2a: {  	s8 =	sadd.s32 $0x100, s4;
	[dreg:$0x1d] =	wrdreg s7  }
0x2b: {  	s11 =	sadd.s32 $0x130, s4;
	[dreg:$0x1e] =	wrdreg s8  }
0x2c: {  	s21 =	sadd.s32 $0x170, s4;
	[smem:$0x7F1] =	sst s11  }
0x2d: {  	s19 =	smax.u32 s19, $0x1;
	s23 =	sadd.s32 $0x190, s4;
	[smem:$0x7F5] =	sst s21  }
0x2e: {  	s14 =	sshrl.u32 s14, $0x3;
	s25 =	sadd.s32 $0x1A0, s4;
	[smem:$0x7F7] =	sst s23  }
0x2f: {  	s16 =	sshrl.u32 s16, $0x3;
	s28 =	sadd.s32 $0x1C0, s4;
	[smem:$0x7F8] =	sst s25  }
0x30: {  	s14 =	sadd.s32 s2, s14;
	s31 =	sadd.s32 $0x1F0, s4;
	[smem:$0x7FA] =	sst s28  }
0x31: {  	s16 =	sadd.s32 s2, s16;
	s22 =	sadd.s32 $0x70, s4;
	[smem:$0x7FD] =	sst s31  }
0x32: {  	s15 =	sadd.s32 s0, s15;
	s29 =	sadd.s32 $0xC0, s4;
	[dreg:$0x15] =	wrdreg s22  }
0x33: {  	s20 =	simm.s32 $0x1;
	s9 =	sadd.s32 $0x110, s4;
	[dreg:$0x1a] =	wrdreg s29  }
0x34: {  	s24 =	sadd.s32 $0x280, s1;
	s26 =	sadd.s32 $0x1B0, s4;
	[dreg:$0x1f] =	wrdreg s9  }
0x35: {  	s1 =	simm.s32 $0x3;
	s22 =	sadd.s32 $0x180, s4;
	[smem:$0x7F9] =	sst s26  }
0x36: {  	v0 =	vlaneseq.u32;
	s21 =	simm.s32 $0x19300;
	s29 =	sadd.s32 $0x1D0, s4;
	[smem:$0x7F6] =	sst s22  }
0x37: {  	v1 =	vimm.f32 $0.0e+00;
	v3 =	vimm.f32 $1.000000000e+00;
	v2 =	vor.u32 $0x10, v0;
	s23 =	sshll.u32 s24, $0x4;
	[smem:$0x7FB] =	sst s29;
	s22 =	simm.s32 $0x2  }
.LBB2_1:
0x38: {  	[tilespmem:$0x19300] =	vst v1  }
0x39: {  	[tilespmem:$0x19310] =	vst v1  }
0x3a: {  	[tilespmem:$0x19320] =	vst v1  }
0x3b: {  	[tilespmem:$0x19330] =	vst v1  }
0x3c: {  	[tilespmem:$0x19340] =	vst v1  }
0x3d: {  	[tilespmem:$0x19350] =	vst v1  }
0x3e: {  	[tilespmem:$0x19360] =	vst v1  }
0x3f: {  	[tilespmem:$0x19370] =	vst v1  }
0x40: {  	[tilespmem:$0x19380] =	vst v1  }
0x41: {  	[tilespmem:$0x19390] =	vst v1  }
0x42: {  	[tilespmem:$0x193A0] =	vst v1  }
0x43: {  	[tilespmem:$0x193B0] =	vst v1  }
0x44: {  	[tilespmem:$0x193C0] =	vst v1  }
0x45: {  	[tilespmem:$0x193D0] =	vst v1  }
0x46: {  	[tilespmem:$0x193E0] =	vst v1  }
0x47: {  	[tilespmem:$0x193F0] =	vst v1  }
0x48: {  	[tilespmem:$0x19400] =	vst v1  }
0x49: {  	[tilespmem:$0x19410] =	vst v1  }
0x4a: {  	[tilespmem:$0x19420] =	vst v1  }
0x4b: {  	[tilespmem:$0x19430] =	vst v1  }
0x4c: {  	[tilespmem:$0x19440] =	vst v1  }
0x4d: {  	[tilespmem:$0x19450] =	vst v1  }
0x4e: {  	[tilespmem:$0x19460] =	vst v1  }
0x4f: {  	[tilespmem:$0x19470] =	vst v1  }
0x50: {  	[tilespmem:$0x19480] =	vst v1  }
0x51: {  	[tilespmem:$0x19490] =	vst v1  }
0x52: {  	[tilespmem:$0x194A0] =	vst v1  }
0x53: {  	[tilespmem:$0x194B0] =	vst v1  }
0x54: {  	[tilespmem:$0x194C0] =	vst v1  }
.Ltmp0:
0x55: {  	[tilespmem:$0x194D0] =	vst v1;
	(pc) =	sbr.rel @p0 .LBB2_3-.Ltmp0, $4  }
0x56: {  	[tilespmem:$0x194E0] =	vst v1  }
0x57: {  	[tilespmem:$0x194F0] =	vst v1  }
0x58: {  	[tilespmem:$0x19500] =	vst v0  }
0x59: {  	[tilespmem:$0x19510] =	vst v2  }
0x5a: {  	[tilespmem:$0x18300] =	vst v1  }
0x5b: {  	[tilespmem:$0x18310] =	vst v1  }
0x5c: {  	[tilespmem:$0x18320] =	vst v1  }
0x5d: {  	[tilespmem:$0x18330] =	vst v1  }
0x5e: {  	[tilespmem:$0x18340] =	vst v1  }
0x5f: {  	[tilespmem:$0x18350] =	vst v1  }
0x60: {  	[tilespmem:$0x18360] =	vst v1  }
0x61: {  	[tilespmem:$0x18370] =	vst v1  }
0x62: {  	[tilespmem:$0x18380] =	vst v1  }
0x63: {  	[tilespmem:$0x18390] =	vst v1  }
0x64: {  	[tilespmem:$0x183A0] =	vst v1  }
0x65: {  	[tilespmem:$0x183B0] =	vst v1  }
0x66: {  	[tilespmem:$0x183C0] =	vst v1  }
0x67: {  	[tilespmem:$0x183D0] =	vst v1  }
0x68: {  	[tilespmem:$0x183E0] =	vst v1  }
0x69: {  	[tilespmem:$0x183F0] =	vst v1  }
0x6a: {  	[tilespmem:$0x18400] =	vst v1  }
0x6b: {  	[tilespmem:$0x18410] =	vst v1  }
0x6c: {  	[tilespmem:$0x18420] =	vst v1  }
0x6d: {  	[tilespmem:$0x18430] =	vst v1  }
0x6e: {  	[tilespmem:$0x18440] =	vst v1  }
0x6f: {  	[tilespmem:$0x18450] =	vst v1  }
0x70: {  	[tilespmem:$0x18460] =	vst v1  }
0x71: {  	[tilespmem:$0x18470] =	vst v1  }
0x72: {  	[tilespmem:$0x18480] =	vst v1  }
0x73: {  	[tilespmem:$0x18490] =	vst v1  }
0x74: {  	[tilespmem:$0x184A0] =	vst v1  }
0x75: {  	[tilespmem:$0x184B0] =	vst v1  }
0x76: {  	[tilespmem:$0x184C0] =	vst v1  }
0x77: {  	[tilespmem:$0x184D0] =	vst v1  }
0x78: {  	[tilespmem:$0x184E0] =	vst v1  }
0x79: {  	[tilespmem:$0x184F0] =	vst v1  }
0x7a: {  	[tilespmem:$0x18500] =	vst v1  }
0x7b: {  	[tilespmem:$0x18510] =	vst v1  }
0x7c: {  	[tilespmem:$0x18520] =	vst v1  }
0x7d: {  	[tilespmem:$0x18530] =	vst v1  }
0x7e: {  	[tilespmem:$0x18540] =	vst v1  }
0x7f: {  	[tilespmem:$0x18550] =	vst v1  }
0x80: {  	[tilespmem:$0x18560] =	vst v1  }
0x81: {  	[tilespmem:$0x18570] =	vst v1  }
0x82: {  	[tilespmem:$0x18580] =	vst v1  }
0x83: {  	[tilespmem:$0x18590] =	vst v1  }
0x84: {  	[tilespmem:$0x185A0] =	vst v1  }
0x85: {  	[tilespmem:$0x185B0] =	vst v1  }
0x86: {  	[tilespmem:$0x185C0] =	vst v1  }
0x87: {  	[tilespmem:$0x185D0] =	vst v1  }
0x88: {  	[tilespmem:$0x185E0] =	vst v1  }
0x89: {  	[tilespmem:$0x185F0] =	vst v1  }
0x8a: {  	[tilespmem:$0x18600] =	vst v1  }
0x8b: {  	[tilespmem:$0x18610] =	vst v1  }
0x8c: {  	[tilespmem:$0x18620] =	vst v1  }
0x8d: {  	[tilespmem:$0x18630] =	vst v1  }
0x8e: {  	[tilespmem:$0x18640] =	vst v1  }
0x8f: {  	[tilespmem:$0x18650] =	vst v1  }
0x90: {  	[tilespmem:$0x18660] =	vst v1  }
0x91: {  	[tilespmem:$0x18670] =	vst v1  }
0x92: {  	[tilespmem:$0x18680] =	vst v1  }
0x93: {  	[tilespmem:$0x18690] =	vst v1  }
0x94: {  	[tilespmem:$0x186A0] =	vst v1  }
0x95: {  	[tilespmem:$0x186B0] =	vst v1  }
0x96: {  	[tilespmem:$0x186C0] =	vst v1  }
0x97: {  	[tilespmem:$0x186D0] =	vst v1  }
0x98: {  	[tilespmem:$0x186E0] =	vst v1  }
0x99: {  	[tilespmem:$0x186F0] =	vst v1  }
0x9a: {  	[tilespmem:$0x18700] =	vst v1  }
0x9b: {  	[tilespmem:$0x18710] =	vst v1  }
0x9c: {  	[tilespmem:$0x18720] =	vst v1  }
0x9d: {  	[tilespmem:$0x18730] =	vst v1  }
0x9e: {  	[tilespmem:$0x18740] =	vst v1  }
0x9f: {  	[tilespmem:$0x18750] =	vst v1  }
0xa0: {  	[tilespmem:$0x18760] =	vst v1  }
0xa1: {  	[tilespmem:$0x18770] =	vst v1  }
0xa2: {  	[tilespmem:$0x18780] =	vst v1  }
0xa3: {  	[tilespmem:$0x18790] =	vst v1  }
0xa4: {  	[tilespmem:$0x187A0] =	vst v1  }
0xa5: {  	[tilespmem:$0x187B0] =	vst v1  }
0xa6: {  	[tilespmem:$0x187C0] =	vst v1  }
0xa7: {  	[tilespmem:$0x187D0] =	vst v1  }
0xa8: {  	[tilespmem:$0x187E0] =	vst v1  }
0xa9: {  	[tilespmem:$0x187F0] =	vst v1  }
0xaa: {  	[tilespmem:$0x18800] =	vst v1  }
0xab: {  	[tilespmem:$0x18810] =	vst v1  }
0xac: {  	[tilespmem:$0x18820] =	vst v1  }
0xad: {  	[tilespmem:$0x18830] =	vst v1  }
0xae: {  	[tilespmem:$0x18840] =	vst v1  }
0xaf: {  	[tilespmem:$0x18850] =	vst v1  }
0xb0: {  	[tilespmem:$0x18860] =	vst v1  }
0xb1: {  	[tilespmem:$0x18870] =	vst v1  }
0xb2: {  	[tilespmem:$0x18880] =	vst v1  }
0xb3: {  	[tilespmem:$0x18890] =	vst v1  }
0xb4: {  	[tilespmem:$0x188A0] =	vst v1  }
0xb5: {  	[tilespmem:$0x188B0] =	vst v1  }
0xb6: {  	[tilespmem:$0x188C0] =	vst v1  }
0xb7: {  	[tilespmem:$0x188D0] =	vst v1  }
0xb8: {  	[tilespmem:$0x188E0] =	vst v1  }
0xb9: {  	[tilespmem:$0x188F0] =	vst v1  }
0xba: {  	[tilespmem:$0x18900] =	vst v1  }
0xbb: {  	[tilespmem:$0x18910] =	vst v1  }
0xbc: {  	[tilespmem:$0x18920] =	vst v1  }
0xbd: {  	[tilespmem:$0x18930] =	vst v1  }
0xbe: {  	[tilespmem:$0x18940] =	vst v1  }
0xbf: {  	[tilespmem:$0x18950] =	vst v1  }
0xc0: {  	[tilespmem:$0x18960] =	vst v1  }
0xc1: {  	[tilespmem:$0x18970] =	vst v1  }
0xc2: {  	[tilespmem:$0x18980] =	vst v1  }
0xc3: {  	[tilespmem:$0x18990] =	vst v1  }
0xc4: {  	[tilespmem:$0x189A0] =	vst v1  }
0xc5: {  	[tilespmem:$0x189B0] =	vst v1  }
0xc6: {  	[tilespmem:$0x189C0] =	vst v1  }
0xc7: {  	[tilespmem:$0x189D0] =	vst v1  }
0xc8: {  	[tilespmem:$0x189E0] =	vst v1  }
0xc9: {  	[tilespmem:$0x189F0] =	vst v1  }
0xca: {  	[tilespmem:$0x18A00] =	vst v1  }
0xcb: {  	[tilespmem:$0x18A10] =	vst v1  }
0xcc: {  	[tilespmem:$0x18A20] =	vst v1  }
0xcd: {  	[tilespmem:$0x18A30] =	vst v1  }
0xce: {  	[tilespmem:$0x18A40] =	vst v1  }
0xcf: {  	[tilespmem:$0x18A50] =	vst v1  }
0xd0: {  	[tilespmem:$0x18A60] =	vst v1  }
0xd1: {  	[tilespmem:$0x18A70] =	vst v1  }
0xd2: {  	[tilespmem:$0x18A80] =	vst v1  }
0xd3: {  	[tilespmem:$0x18A90] =	vst v1  }
0xd4: {  	[tilespmem:$0x18AA0] =	vst v1  }
0xd5: {  	[tilespmem:$0x18AB0] =	vst v1  }
0xd6: {  	[tilespmem:$0x18AC0] =	vst v1  }
0xd7: {  	[tilespmem:$0x18AD0] =	vst v1  }
0xd8: {  	[tilespmem:$0x18AE0] =	vst v1  }
0xd9: {  	[tilespmem:$0x18AF0] =	vst v1  }
0xda: {  	[tilespmem:$0x18B00] =	vst v1  }
0xdb: {  	[tilespmem:$0x18B10] =	vst v1  }
0xdc: {  	[tilespmem:$0x18B20] =	vst v1  }
0xdd: {  	[tilespmem:$0x18B30] =	vst v1  }
0xde: {  	[tilespmem:$0x18B40] =	vst v1  }
0xdf: {  	[tilespmem:$0x18B50] =	vst v1  }
0xe0: {  	[tilespmem:$0x18B60] =	vst v1  }
0xe1: {  	[tilespmem:$0x18B70] =	vst v1  }
0xe2: {  	[tilespmem:$0x18B80] =	vst v1  }
0xe3: {  	[tilespmem:$0x18B90] =	vst v1  }
0xe4: {  	[tilespmem:$0x18BA0] =	vst v1  }
0xe5: {  	[tilespmem:$0x18BB0] =	vst v1  }
0xe6: {  	[tilespmem:$0x18BC0] =	vst v1  }
0xe7: {  	[tilespmem:$0x18BD0] =	vst v1  }
0xe8: {  	[tilespmem:$0x18BE0] =	vst v1  }
0xe9: {  	[tilespmem:$0x18BF0] =	vst v1  }
0xea: {  	[tilespmem:$0x18C00] =	vst v1  }
0xeb: {  	[tilespmem:$0x18C10] =	vst v1  }
0xec: {  	[tilespmem:$0x18C20] =	vst v1  }
0xed: {  	[tilespmem:$0x18C30] =	vst v1  }
0xee: {  	[tilespmem:$0x18C40] =	vst v1  }
0xef: {  	[tilespmem:$0x18C50] =	vst v1  }
0xf0: {  	[tilespmem:$0x18C60] =	vst v1  }
0xf1: {  	[tilespmem:$0x18C70] =	vst v1  }
0xf2: {  	[tilespmem:$0x18C80] =	vst v1  }
0xf3: {  	[tilespmem:$0x18C90] =	vst v1  }
0xf4: {  	[tilespmem:$0x18CA0] =	vst v1  }
0xf5: {  	[tilespmem:$0x18CB0] =	vst v1  }
0xf6: {  	[tilespmem:$0x18CC0] =	vst v1  }
0xf7: {  	[tilespmem:$0x18CD0] =	vst v1  }
0xf8: {  	[tilespmem:$0x18CE0] =	vst v1  }
0xf9: {  	[tilespmem:$0x18CF0] =	vst v1  }
0xfa: {  	[tilespmem:$0x18D00] =	vst v1  }
0xfb: {  	[tilespmem:$0x18D10] =	vst v1  }
0xfc: {  	[tilespmem:$0x18D20] =	vst v1  }
0xfd: {  	[tilespmem:$0x18D30] =	vst v1  }
0xfe: {  	[tilespmem:$0x18D40] =	vst v1  }
0xff: {  	[tilespmem:$0x18D50] =	vst v1  }
0x100: {  	[tilespmem:$0x18D60] =	vst v1  }
0x101: {  	[tilespmem:$0x18D70] =	vst v1  }
0x102: {  	[tilespmem:$0x18D80] =	vst v1  }
0x103: {  	[tilespmem:$0x18D90] =	vst v1  }
0x104: {  	[tilespmem:$0x18DA0] =	vst v1  }
0x105: {  	[tilespmem:$0x18DB0] =	vst v1  }
0x106: {  	[tilespmem:$0x18DC0] =	vst v1  }
0x107: {  	[tilespmem:$0x18DD0] =	vst v1  }
0x108: {  	[tilespmem:$0x18DE0] =	vst v1  }
0x109: {  	[tilespmem:$0x18DF0] =	vst v1  }
0x10a: {  	[tilespmem:$0x18E00] =	vst v1  }
0x10b: {  	[tilespmem:$0x18E10] =	vst v1  }
0x10c: {  	[tilespmem:$0x18E20] =	vst v1  }
0x10d: {  	[tilespmem:$0x18E30] =	vst v1  }
0x10e: {  	[tilespmem:$0x18E40] =	vst v1  }
0x10f: {  	[tilespmem:$0x18E50] =	vst v1  }
0x110: {  	[tilespmem:$0x18E60] =	vst v1  }
0x111: {  	[tilespmem:$0x18E70] =	vst v1  }
0x112: {  	[tilespmem:$0x18E80] =	vst v1  }
0x113: {  	[tilespmem:$0x18E90] =	vst v1  }
0x114: {  	[tilespmem:$0x18EA0] =	vst v1  }
0x115: {  	[tilespmem:$0x18EB0] =	vst v1  }
0x116: {  	[tilespmem:$0x18EC0] =	vst v1  }
0x117: {  	[tilespmem:$0x18ED0] =	vst v1  }
0x118: {  	[tilespmem:$0x18EE0] =	vst v1  }
0x119: {  	[tilespmem:$0x18EF0] =	vst v1  }
0x11a: {  	[tilespmem:$0x18F00] =	vst v1  }
0x11b: {  	[tilespmem:$0x18F10] =	vst v1  }
0x11c: {  	[tilespmem:$0x18F20] =	vst v1  }
0x11d: {  	[tilespmem:$0x18F30] =	vst v1  }
0x11e: {  	[tilespmem:$0x18F40] =	vst v1  }
0x11f: {  	[tilespmem:$0x18F50] =	vst v1  }
0x120: {  	[tilespmem:$0x18F60] =	vst v1  }
0x121: {  	[tilespmem:$0x18F70] =	vst v1  }
0x122: {  	[tilespmem:$0x18F80] =	vst v1  }
0x123: {  	[tilespmem:$0x18F90] =	vst v1  }
0x124: {  	[tilespmem:$0x18FA0] =	vst v1  }
0x125: {  	[tilespmem:$0x18FB0] =	vst v1  }
0x126: {  	[tilespmem:$0x18FC0] =	vst v1  }
0x127: {  	[tilespmem:$0x18FD0] =	vst v1  }
0x128: {  	[tilespmem:$0x18FE0] =	vst v1  }
0x129: {  	[tilespmem:$0x18FF0] =	vst v1  }
0x12a: {  	[tilespmem:$0x19000] =	vst v1  }
0x12b: {  	[tilespmem:$0x19010] =	vst v1  }
0x12c: {  	[tilespmem:$0x19020] =	vst v1  }
0x12d: {  	[tilespmem:$0x19030] =	vst v1  }
0x12e: {  	[tilespmem:$0x19040] =	vst v1  }
0x12f: {  	[tilespmem:$0x19050] =	vst v1  }
0x130: {  	[tilespmem:$0x19060] =	vst v1  }
0x131: {  	[tilespmem:$0x19070] =	vst v1  }
0x132: {  	[tilespmem:$0x19080] =	vst v1  }
0x133: {  	[tilespmem:$0x19090] =	vst v1  }
0x134: {  	[tilespmem:$0x190A0] =	vst v1  }
0x135: {  	[tilespmem:$0x190B0] =	vst v1  }
0x136: {  	[tilespmem:$0x190C0] =	vst v1  }
0x137: {  	[tilespmem:$0x190D0] =	vst v1  }
0x138: {  	[tilespmem:$0x190E0] =	vst v1  }
0x139: {  	[tilespmem:$0x190F0] =	vst v1  }
0x13a: {  	[tilespmem:$0x19100] =	vst v1  }
0x13b: {  	[tilespmem:$0x19110] =	vst v1  }
0x13c: {  	[tilespmem:$0x19120] =	vst v1  }
0x13d: {  	[tilespmem:$0x19130] =	vst v1  }
0x13e: {  	[tilespmem:$0x19140] =	vst v1  }
0x13f: {  	[tilespmem:$0x19150] =	vst v1  }
0x140: {  	[tilespmem:$0x19160] =	vst v1  }
0x141: {  	[tilespmem:$0x19170] =	vst v1  }
0x142: {  	[tilespmem:$0x19180] =	vst v1  }
0x143: {  	[tilespmem:$0x19190] =	vst v1  }
0x144: {  	[tilespmem:$0x191A0] =	vst v1  }
0x145: {  	[tilespmem:$0x191B0] =	vst v1  }
0x146: {  	[tilespmem:$0x191C0] =	vst v1  }
0x147: {  	[tilespmem:$0x191D0] =	vst v1  }
0x148: {  	[tilespmem:$0x191E0] =	vst v1  }
0x149: {  	[tilespmem:$0x191F0] =	vst v1  }
0x14a: {  	[tilespmem:$0x19200] =	vst v1  }
0x14b: {  	[tilespmem:$0x19210] =	vst v1  }
0x14c: {  	[tilespmem:$0x19220] =	vst v1  }
0x14d: {  	[tilespmem:$0x19230] =	vst v1  }
0x14e: {  	[tilespmem:$0x19240] =	vst v1  }
0x14f: {  	[tilespmem:$0x19250] =	vst v1  }
0x150: {  	[tilespmem:$0x19260] =	vst v1  }
0x151: {  	[tilespmem:$0x19270] =	vst v1  }
0x152: {  	[tilespmem:$0x19280] =	vst v1  }
0x153: {  	[tilespmem:$0x19290] =	vst v1  }
0x154: {  	[tilespmem:$0x192A0] =	vst v1  }
0x155: {  	[tilespmem:$0x192B0] =	vst v1  }
0x156: {  	[tilespmem:$0x192C0] =	vst v1  }
0x157: {  	[tilespmem:$0x192D0] =	vst v1  }
0x158: {  	[tilespmem:$0x192E0] =	vst v1  }
0x159: {  	[tilespmem:$0x192F0] =	vst v1;
	s7 =	simm.s32 $0x18300  }
0x15a: {  	[spmem:s3] =	stream.linear.scatter [tilespmem:s7], [sflag:$0x3], $0x1000, $0x38;
	[tilespmem:$0x19640] =	vst v63  }
0x15b: {  	_ =	swait.ge [sflag:s1], $0x1000  }
0x15c: {  	[sflag:s1] =	ssyncset.done $0x0  }
0x15d: {  	s31 =	rddreg [dreg:$0xf];
	[sflag:s1] =	ssyncadd.s32 $0xFFFFF000  }
0x15e: {  	[spmem:s4] =	stream.linear.scatter [tilespmem:s7], [sflag:$0x3], $0x10, $0x38;
	[tilespmem:$0x19640] =	vst v63  }
0x15f: {  	s8 =	simm.s32 $0x18380;
	s10 =	rddreg [dreg:$0x11]  }
0x160: {  	[spmem:s31] =	stream.linear.scatter [tilespmem:s8], [sflag:$0x3], $0x10, $0x38;
	[tilespmem:$0x19640] =	vst v63  }
0x161: {  	s9 =	simm.s32 $0x18400;
	s8 =	rddreg [dreg:$0x10]  }
0x162: {  	[spmem:s8] =	stream.linear.scatter [tilespmem:s9], [sflag:$0x3], $0x10, $0x38;
	[tilespmem:$0x19640] =	vst v63  }
0x163: {  	s11 =	simm.s32 $0x18480;
	s12 =	rddreg [dreg:$0x12]  }
0x164: {  	[spmem:s10] =	stream.linear.scatter [tilespmem:s11], [sflag:$0x3], $0x10, $0x38;
	[tilespmem:$0x19640] =	vst v63  }
0x165: {  	s13 =	simm.s32 $0x18500;
	s25 =	rddreg [dreg:$0x13]  }
0x166: {  	[spmem:s12] =	stream.linear.scatter [tilespmem:s13], [sflag:$0x3], $0x10, $0x38;
	[tilespmem:$0x19640] =	vst v63  }
0x167: {  	s26 =	simm.s32 $0x18580;
	s28 =	rddreg [dreg:$0x14]  }
0x168: {  	[spmem:s25] =	stream.linear.scatter [tilespmem:s26], [sflag:$0x3], $0x10, $0x38;
	[tilespmem:$0x19640] =	vst v63  }
0x169: {  	s29 =	simm.s32 $0x18600;
	s30 =	rddreg [dreg:$0x15]  }
0x16a: {  	[spmem:s28] =	stream.linear.scatter [tilespmem:s29], [sflag:$0x3], $0x10, $0x38;
	[tilespmem:$0x19640] =	vst v63  }
0x16b: {  	s31 =	simm.s32 $0x18680;
	s8 =	rddreg [dreg:$0x16]  }
0x16c: {  	[spmem:s30] =	stream.linear.scatter [tilespmem:s31], [sflag:$0x3], $0x10, $0x38;
	[tilespmem:$0x19640] =	vst v63  }
0x16d: {  	s9 =	simm.s32 $0x18700;
	s10 =	rddreg [dreg:$0x17]  }
0x16e: {  	[spmem:s8] =	stream.linear.scatter [tilespmem:s9], [sflag:$0x3], $0x10, $0x38;
	[tilespmem:$0x19640] =	vst v63  }
0x16f: {  	s11 =	simm.s32 $0x18780;
	s12 =	rddreg [dreg:$0x18]  }
0x170: {  	[spmem:s10] =	stream.linear.scatter [tilespmem:s11], [sflag:$0x3], $0x10, $0x38;
	[tilespmem:$0x19640] =	vst v63  }
0x171: {  	s13 =	simm.s32 $0x18800;
	s25 =	rddreg [dreg:$0x19]  }
0x172: {  	[spmem:s12] =	stream.linear.scatter [tilespmem:s13], [sflag:$0x3], $0x10, $0x38;
	[tilespmem:$0x19640] =	vst v63  }
0x173: {  	s26 =	simm.s32 $0x18880;
	s28 =	rddreg [dreg:$0x1a]  }
0x174: {  	[spmem:s25] =	stream.linear.scatter [tilespmem:s26], [sflag:$0x3], $0x10, $0x38;
	[tilespmem:$0x19640] =	vst v63  }
0x175: {  	s29 =	simm.s32 $0x18900;
	s30 =	rddreg [dreg:$0x1b]  }
0x176: {  	[spmem:s28] =	stream.linear.scatter [tilespmem:s29], [sflag:$0x3], $0x10, $0x38;
	[tilespmem:$0x19640] =	vst v63  }
0x177: {  	s31 =	simm.s32 $0x18980;
	s8 =	rddreg [dreg:$0x1c]  }
0x178: {  	[spmem:s30] =	stream.linear.scatter [tilespmem:s31], [sflag:$0x3], $0x10, $0x38;
	[tilespmem:$0x19640] =	vst v63  }
0x179: {  	s9 =	simm.s32 $0x18A00;
	s10 =	rddreg [dreg:$0x1d]  }
0x17a: {  	[spmem:s8] =	stream.linear.scatter [tilespmem:s9], [sflag:$0x3], $0x10, $0x38;
	[tilespmem:$0x19640] =	vst v63  }
0x17b: {  	s11 =	simm.s32 $0x18A80;
	s12 =	rddreg [dreg:$0x1e]  }
0x17c: {  	[spmem:s10] =	stream.linear.scatter [tilespmem:s11], [sflag:$0x3], $0x10, $0x38;
	[tilespmem:$0x19640] =	vst v63  }
0x17d: {  	s13 =	simm.s32 $0x18B00;
	s25 =	rddreg [dreg:$0x1f]  }
0x17e: {  	[spmem:s12] =	stream.linear.scatter [tilespmem:s13], [sflag:$0x3], $0x10, $0x38;
	[tilespmem:$0x19640] =	vst v63  }
0x17f: {  	s26 =	simm.s32 $0x18B80;
	s28 =	sld [smem:$0x7F0]  }
0x180: {  	[spmem:s25] =	stream.linear.scatter [tilespmem:s26], [sflag:$0x3], $0x10, $0x38;
	[tilespmem:$0x19640] =	vst v63  }
0x181: {  	s29 =	simm.s32 $0x18C00;
	s30 =	sld [smem:$0x7F1]  }
0x182: {  	[spmem:s28] =	stream.linear.scatter [tilespmem:s29], [sflag:$0x3], $0x10, $0x38;
	[tilespmem:$0x19640] =	vst v63  }
0x183: {  	s31 =	simm.s32 $0x18C80;
	s8 =	sld [smem:$0x7F2]  }
0x184: {  	[spmem:s30] =	stream.linear.scatter [tilespmem:s31], [sflag:$0x3], $0x10, $0x38;
	[tilespmem:$0x19640] =	vst v63  }
0x185: {  	s9 =	simm.s32 $0x18D00;
	s10 =	sld [smem:$0x7F3]  }
0x186: {  	[spmem:s8] =	stream.linear.scatter [tilespmem:s9], [sflag:$0x3], $0x10, $0x38;
	[tilespmem:$0x19640] =	vst v63  }
0x187: {  	s11 =	simm.s32 $0x18D80;
	s12 =	sld [smem:$0x7F4]  }
0x188: {  	[spmem:s10] =	stream.linear.scatter [tilespmem:s11], [sflag:$0x3], $0x10, $0x38;
	[tilespmem:$0x19640] =	vst v63  }
0x189: {  	s13 =	simm.s32 $0x18E00;
	s25 =	sld [smem:$0x7F5]  }
0x18a: {  	[spmem:s12] =	stream.linear.scatter [tilespmem:s13], [sflag:$0x3], $0x10, $0x38;
	[tilespmem:$0x19640] =	vst v63  }
0x18b: {  	s26 =	simm.s32 $0x18E80;
	s28 =	sld [smem:$0x7F6]  }
0x18c: {  	[spmem:s25] =	stream.linear.scatter [tilespmem:s26], [sflag:$0x3], $0x10, $0x38;
	[tilespmem:$0x19640] =	vst v63  }
0x18d: {  	s29 =	simm.s32 $0x18F00;
	s30 =	sld [smem:$0x7F7]  }
0x18e: {  	[spmem:s28] =	stream.linear.scatter [tilespmem:s29], [sflag:$0x3], $0x10, $0x38;
	[tilespmem:$0x19640] =	vst v63  }
0x18f: {  	s31 =	simm.s32 $0x18F80;
	s8 =	sld [smem:$0x7F8]  }
0x190: {  	[spmem:s30] =	stream.linear.scatter [tilespmem:s31], [sflag:$0x3], $0x10, $0x38;
	[tilespmem:$0x19640] =	vst v63  }
0x191: {  	s9 =	simm.s32 $0x19000;
	s10 =	sld [smem:$0x7F9]  }
0x192: {  	[spmem:s8] =	stream.linear.scatter [tilespmem:s9], [sflag:$0x3], $0x10, $0x38;
	[tilespmem:$0x19640] =	vst v63  }
0x193: {  	s11 =	simm.s32 $0x19080;
	s12 =	sld [smem:$0x7FA]  }
0x194: {  	[spmem:s10] =	stream.linear.scatter [tilespmem:s11], [sflag:$0x3], $0x10, $0x38;
	[tilespmem:$0x19640] =	vst v63  }
0x195: {  	s13 =	simm.s32 $0x19100;
	s25 =	sld [smem:$0x7FB]  }
0x196: {  	[spmem:s12] =	stream.linear.scatter [tilespmem:s13], [sflag:$0x3], $0x10, $0x38;
	[tilespmem:$0x19640] =	vst v63  }
0x197: {  	s26 =	simm.s32 $0x19180;
	s28 =	sld [smem:$0x7FC]  }
0x198: {  	[spmem:s25] =	stream.linear.scatter [tilespmem:s26], [sflag:$0x3], $0x10, $0x38;
	[tilespmem:$0x19640] =	vst v63  }
0x199: {  	s29 =	simm.s32 $0x19200;
	s30 =	sld [smem:$0x7FD]  }
0x19a: {  	[spmem:s28] =	stream.linear.scatter [tilespmem:s29], [sflag:$0x3], $0x10, $0x38;
	[tilespmem:$0x19640] =	vst v63  }
0x19b: {  	s31 =	simm.s32 $0x19280  }
0x19c: {  	[spmem:s30] =	stream.linear.scatter [tilespmem:s31], [sflag:$0x3], $0x10, $0x38;
	[tilespmem:$0x19640] =	vst v63  }
0x19d: {  	_ =	swait.ge [sflag:s1], $0x200  }
0x19e: {  	[sflag:s1] =	ssyncset.done $0x0  }
0x19f: {  	[sflag:s1] =	ssyncadd.s32 $0xFFFFFE00  }
.LBB2_3:
0x1a0: {  	[bflag:$0x0] =	sbarrier.arrive $0xFFFF  }
0x1a1: {  	s26 =	simm.s32 $0x0;
	s7 =	rddreg [dreg:$0x8]  }
0x1a2: {  	[tilespmem:s26], [sflag:$0x1] =	stream.linear.gather [hbm4b:s7+s26], $0x4000, $0x38;
	[tilespmem:$0x19640] =	vst v63  }
0x1a3: {  	s8 =	simm.s32 $0x18000;
	s25 =	rddreg [dreg:$0x9]  }
0x1a4: {  	[tilespmem:s8], [sflag:$0x1] =	stream.linear.gather [hbm4b:s25+s26], $0x80, $0x38;
	[tilespmem:$0x19640] =	vst v63  }
0x1a5: {  	s10 =	simm.s32 $0x4000;
	s9 =	rddreg [dreg:$0xa]  }
0x1a6: {  	[tilespmem:s10], [sflag:$0x1] =	stream.linear.gather [hbm4b:s9+s26], $0x4000, $0x38;
	[tilespmem:$0x19640] =	vst v63  }
0x1a7: {  	s12 =	simm.s32 $0x18080;
	s11 =	rddreg [dreg:$0xb]  }
0x1a8: {  	[tilespmem:s12], [sflag:$0x1] =	stream.linear.gather [hbm4b:s11+s26], $0x80, $0x38;
	[tilespmem:$0x19640] =	vst v63  }
0x1a9: {  	s13 =	rddreg [dreg:$0xc];
	s25 =	simm.s32 $0x8000  }
0x1aa: {  	[tilespmem:s25], [sflag:$0x1] =	stream.linear.gather [hbm4b:s13+s26], $0x4000, $0x38;
	[tilespmem:$0x19640] =	vst v63  }
0x1ab: {  	s8 =	rddreg [dreg:$0xd];
	s9 =	simm.s32 $0x18100  }
0x1ac: {  	[tilespmem:s9], [sflag:$0x1] =	stream.linear.gather [hbm4b:s8+s26], $0x80, $0x38;
	[tilespmem:$0x19640] =	vst v63  }
0x1ad: {  	s10 =	rddreg [dreg:$0xe];
	s11 =	simm.s32 $0xC000  }
0x1ae: {  	[tilespmem:s11], [sflag:$0x1] =	stream.linear.gather [hbm4b:s10+s26], $0x4000, $0x38;
	[tilespmem:$0x19640] =	vst v63  }
0x1af: {  	s12 =	simm.s32 $0x18180  }
0x1b0: {  	[tilespmem:s12], [sflag:$0x1] =	stream.linear.gather [hbm4b:s14+s26], $0x80, $0x38;
	[tilespmem:$0x19640] =	vst v63  }
0x1b1: {  	s28 =	simm.s32 $0x14000;
	s13 =	simm.s32 $0x10000  }
0x1b2: {  	[tilespmem:s13], [sflag:$0x1] =	stream.linear.gather [hbm4b:s15+s26], $0x4000, $0x38;
	[tilespmem:$0x19640] =	vst v63  }
0x1b3: {  	s29 =	simm.s32 $0x5;
	s30 =	simm.s32 $0x0;
	s25 =	simm.s32 $0x18200  }
0x1b4: {  	[tilespmem:s25], [sflag:$0x1] =	stream.linear.gather [hbm4b:s16+s26], $0x80, $0x38;
	[tilespmem:$0x19640] =	vst v63  }
0x1b5: {  	s31 =	smov.u32 s23;
	s7 =	simm.s32 $0x0;
	s25 =	smov.u32 s24  }
.LBB2_4:
0x1b6: {  	s8 =	smulhi.u32 $0xAAAAAAAB, s7  }
0x1b7: {  	_ =	swait.ge [sflag:s20], $0x4000  }
0x1b8: {  	[sflag:s20] =	ssyncset.done $0x0;
	s8 =	sshrl.u32 s8, $0x2  }
0x1b9: {  	[sflag:s20] =	ssyncadd.s32 $0xFFFFC000;
	s9 =	smul.u32 $0xFFFFF400, s8  }
0x1ba: {  	_ =	swait.ge [sflag:s20], $0x80  }
0x1bb: {  	s10 =	sshra.s32 s30, $0x2;
	[sflag:s20] =	ssyncset.done $0x0;
	s9 =	sshra.s32 s9, $0x2  }
0x1bc: {  	[sflag:s20] =	ssyncadd.s32 $0xFFFFFF80;
	s9 =	sadd.s32 s10, s9  }
0x1bd: {  	v4 =	vld [tilespmem:s9+$0x18000];
	_ =	sdelay $0x4  }
0x1be: {  	v4 =	vshll.u32 v4, $0x4  }
0x1bf: {  	v4 =	vor.u32 v0, v4;
	_ =	sdelay $0x4  }
0x1c0: {  	s9 =	sadd.s32 $0x18000, s9;
	[tilespmem:v4+s21+$0x0] =	vst.idx.add.f32.msk $0xffff, v3  }
0x1c1: {  	v4 =	vld [tilespmem:s9+$0x10];
	_ =	sdelay $0x4  }
0x1c2: {  	v4 =	vshll.u32 v4, $0x4  }
0x1c3: {  	v4 =	vor.u32 v0, v4;
	_ =	sdelay $0x4  }
0x1c4: {  	[tilespmem:v4+s21+$0x0] =	vst.idx.add.f32.msk $0xffff, v3  }
0x1c5: {  	v4 =	vld [tilespmem:s9+$0x20];
	_ =	sdelay $0x4  }
0x1c6: {  	v4 =	vshll.u32 v4, $0x4  }
0x1c7: {  	v4 =	vor.u32 v0, v4;
	_ =	sdelay $0x4  }
0x1c8: {  	[tilespmem:v4+s21+$0x0] =	vst.idx.add.f32.msk $0xffff, v3  }
0x1c9: {  	v4 =	vld [tilespmem:s9+$0x30];
	_ =	sdelay $0x4  }
0x1ca: {  	v4 =	vshll.u32 v4, $0x4  }
0x1cb: {  	v4 =	vor.u32 v0, v4;
	_ =	sdelay $0x4  }
0x1cc: {  	[tilespmem:v4+s21+$0x0] =	vst.idx.add.f32.msk $0xffff, v3  }
0x1cd: {  	v4 =	vld [tilespmem:s9+$0x40];
	_ =	sdelay $0x4  }
0x1ce: {  	v4 =	vshll.u32 v4, $0x4  }
0x1cf: {  	v4 =	vor.u32 v0, v4;
	_ =	sdelay $0x4  }
0x1d0: {  	[tilespmem:v4+s21+$0x0] =	vst.idx.add.f32.msk $0xffff, v3  }
0x1d1: {  	v4 =	vld [tilespmem:s9+$0x50];
	_ =	sdelay $0x4  }
0x1d2: {  	v4 =	vshll.u32 v4, $0x4  }
0x1d3: {  	v4 =	vor.u32 v0, v4;
	_ =	sdelay $0x4  }
0x1d4: {  	[tilespmem:v4+s21+$0x0] =	vst.idx.add.f32.msk $0xffff, v3  }
0x1d5: {  	v4 =	vld [tilespmem:s9+$0x60];
	_ =	sdelay $0x4  }
0x1d6: {  	v4 =	vshll.u32 v4, $0x4  }
0x1d7: {  	v4 =	vor.u32 v0, v4;
	_ =	sdelay $0x4  }
0x1d8: {  	[tilespmem:v4+s21+$0x0] =	vst.idx.add.f32.msk $0xffff, v3  }
0x1d9: {  	v4 =	vld [tilespmem:s9+$0x70];
	_ =	sdelay $0x4  }
0x1da: {  	v4 =	vshll.u32 v4, $0x4  }
0x1db: {  	v4 =	vor.u32 v0, v4;
	_ =	sdelay $0x2  }
0x1dc: {  	s13 =	smulhi.u32 $0xAAAAAAAB, s29  }
0x1dd: {  	p1 =	seq.s32 s30, $0x0  }
0x1de: {  	s12 =	simm.s32 @!p1 $0x2;
	s10 =	sshrl.u32 s13, $0x2;
	[tilespmem:v4+s21+$0x0] =	vst.idx.add.f32.msk $0xffff, v3  }
0x1df: {  	s11 =	smul.u32 $0xFFFA0000, s10;
	_ =	swait.ge @!p1 [sflag:s12], $0x4000  }
0x1e0: {  	s13 =	sadd.s32 $0x5, s7;
	s10 =	smul.u32 $0xFFFFF400, s10;
	[sflag:s12] =	ssyncset.done @!p1 $0x0  }
0x1e1: {  	s8 =	smul.u32 $0xFFFA0000, s8;
	[sflag:s12] =	ssyncadd.s32 @!p1 $0xFFFFC000;
	p1 =	sge.u32 s13, s6  }
0x1e2: {  	s11 =	sshra.s32 s11, $0x2;
	s10 =	sshra.s32 s10, $0x2;
	s12 =	sand.u32 @!p1 $0x1FFFF800, s31  }
0x1e3: {  	s11 =	sadd.s32 s11, s28;
	s13 =	simm.s32 @!p1 $0x0;
	s12 =	sadd.s32 @!p1 s0, s12  }
0x1e4: {  	[tilespmem:s11], [sflag:$0x1] =	stream.linear.gather @!p1 [hbm4b:s12+s13], $0x4000, $0x38;
	[tilespmem:$0x19640] =	vst v63  }
0x1e5: {  	s10 =	sadd.s32 $0x18280, s10;
	s11 =	sshra.s32 @!p1 s30, $0x2;
	s12 =	sshrl.u32 @!p1 s25, $0x3  }
0x1e6: {  	s7 =	sadd.s32 $0x1, s7;
	s10 =	sadd.s32 @!p1 s11, s10;
	s11 =	sadd.s32 @!p1 s2, s12  }
0x1e7: {  	[tilespmem:s10], [sflag:$0x1] =	stream.linear.gather @!p1 [hbm4b:s11+s13], $0x80, $0x38;
	[tilespmem:$0x19640] =	vst v63  }
0x1e8: {  	p1 =	sne.s32 s7, s6  }
.Ltmp1:
0x1e9: {  	s8 =	sshra.s32 s8, $0x2;
	(pc) =	sbr.rel @p1 .LBB2_4-.Ltmp1, $4  }
0x1ea: {  	s29 =	sadd.s32 $0x1, s29;
	s8 =	sadd.s32 s8, s26  }
0x1eb: {  	s26 =	sadd.s32 $0x4000, s26;
	s28 =	sadd.s32 $0x4000, s28;
	s31 =	sadd.s32 $0x800, s31  }
0x1ec: {  	s25 =	sadd.s32 $0x80, s25;
	s30 =	sadd.s32 $0x200, s30;
	s12 =	rddreg [dreg:$0x7]  }
0x1ed: {  	[spmem:s3] =	stream.indirect.scatter.add.f32 [tilespmem:s8], [sflag:$0x2], $0x80, s9, s12, $0xb8;
	[tilespmem:$0x19640] =	vst v63  }
0x1ee: {  	_ =	swait.ge [sflag:s22], $0x4000  }
0x1ef: {  	[sflag:s22] =	ssyncset.done $0x0  }
0x1f0: {  	s7 =	simm.s32 $0x20;
	s8 =	simm.s32 $0x19500;
	[sflag:s22] =	ssyncadd.s32 $0xFFFFC000  }
0x1f1: {  	[spmem:s4] =	stream.indirect.scatter.add.f32 [tilespmem:s21], [sflag:$0x3], $0x10, s8, s7, $0xb8;
	[tilespmem:$0x19640] =	vst v63  }
0x1f2: {  	_ =	swait.ge [sflag:s1], $0x200  }
0x1f3: {  	[sflag:s1] =	ssyncset.done $0x0  }
0x1f4: {  	[sflag:s1] =	ssyncadd.s32 $0xFFFFFE00  }
0x1f5: {  	s7 =	sshrl.u32 @!p0 s3, $0x3;
	s8 =	simm.s32 @!p0 $0x1C03;
	[bflag:$0x0] =	sbarrier.arrive $0xFFFF  }
0x1f6: {  	[hbm:s17], [sflag:s8] =	dma.local @!p0 [spmem:s7], $0x200  }
0x1f7: {  	s7 =	simm.s32 @!p0 $0x3  }
0x1f8: {  	s5 =	sadd.s32 $0x1, s5;
	_ =	swait.ge @!p0 [sflag:s7], $0x200  }
0x1f9: {  	p1 =	sne.s32 s5, s19;
	[sflag:s7] =	ssyncset.done @!p0 $0x0  }
.Ltmp2:
0x1fa: {  	s9 =	sshrl.u32 @!p0 s4, $0x3;
	[sflag:s7] =	ssyncadd.s32 @!p0 $0xFFFFFE00;
	(pc) =	sbr.rel @p1 .LBB2_1-.Ltmp2, $4  }
0x1fb: {  	[hbm:s18], [sflag:s8] =	dma.local @!p0 [spmem:s9], $0x40  }
0x1fc: {  	_ =	swait.ge @!p0 [sflag:s7], $0x40  }
0x1fd: {  	[sflag:s7] =	ssyncset.done @!p0 $0x0  }
0x1fe: {  	[sflag:s7] =	ssyncadd.s32 @!p0 $0xFFFFFFC0  }
0x1ff: {  	_ =	sfence.sel $0x180000  }
0x200: {  	[bflag:$0x0] =	sbarrier.arrive $0xFFFF  }
0x201: {  	_ =	strace $0x90000047  }
0x202: {  	[bflag:$0x2] =	sbarrier.arrive $0xFFFF  }
0x203: {  	s0 =	rddreg [dreg:$0x6]  }
0x204: {  	s0 =	sadd.s32 @!p0 $0x100000, s0  }
0x205: {  	[sflag:s0] =	ssyncadd.tile.s32 @!p0 $0x1;
	_ =	shalt  }
.Lfunc_end2:
_tile_overlayer_lowered:
.L_overlay_start_2:
0x206: {  	(tag) =	ssettag $0x2  }
0x207: {  	s0 =	rddreg [dreg:$0x0];
	s2 =	stileid.u32  }
0x208: {  	s1 =	rddreg [dreg:$0x1];
	p0 =	sne.s32 s2, $0x0  }
0x209: {  	s3 =	rddreg [dreg:$0x2];
	[bflag:$0x3] =	sbarrier.arrive $0xFFFF;
	s2 =	simm.s32 @!p0 $0x1C03  }
0x20a: {  	[timem:s3], [sflag:s2] =	dma.local @!p0 [hbm:s0], s1  }
0x20b: {  	s0 =	simm.s32 @!p0 $0x3  }
0x20c: {  	_ =	swait.ge @!p0 [sflag:s0], s1  }
0x20d: {  	s1 =	ssub.s32 @!p0 $0x0, s1;
	[sflag:s0] =	ssyncset.done @!p0 $0x0  }
0x20e: {  	[sflag:s0] =	ssyncadd.s32 @!p0 s1  }
0x20f: {  	[bflag:$0x3] =	sbarrier.arrive $0xFFFF  }
0x210: {  	_ =	shalt  }

</sc_bundles>
